<compile_context>
chip_gen: v7x
topology: tpu7x:2x2x1
jax: 0.10.2.dev20260603
libtpu: 0.0.44.dev20260713+nightly
codegen_flags: <defaults>
</compile_context>

<pallas_src>
import functools

import jax
import jax.numpy as jnp
from jax import lax
from jax.experimental import pallas as pl
from jax.experimental.pallas import tpu as pltpu
from jax.experimental.pallas import tpu_sc as plsc

N = 100000
D = 128
NUM_TIME = 20
NUM_LABEL = 16
SPLIT = 15
NSEG = NUM_TIME * NUM_LABEL
STRIDE = D + 32
ACC = NSEG * STRIDE
TBLW = D + 2
TBLN = NSEG * TBLW

NC, NS, L = 2, 16, 16
NW = NC * NS
C = 160
NCHUNK = N // C
CW = C * D
MAXCH = (NCHUNK + NW - 1) // NW

NCH_SC = 325
ROW0 = NCH_SC * C
RTC = 2000
NBLK_TC = (N - ROW0) // RTC
BLK0 = ROW0 // RTC
MAXCH1 = 12

_mesh = plsc.VectorSubcoreMesh(
    core_axis_name="c", subcore_axis_name="s", num_cores=NC, num_subcores=NS)
_sc_params = pltpu.CompilerParams(needs_layout_passes=False)


def _lane():
    return lax.iota(jnp.int32, L)


@functools.partial(
    pl.kernel,
    out_type=jax.ShapeDtypeStruct((NW, ACC), jnp.float32),
    mesh=_mesh,
    scratch_types=[
        pltpu.VMEM((CW,), jnp.float32),
        pltpu.VMEM((CW,), jnp.float32),
        pltpu.VMEM((C,), jnp.int32),
        pltpu.VMEM((C,), jnp.int32),
        pltpu.VMEM((C,), jnp.int32),
        pltpu.VMEM((C,), jnp.int32),
        pltpu.VMEM((ACC,), jnp.float32),
        pltpu.VMEM((C,), jnp.int32),
        pltpu.SemaphoreType.DMA,
        pltpu.SemaphoreType.DMA,
    ],
    compiler_params=_sc_params,
)
def _pass1(x_hbm, labels_hbm, times_hbm, out_hbm,
           xb0, xb1, lb0, lb1, tb0, tb1, acc, segb, si0, si1):
    wid = lax.axis_index("s") * NC + lax.axis_index("c")
    lane = _lane()
    ones = jnp.ones((L,), jnp.float32)

    def fire_in(j, xb, lb, tb, sem):
        pltpu.async_copy(x_hbm.at[pl.ds(j * CW, CW)], xb, sem)
        pltpu.async_copy(labels_hbm.at[pl.ds(j * C, C)], lb, sem)
        pltpu.async_copy(times_hbm.at[pl.ds(j * C, C)], tb, sem)

    def wait_in(j, xb, lb, tb, sem):
        pltpu.make_async_copy(x_hbm.at[pl.ds(j * CW, CW)], xb, sem).wait()
        pltpu.make_async_copy(labels_hbm.at[pl.ds(j * C, C)], lb, sem).wait()
        pltpu.make_async_copy(times_hbm.at[pl.ds(j * C, C)], tb, sem).wait()

    def compute(xb, lb, tb):
        def seg_body(g, _):
            lv = lb[pl.ds(g * L, L)]
            tv = tb[pl.ds(g * L, L)]
            segb[pl.ds(g * L, L)] = tv * NUM_LABEL + lv
            return 0
        lax.fori_loop(0, C // L, seg_body, 0)

        @plsc.parallel_loop(0, C, unroll=2)
        def row_body(r):
            rv = jnp.broadcast_to(r, (L,))
            fb = plsc.load_gather(segb, [rv]) * STRIDE
            base = r * D
            sq = jnp.zeros((L,), jnp.float32)
            for k in range(D // L):
                xv = xb[pl.ds(base + k * L, L)]
                plsc.addupdate_scatter(acc, [fb + (k * L) + lane], xv)
                sq = sq + xv * xv
            plsc.addupdate_scatter(acc, [fb + D + lane], sq)
            plsc.addupdate_scatter(acc, [fb + (D + L) + lane], ones)

    fire_in(wid, xb0, lb0, tb0, si0)

    def zero_body(i, _):
        acc[pl.ds(i * L, L)] = jnp.zeros((L,), jnp.float32)
        return 0
    lax.fori_loop(0, ACC // L, zero_body, 0)

    def chunk_pair(i, _):
        j0 = wid + (2 * i) * NW
        j1 = j0 + NW
        jn = j0 + 2 * NW

        @pl.when(j1 < NCH_SC)
        def _():
            fire_in(j1, xb1, lb1, tb1, si1)

        @pl.when(j0 < NCH_SC)
        def _():
            wait_in(j0, xb0, lb0, tb0, si0)
            compute(xb0, lb0, tb0)

        @pl.when(jn < NCH_SC)
        def _():
            fire_in(jn, xb0, lb0, tb0, si0)

        @pl.when(j1 < NCH_SC)
        def _():
            wait_in(j1, xb1, lb1, tb1, si1)
            compute(xb1, lb1, tb1)
        return 0
    lax.fori_loop(0, MAXCH1 // 2, chunk_pair, 0)

    pltpu.sync_copy(acc, out_hbm.at[wid])



def _p1tc_body(x_ref, lab_ref, tim_ref, out_ref):
    f32 = jnp.float32
    i = pl.program_id(0)
    xb = x_ref[...]
    seg = tim_ref[0, 0, :] * NUM_LABEL + lab_ref[0, 0, :]
    onehot_t = (lax.broadcasted_iota(jnp.int32, (NSEG, RTC), 0)
                == seg[None, :]).astype(f32)
    rowsq = jnp.sum(xb * xb, axis=1, keepdims=True)
    payload = jnp.concatenate(
        [xb, rowsq, jnp.zeros((RTC, L - 1), f32),
         jnp.ones((RTC, 1), f32), jnp.zeros((RTC, L - 1), f32)], axis=1)
    part = jnp.dot(onehot_t, payload, preferred_element_type=f32)

    @pl.when(i == 0)
    def _():
        out_ref[...] = part

    @pl.when(i > 0)
    def _():
        out_ref[...] += part


_pass1_tc = pl.pallas_call(
    _p1tc_body,
    grid=(NBLK_TC,),
    in_specs=[
        pl.BlockSpec((RTC, D), lambda i: (BLK0 + i, 0)),
        pl.BlockSpec((1, 1, RTC), lambda i: (BLK0 + i, 0, 0)),
        pl.BlockSpec((1, 1, RTC), lambda i: (BLK0 + i, 0, 0)),
    ],
    out_specs=pl.BlockSpec((NSEG, STRIDE), lambda i: (0, 0)),
    out_shape=jax.ShapeDtypeStruct((NSEG, STRIDE), jnp.float32),
)


def _stats_body(p_ref, q_ref, tbl_ref):
    f32 = jnp.float32
    ps = jnp.sum(p_ref[...], axis=0) + q_ref[...]
    sums = ps[:, :D]
    cnt = ps[:, D + L:D + L + 1]
    sumsq = jnp.sum(ps[:, D:D + L], axis=1, keepdims=True)

    seg_t = lax.broadcasted_iota(jnp.int32, (NSEG, 1), 0) // NUM_LABEL
    G = (lax.broadcasted_iota(jnp.int32, (NUM_TIME, NSEG), 1) // NUM_LABEL
         == lax.broadcasted_iota(jnp.int32, (NUM_TIME, NSEG), 0)).astype(f32)
    GT = (lax.broadcasted_iota(jnp.int32, (NSEG, NUM_TIME), 0) // NUM_LABEL
          == lax.broadcasted_iota(jnp.int32, (NSEG, NUM_TIME), 1)).astype(f32)

    time_cnt = jnp.dot(G, cnt, preferred_element_type=f32)
    tsums = jnp.dot(G, sums, preferred_element_type=f32)
    mean = sums / jnp.maximum(1.0, cnt)
    ttm = tsums / jnp.maximum(1.0, time_cnt)
    ttm_seg = jnp.dot(GT, ttm, preferred_element_type=f32)

    diff = mean - ttm_seg
    msq_seg = cnt * jnp.sum(diff * diff, axis=1, keepdims=True)
    rsq_seg = (sumsq - 2.0 * jnp.sum(mean * sums, axis=1, keepdims=True)
               + cnt * jnp.sum(mean * mean, axis=1, keepdims=True))
    msq_t = jnp.dot(G, msq_seg, preferred_element_type=f32)
    rsq_t = jnp.dot(G, rsq_seg, preferred_element_type=f32)

    testm = (seg_t >= SPLIT).astype(f32)
    test_cnt = jnp.sum(testm * cnt)
    test_sum = jnp.sum(sums * testm, axis=0, keepdims=True)
    test_sumsq = jnp.sum(sumsq * testm)
    test_mean = test_sum / jnp.maximum(1.0, test_cnt)
    test_var = (test_sumsq - 2.0 * jnp.sum(test_mean * test_sum)
                + test_cnt * jnp.sum(test_mean * test_mean)
                ) / jnp.maximum(1.0, test_cnt - 1.0)

    t_iota = lax.broadcasted_iota(jnp.int32, (NUM_TIME, 1), 0)
    tmask = t_iota < SPLIT
    denom = jnp.maximum(1.0, time_cnt - 1.0)
    msq = jnp.where(tmask, msq_t / denom, msq_t)
    rsq = jnp.where(tmask, rsq_t / denom, rsq_t)
    alpha_sq = (test_var - msq) / jnp.maximum(1e-06, rsq)
    alpha = jnp.where(alpha_sq > 0,
                      jnp.sqrt(jnp.where(alpha_sq > 0, alpha_sq, 1.0)), 0.0)

    alpha_seg = jnp.dot(GT, alpha, preferred_element_type=f32)
    train_seg = seg_t < SPLIT
    A = jnp.where(train_seg, alpha_seg, 1.0)
    B = jnp.where(train_seg, (1.0 - alpha_seg) * mean, 0.0)
    tbl_ref[...] = jnp.concatenate(
        [B, A, jnp.zeros((NSEG, TBLW - D - 1), f32)], axis=1)


_stats = pl.pallas_call(
    _stats_body,
    out_shape=jax.ShapeDtypeStruct((NSEG, TBLW), jnp.float32),
)


@functools.partial(
    pl.kernel,
    out_type=jax.ShapeDtypeStruct((N * D,), jnp.float32),
    mesh=_mesh,
    scratch_types=[
        pltpu.VMEM((CW,), jnp.float32),
        pltpu.VMEM((CW,), jnp.float32),
        pltpu.VMEM((C,), jnp.int32),
        pltpu.VMEM((C,), jnp.int32),
        pltpu.VMEM((C,), jnp.int32),
        pltpu.VMEM((C,), jnp.int32),
        pltpu.VMEM((TBLN,), jnp.float32),
        pltpu.VMEM((CW,), jnp.float32),
        pltpu.VMEM((CW,), jnp.float32),
        pltpu.VMEM((C,), jnp.int32),
        pltpu.VMEM((C,), jnp.float32),
        pltpu.SemaphoreType.DMA,
        pltpu.SemaphoreType.DMA,
        pltpu.SemaphoreType.DMA,
        pltpu.SemaphoreType.DMA,
    ],
    compiler_params=_sc_params,
)
def _pass2(x_hbm, labels_hbm, times_hbm, tbl_hbm, out_hbm,
           xb0, xb1, lb0, lb1, tb0, tb1, tblv, ob0, ob1, segb, ab,
           si0, si1, so0, so1):
    wid = lax.axis_index("s") * NC + lax.axis_index("c")
    lane = _lane()

    def fire_in(j, xb, lb, tb, sem):
        pltpu.async_copy(x_hbm.at[pl.ds(j * CW, CW)], xb, sem)
        pltpu.async_copy(labels_hbm.at[pl.ds(j * C, C)], lb, sem)
        pltpu.async_copy(times_hbm.at[pl.ds(j * C, C)], tb, sem)

    def wait_in(j, xb, lb, tb, sem):
        pltpu.make_async_copy(x_hbm.at[pl.ds(j * CW, CW)], xb, sem).wait()
        pltpu.make_async_copy(labels_hbm.at[pl.ds(j * C, C)], lb, sem).wait()
        pltpu.make_async_copy(times_hbm.at[pl.ds(j * C, C)], tb, sem).wait()

    def wait_out(j, ob, sem):
        pltpu.make_async_copy(ob, out_hbm.at[pl.ds(j * CW, CW)], sem).wait()

    def compute(j, xb, lb, tb, ob, osem):
        def seg_body(g, _):
            lv = lb[pl.ds(g * L, L)]
            tv = tb[pl.ds(g * L, L)]
            seg = tv * NUM_LABEL + lv
            segb[pl.ds(g * L, L)] = seg
            ab[pl.ds(g * L, L)] = plsc.load_gather(tblv, [seg * TBLW + D])
            return 0
        lax.fori_loop(0, C // L, seg_body, 0)

        @plsc.parallel_loop(0, C, unroll=2)
        def row_body(r):
            rv = jnp.broadcast_to(r, (L,))
            a = plsc.load_gather(ab, [rv])
            fb = plsc.load_gather(segb, [rv]) * TBLW
            base = r * D
            for k in range(D // L):
                xv = xb[pl.ds(base + k * L, L)]
                bv = plsc.load_gather(tblv, [fb + (k * L) + lane])
                ob[pl.ds(base + k * L, L)] = a * xv + bv

        pltpu.async_copy(ob, out_hbm.at[pl.ds(j * CW, CW)], osem)

    fire_in(wid, xb0, lb0, tb0, si0)
    pltpu.sync_copy(tbl_hbm, tblv)

    def chunk_pair(i, _):
        j0 = wid + (2 * i) * NW
        j1 = j0 + NW
        jn = j0 + 2 * NW

        @pl.when(j1 < NCHUNK)
        def _():
            fire_in(j1, xb1, lb1, tb1, si1)

        @pl.when((i >= 1) & (j0 - 2 * NW < NCHUNK))
        def _():
            wait_out(j0 - 2 * NW, ob0, so0)

        @pl.when(j0 < NCHUNK)
        def _():
            wait_in(j0, xb0, lb0, tb0, si0)
            compute(j0, xb0, lb0, tb0, ob0, so0)

        @pl.when(jn < NCHUNK)
        def _():
            fire_in(jn, xb0, lb0, tb0, si0)

        @pl.when((i >= 1) & (j1 - 2 * NW < NCHUNK))
        def _():
            wait_out(j1 - 2 * NW, ob1, so1)

        @pl.when(j1 < NCHUNK)
        def _():
            wait_in(j1, xb1, lb1, tb1, si1)
            compute(j1, xb1, lb1, tb1, ob1, so1)
        return 0
    lax.fori_loop(0, MAXCH // 2, chunk_pair, 0)

    jl0 = wid + (MAXCH - 2) * NW
    jl1 = wid + (MAXCH - 1) * NW

    @pl.when(jl0 < NCHUNK)
    def _():
        wait_out(jl0, ob0, so0)

    @pl.when(jl1 < NCHUNK)
    def _():
        wait_out(jl1, ob1, so1)


def kernel(x, labels, times):
    x_flat = x.reshape(-1)
    lab3 = labels.reshape(N // RTC, 1, RTC)
    tim3 = times.reshape(N // RTC, 1, RTC)
    partials = _pass1(x_flat, labels, times)
    part_tc = _pass1_tc(x, lab3, tim3)
    tbl = _stats(partials.reshape(NW, NSEG, STRIDE), part_tc)
    out_flat = _pass2(x_flat, labels, times, tbl.reshape(-1))
    return out_flat.reshape(N, D)

# --- scband reference (transcript-rebuilt; emitter-appended) ---
"""Pipeline reference for scband-jj-norm-21474836480017 (READ-ONLY COPY).

The authoritative reference and input builder live on the scoring server;
editing this copy changes nothing except your own understanding.
"""

import jax, jax.numpy as jnp
import numpy as np

N = 100000
D = 128
NUM_TIME = 20
NUM_LABEL = 16
SPLIT = 15


def setup_inputs(seed: int = 0):
    key = jax.random.key(seed)
    kx, kl, kt = jax.random.split(key, 3)
    x = jax.random.normal(kx, (N, D), dtype=jnp.float32)
    labels = jax.random.randint(kl, (N,), 0, NUM_LABEL, dtype=jnp.int32)
    times = jax.random.randint(kt, (N,), 0, NUM_TIME, dtype=jnp.int32)
    return {"x": x, "labels": labels, "times": times}


def reference(x, labels, times):
    n, d = x.shape
    train_mask = times < SPLIT
    tm = train_mask.astype(x.dtype)
    te = 1.0 - tm

    # test statistics
    test_cnt = te.sum()
    test_mean = (x * te[:, None]).sum(axis=0) / jnp.maximum(1.0, test_cnt)

    # per-(time,label) segment sums over train rows; dump test rows into an extra bucket
    seg = times * NUM_LABEL + labels
    seg_tr = jnp.where(train_mask, seg, NUM_TIME * NUM_LABEL)
    nseg = NUM_TIME * NUM_LABEL + 1
    sums = jax.ops.segment_sum(x, seg_tr, num_segments=nseg)[:-1].reshape(NUM_TIME, NUM_LABEL, d)
    cnts = jax.ops.segment_sum(jnp.ones((n,), x.dtype), seg_tr, num_segments=nseg)[:-1].reshape(NUM_TIME, NUM_LABEL)

    tseg = jnp.where(train_mask, times, NUM_TIME)
    time_cnt = jax.ops.segment_sum(jnp.ones((n,), x.dtype), tseg, num_segments=NUM_TIME + 1)[:-1]

    # NOTE: in the torch loop, train_time_mean accumulates the UN-normalized sums
    train_time_mean = sums.sum(axis=1) / jnp.maximum(1.0, time_cnt)[:, None]
    train_mean = sums / jnp.maximum(1.0, cnts)[:, :, None]

    test_var = (((x - test_mean[None, :]) ** 2).sum(axis=-1) * te).sum() / jnp.maximum(1.0, test_cnt - 1.0)

    mu = train_mean[times, labels]  # gather per-row class mean
    msq_per = (((mu - train_time_mean[times]) ** 2).sum(axis=-1)) * tm
    rsq_per = (((x - mu) ** 2).sum(axis=-1)) * tm
    msq = jax.ops.segment_sum(msq_per, tseg, num_segments=NUM_TIME + 1)[:-1]
    rsq = jax.ops.segment_sum(rsq_per, tseg, num_segments=NUM_TIME + 1)[:-1]

    # only t < split is divided in the torch code
    tmask = jnp.arange(NUM_TIME) < SPLIT
    denom = jnp.maximum(1.0, time_cnt - 1.0)
    msq = jnp.where(tmask, msq / denom, msq)
    rsq = jnp.where(tmask, rsq / denom, rsq)

    alpha_sq = (test_var - msq) / jnp.maximum(1e-06, rsq)
    safe = jnp.where(alpha_sq > 0, alpha_sq, 1.0)
    alpha = jnp.where(alpha_sq > 0, jnp.sqrt(safe), 0.0)

    a = alpha[times][:, None]
    new_x = a * x + (1.0 - a) * mu
    return jnp.where(train_mask[:, None], new_x, x)

if __name__ == "__main__":
    import jax
    _d = setup_inputs()
    print(jax.jit(kernel)(*tuple(_d.values())))

</pallas_src>

<mosaic_0001>
#map = affine_map<(d0, d1) -> (0)>
#map1 = affine_map<(d0, d1) -> (0, 0)>
module attributes {stable_mosaic.version = 14 : i64} {
  func.func @_pass1(%arg0: i32, %arg1: i32, %arg2: memref<12800000xf32, #tpu.memory_space<hbm>>, %arg3: memref<100000xi32, #tpu.memory_space<hbm>>, %arg4: memref<100000xi32, #tpu.memory_space<hbm>>, %arg5: memref<32x51200xf32, #tpu.memory_space<hbm>>, %arg6: memref<20480xf32, #tpu.memory_space<vmem>>, %arg7: memref<20480xf32, #tpu.memory_space<vmem>>, %arg8: memref<160xi32, #tpu.memory_space<vmem>>, %arg9: memref<160xi32, #tpu.memory_space<vmem>>, %arg10: memref<160xi32, #tpu.memory_space<vmem>>, %arg11: memref<160xi32, #tpu.memory_space<vmem>>, %arg12: memref<51200xf32, #tpu.memory_space<vmem>>, %arg13: memref<160xi32, #tpu.memory_space<vmem>>, %arg14: memref<!tpu.dma_semaphore, #tpu.memory_space<semaphore_mem>>, %arg15: memref<!tpu.dma_semaphore, #tpu.memory_space<semaphore_mem>>) attributes {dimension_semantics = [#tpu.dimension_semantics<core_parallel>, #tpu.dimension_semantics<subcore_parallel>], iteration_bounds = array<i64: 2, 16>, scalar_prefetch = 0 : i64, scratch_operands = 10 : i64, tpu.core_type = #tpu.core_type<sc_vector_subcore>, window_params = [{transform_indices = #map}, {transform_indices = #map}, {transform_indices = #map}, {transform_indices = #map1}]} {
    %mul3A = arith.constant 2 : i32
    %mul3A_0 = arith.muli %arg1, %mul3A : i32
    %add3A = arith.addi %mul3A_0, %arg0 : i32
    %iota3A = tpu.iota {dimensions = array<i32: 0>} : vector<16xi32>
    %broadcast_in_dim3A = arith.constant 1.000000e+00 : f32
    %broadcast_in_dim3A_1 = vector.broadcast %broadcast_in_dim3A : f32 to vector<16xf32>
    %mul3A_2 = arith.constant 20480 : i32
    %mul3A_3 = arith.muli %add3A, %mul3A_2 : i32
    %dma_start3A = tpu.memref_slice %arg2[%mul3A_3] : memref<12800000xf32, #tpu.memory_space<hbm>> -> memref<20480xf32, #tpu.memory_space<hbm>>
    %dma_start3A_4 = tpu.memref_slice %arg2[%mul3A_3] : memref<12800000xf32, #tpu.memory_space<hbm>> -> memref<20480xf32, #tpu.memory_space<hbm>>
    tpu.enqueue_dma source(%dma_start3A_4 : memref<20480xf32, #tpu.memory_space<hbm>>) target(%arg6 : memref<20480xf32, #tpu.memory_space<vmem>>) target_semaphore(%arg14 : memref<!tpu.dma_semaphore, #tpu.memory_space<semaphore_mem>>)
    %mul3A_5 = arith.constant 160 : i32
    %mul3A_6 = arith.muli %add3A, %mul3A_5 : i32
    %dma_start3A_7 = tpu.memref_slice %arg3[%mul3A_6] : memref<100000xi32, #tpu.memory_space<hbm>> -> memref<160xi32, #tpu.memory_space<hbm>>
    %dma_start3A_8 = tpu.memref_slice %arg3[%mul3A_6] : memref<100000xi32, #tpu.memory_space<hbm>> -> memref<160xi32, #tpu.memory_space<hbm>>
    tpu.enqueue_dma source(%dma_start3A_8 : memref<160xi32, #tpu.memory_space<hbm>>) target(%arg8 : memref<160xi32, #tpu.memory_space<vmem>>) target_semaphore(%arg14 : memref<!tpu.dma_semaphore, #tpu.memory_space<semaphore_mem>>)
    %mul3A_9 = arith.constant 160 : i32
    %mul3A_10 = arith.muli %add3A, %mul3A_9 : i32
    %dma_start3A_11 = tpu.memref_slice %arg4[%mul3A_10] : memref<100000xi32, #tpu.memory_space<hbm>> -> memref<160xi32, #tpu.memory_space<hbm>>
    %dma_start3A_12 = tpu.memref_slice %arg4[%mul3A_10] : memref<100000xi32, #tpu.memory_space<hbm>> -> memref<160xi32, #tpu.memory_space<hbm>>
    tpu.enqueue_dma source(%dma_start3A_12 : memref<160xi32, #tpu.memory_space<hbm>>) target(%arg10 : memref<160xi32, #tpu.memory_space<vmem>>) target_semaphore(%arg14 : memref<!tpu.dma_semaphore, #tpu.memory_space<semaphore_mem>>)
    %scan3A = arith.constant 0 : i32
    %scan3A_13 = arith.constant 0 : i32
    %scan3A_14 = arith.constant 3200 : i32
    %scan3A_15 = arith.addi %scan3A_13, %scan3A_14 : i32
    %scan3A_16 = arith.constant 1 : i32
    %scan3A_17 = scf.for %scan3A_26 = %scan3A_13 to %scan3A_15 step %scan3A_16 iter_args(%scan3A_27 = %scan3A) -> (i32)  : i32 {
      %broadcast_in_dim3A_28 = arith.constant 0.000000e+00 : f32
      %broadcast_in_dim3A_29 = vector.broadcast %broadcast_in_dim3A_28 : f32 to vector<16xf32>
      %mul3A_30 = arith.constant 16 : i32
      %mul3A_31 = arith.muli %scan3A_26, %mul3A_30 : i32
      %swap3A = arith.index_cast %mul3A_31 : i32 to index
      %swap3A_32 = tpu.vector_load %arg12[%swap3A] {strides = array<i32>} : memref<51200xf32, #tpu.memory_space<vmem>>, vector<16xf32>,
      tpu.vector_store %arg12[%swap3A], %broadcast_in_dim3A_29 {strides = array<i32>} : memref<51200xf32, #tpu.memory_space<vmem>>, vector<16xf32>,
      %scan3A_33 = arith.constant 0 : i32
      scf.yield %scan3A_33 : i32
    }
    %scan3A_18 = arith.constant 3200 : i32
    %scan3A_19 = arith.constant 0 : i32
    %scan3A_20 = arith.constant 0 : i32
    %scan3A_21 = arith.constant 6 : i32
    %scan3A_22 = arith.addi %scan3A_20, %scan3A_21 : i32
    %scan3A_23 = arith.constant 1 : i32
    %scan3A_24 = scf.for %scan3A_26 = %scan3A_20 to %scan3A_22 step %scan3A_23 iter_args(%scan3A_27 = %scan3A_19) -> (i32)  : i32 {
      %mul3A_28 = arith.constant 2 : i32
      %mul3A_29 = arith.muli %mul3A_28, %scan3A_26 : i32
      %mul3A_30 = arith.constant 32 : i32
      %mul3A_31 = arith.muli %mul3A_29, %mul3A_30 : i32
      %add3A_32 = arith.addi %add3A, %mul3A_31 : i32
      %add3A_33 = arith.constant 32 : i32
      %add3A_34 = arith.addi %add3A_32, %add3A_33 : i32
      %add3A_35 = arith.constant 64 : i32
      %add3A_36 = arith.addi %add3A_32, %add3A_35 : i32
      %lt3A = arith.constant 325 : i32
      %lt3A_37 = arith.cmpi slt, %add3A_34, %lt3A : i32
      %convert_element_type3A = arith.extui %lt3A_37 : i1 to i32
      %cond3A = arith.constant 0 : i32
      %cond3A_38 = arith.cmpi ne, %convert_element_type3A, %cond3A : i32
      scf.if %cond3A_38 {
        %mul3A_55 = arith.constant 20480 : i32
        %mul3A_56 = arith.muli %add3A_34, %mul3A_55 : i32
        %dma_start3A_57 = tpu.memref_slice %arg2[%mul3A_56] : memref<12800000xf32, #tpu.memory_space<hbm>> -> memref<20480xf32, #tpu.memory_space<hbm>>
        %dma_start3A_58 = tpu.memref_slice %arg2[%mul3A_56] : memref<12800000xf32, #tpu.memory_space<hbm>> -> memref<20480xf32, #tpu.memory_space<hbm>>
        tpu.enqueue_dma source(%dma_start3A_58 : memref<20480xf32, #tpu.memory_space<hbm>>) target(%arg7 : memref<20480xf32, #tpu.memory_space<vmem>>) target_semaphore(%arg15 : memref<!tpu.dma_semaphore, #tpu.memory_space<semaphore_mem>>)
        %mul3A_59 = arith.constant 160 : i32
        %mul3A_60 = arith.muli %add3A_34, %mul3A_59 : i32
        %dma_start3A_61 = tpu.memref_slice %arg3[%mul3A_60] : memref<100000xi32, #tpu.memory_space<hbm>> -> memref<160xi32, #tpu.memory_space<hbm>>
        %dma_start3A_62 = tpu.memref_slice %arg3[%mul3A_60] : memref<100000xi32, #tpu.memory_space<hbm>> -> memref<160xi32, #tpu.memory_space<hbm>>
        tpu.enqueue_dma source(%dma_start3A_62 : memref<160xi32, #tpu.memory_space<hbm>>) target(%arg9 : memref<160xi32, #tpu.memory_space<vmem>>) target_semaphore(%arg15 : memref<!tpu.dma_semaphore, #tpu.memory_space<semaphore_mem>>)
        %mul3A_63 = arith.constant 160 : i32
        %mul3A_64 = arith.muli %add3A_34, %mul3A_63 : i32
        %dma_start3A_65 = tpu.memref_slice %arg4[%mul3A_64] : memref<100000xi32, #tpu.memory_space<hbm>> -> memref<160xi32, #tpu.memory_space<hbm>>
        %dma_start3A_66 = tpu.memref_slice %arg4[%mul3A_64] : memref<100000xi32, #tpu.memory_space<hbm>> -> memref<160xi32, #tpu.memory_space<hbm>>
        tpu.enqueue_dma source(%dma_start3A_66 : memref<160xi32, #tpu.memory_space<hbm>>) target(%arg11 : memref<160xi32, #tpu.memory_space<vmem>>) target_semaphore(%arg15 : memref<!tpu.dma_semaphore, #tpu.memory_space<semaphore_mem>>)
      } else {
      }
      %lt3A_39 = arith.constant 325 : i32
      %lt3A_40 = arith.cmpi slt, %add3A_32, %lt3A_39 : i32
      %convert_element_type3A_41 = arith.extui %lt3A_40 : i1 to i32
      %cond3A_42 = arith.constant 0 : i32
      %cond3A_43 = arith.cmpi ne, %convert_element_type3A_41, %cond3A_42 : i32
      scf.if %cond3A_43 {
        %mul3A_55 = arith.constant 20480 : i32
        %mul3A_56 = arith.muli %add3A_32, %mul3A_55 : i32
        %dma_wait3A = tpu.memref_slice %arg2[%mul3A_56] : memref<12800000xf32, #tpu.memory_space<hbm>> -> memref<20480xf32, #tpu.memory_space<hbm>>
        %dma_wait3A_57 = tpu.memref_slice %arg2[%mul3A_56] : memref<12800000xf32, #tpu.memory_space<hbm>> -> memref<20480xf32, #tpu.memory_space<hbm>>
        tpu.wait_dma2 semaphore(%arg14 : memref<!tpu.dma_semaphore, #tpu.memory_space<semaphore_mem>>) src(%dma_wait3A_57 : memref<20480xf32, #tpu.memory_space<hbm>>) dst(%arg6 : memref<20480xf32, #tpu.memory_space<vmem>>)
        %mul3A_58 = arith.constant 160 : i32
        %mul3A_59 = arith.muli %add3A_32, %mul3A_58 : i32
        %dma_wait3A_60 = tpu.memref_slice %arg3[%mul3A_59] : memref<100000xi32, #tpu.memory_space<hbm>> -> memref<160xi32, #tpu.memory_space<hbm>>
        %dma_wait3A_61 = tpu.memref_slice %arg3[%mul3A_59] : memref<100000xi32, #tpu.memory_space<hbm>> -> memref<160xi32, #tpu.memory_space<hbm>>
        tpu.wait_dma2 semaphore(%arg14 : memref<!tpu.dma_semaphore, #tpu.memory_space<semaphore_mem>>) src(%dma_wait3A_61 : memref<160xi32, #tpu.memory_space<hbm>>) dst(%arg8 : memref<160xi32, #tpu.memory_space<vmem>>)
        %mul3A_62 = arith.constant 160 : i32
        %mul3A_63 = arith.muli %add3A_32, %mul3A_62 : i32
        %dma_wait3A_64 = tpu.memref_slice %arg4[%mul3A_63] : memref<100000xi32, #tpu.memory_space<hbm>> -> memref<160xi32, #tpu.memory_space<hbm>>
        %dma_wait3A_65 = tpu.memref_slice %arg4[%mul3A_63] : memref<100000xi32, #tpu.memory_space<hbm>> -> memref<160xi32, #tpu.memory_space<hbm>>
        tpu.wait_dma2 semaphore(%arg14 : memref<!tpu.dma_semaphore, #tpu.memory_space<semaphore_mem>>) src(%dma_wait3A_65 : memref<160xi32, #tpu.memory_space<hbm>>) dst(%arg10 : memref<160xi32, #tpu.memory_space<vmem>>)
        %scan3A_66 = arith.constant 0 : i32
        %scan3A_67 = arith.constant 0 : i32
        %scan3A_68 = arith.constant 10 : i32
        %scan3A_69 = arith.addi %scan3A_67, %scan3A_68 : i32
        %scan3A_70 = arith.constant 1 : i32
        %scan3A_71 = scf.for %scan3A_75 = %scan3A_67 to %scan3A_69 step %scan3A_70 iter_args(%scan3A_76 = %scan3A_66) -> (i32)  : i32 {
          %mul3A_77 = arith.constant 16 : i32
          %mul3A_78 = arith.muli %scan3A_75, %mul3A_77 : i32
          %get3A = arith.index_cast %mul3A_78 : i32 to index
          %get3A_79 = tpu.vector_load %arg8[%get3A] {strides = array<i32>} : memref<160xi32, #tpu.memory_space<vmem>>, vector<16xi32>,
          %mul3A_80 = arith.constant 16 : i32
          %mul3A_81 = arith.muli %scan3A_75, %mul3A_80 : i32
          %get3A_82 = arith.index_cast %mul3A_81 : i32 to index
          %get3A_83 = tpu.vector_load %arg10[%get3A_82] {strides = array<i32>} : memref<160xi32, #tpu.memory_space<vmem>>, vector<16xi32>,
          %mul3A_84 = arith.constant 16 : i32
          %mul3A_85 = vector.broadcast %mul3A_84 : i32 to vector<16xi32>
          %mul3A_86 = arith.muli %get3A_83, %mul3A_85 : vector<16xi32>
          %add3A_87 = arith.addi %mul3A_86, %get3A_79 : vector<16xi32>
          %mul3A_88 = arith.constant 16 : i32
          %mul3A_89 = arith.muli %scan3A_75, %mul3A_88 : i32
          %swap3A = arith.index_cast %mul3A_89 : i32 to index
          %swap3A_90 = tpu.vector_load %arg13[%swap3A] {strides = array<i32>} : memref<160xi32, #tpu.memory_space<vmem>>, vector<16xi32>,
          tpu.vector_store %arg13[%swap3A], %add3A_87 {strides = array<i32>} : memref<160xi32, #tpu.memory_space<vmem>>, vector<16xi32>,
          %scan3A_91 = arith.constant 0 : i32
          scf.yield %scan3A_91 : i32
        }
        %scan3A_72 = arith.constant 10 : i32
        %parallel_loop3A = arith.constant 0 : i32
        %parallel_loop3A_73 = arith.constant 160 : i32
        %parallel_loop3A_74 = arith.constant 1 : i32
        scf.for %parallel_loop3A_75 = %parallel_loop3A to %parallel_loop3A_73 step %parallel_loop3A_74  : i32 {
          %parallel_loop3A_76 = vector.broadcast %parallel_loop3A_75 : i32 to vector<16xi32>
          %parallel_loop3A_77 = tpu.vector_load_idx %arg13[%parallel_loop3A_76] : memref<160xi32, #tpu.memory_space<vmem>>[vector<16xi32>], vector<16xi32>,
          %parallel_loop3A_78 = arith.constant 160 : i32
          %parallel_loop3A_79 = vector.broadcast %parallel_loop3A_78 : i32 to vector<16xi32>
          %parallel_loop3A_80 = arith.muli %parallel_loop3A_77, %parallel_loop3A_79 : vector<16xi32>
          %parallel_loop3A_81 = arith.constant 128 : i32
          %parallel_loop3A_82 = arith.muli %parallel_loop3A_75, %parallel_loop3A_81 : i32
          %parallel_loop3A_83 = arith.constant 0.000000e+00 : f32
          %parallel_loop3A_84 = vector.broadcast %parallel_loop3A_83 : f32 to vector<16xf32>
          %parallel_loop3A_85 = arith.constant 0 : i32
          %parallel_loop3A_86 = arith.addi %parallel_loop3A_82, %parallel_loop3A_85 : i32
          %parallel_loop3A_87 = arith.index_cast %parallel_loop3A_86 : i32 to index
          %parallel_loop3A_88 = tpu.vector_load %arg6[%parallel_loop3A_87] {strides = array<i32>} : memref<20480xf32, #tpu.memory_space<vmem>>, vector<16xf32>,
          %parallel_loop3A_89 = arith.constant 0 : i32
          %parallel_loop3A_90 = vector.broadcast %parallel_loop3A_89 : i32 to vector<16xi32>
          %parallel_loop3A_91 = arith.addi %parallel_loop3A_80, %parallel_loop3A_90 : vector<16xi32>
          %parallel_loop3A_92 = arith.addi %parallel_loop3A_91, %iota3A : vector<16xi32>
          tpu.vector_store_idx %arg12[%parallel_loop3A_92], %parallel_loop3A_88 {add = true} : memref<51200xf32, #tpu.memory_space<vmem>>[vector<16xi32>], vector<16xf32>,
          %parallel_loop3A_93 = arith.mulf %parallel_loop3A_88, %parallel_loop3A_88 : vector<16xf32>
          %parallel_loop3A_94 = arith.addf %parallel_loop3A_84, %parallel_loop3A_93 : vector<16xf32>
          %parallel_loop3A_95 = arith.constant 16 : i32
          %parallel_loop3A_96 = arith.addi %parallel_loop3A_82, %parallel_loop3A_95 : i32
          %parallel_loop3A_97 = arith.index_cast %parallel_loop3A_96 : i32 to index
          %parallel_loop3A_98 = tpu.vector_load %arg6[%parallel_loop3A_97] {strides = array<i32>} : memref<20480xf32, #tpu.memory_space<vmem>>, vector<16xf32>,
          %parallel_loop3A_99 = arith.constant 16 : i32
          %parallel_loop3A_100 = vector.broadcast %parallel_loop3A_99 : i32 to vector<16xi32>
          %parallel_loop3A_101 = arith.addi %parallel_loop3A_80, %parallel_loop3A_100 : vector<16xi32>
          %parallel_loop3A_102 = arith.addi %parallel_loop3A_101, %iota3A : vector<16xi32>
          tpu.vector_store_idx %arg12[%parallel_loop3A_102], %parallel_loop3A_98 {add = true} : memref<51200xf32, #tpu.memory_space<vmem>>[vector<16xi32>], vector<16xf32>,
          %parallel_loop3A_103 = arith.mulf %parallel_loop3A_98, %parallel_loop3A_98 : vector<16xf32>
          %parallel_loop3A_104 = arith.addf %parallel_loop3A_94, %parallel_loop3A_103 : vector<16xf32>
          %parallel_loop3A_105 = arith.constant 32 : i32
          %parallel_loop3A_106 = arith.addi %parallel_loop3A_82, %parallel_loop3A_105 : i32
          %parallel_loop3A_107 = arith.index_cast %parallel_loop3A_106 : i32 to index
          %parallel_loop3A_108 = tpu.vector_load %arg6[%parallel_loop3A_107] {strides = array<i32>} : memref<20480xf32, #tpu.memory_space<vmem>>, vector<16xf32>,
          %parallel_loop3A_109 = arith.constant 32 : i32
          %parallel_loop3A_110 = vector.broadcast %parallel_loop3A_109 : i32 to vector<16xi32>
          %parallel_loop3A_111 = arith.addi %parallel_loop3A_80, %parallel_loop3A_110 : vector<16xi32>
          %parallel_loop3A_112 = arith.addi %parallel_loop3A_111, %iota3A : vector<16xi32>
          tpu.vector_store_idx %arg12[%parallel_loop3A_112], %parallel_loop3A_108 {add = true} : memref<51200xf32, #tpu.memory_space<vmem>>[vector<16xi32>], vector<16xf32>,
          %parallel_loop3A_113 = arith.mulf %parallel_loop3A_108, %parallel_loop3A_108 : vector<16xf32>
          %parallel_loop3A_114 = arith.addf %parallel_loop3A_104, %parallel_loop3A_113 : vector<16xf32>
          %parallel_loop3A_115 = arith.constant 48 : i32
          %parallel_loop3A_116 = arith.addi %parallel_loop3A_82, %parallel_loop3A_115 : i32
          %parallel_loop3A_117 = arith.index_cast %parallel_loop3A_116 : i32 to index
          %parallel_loop3A_118 = tpu.vector_load %arg6[%parallel_loop3A_117] {strides = array<i32>} : memref<20480xf32, #tpu.memory_space<vmem>>, vector<16xf32>,
          %parallel_loop3A_119 = arith.constant 48 : i32
          %parallel_loop3A_120 = vector.broadcast %parallel_loop3A_119 : i32 to vector<16xi32>
          %parallel_loop3A_121 = arith.addi %parallel_loop3A_80, %parallel_loop3A_120 : vector<16xi32>
          %parallel_loop3A_122 = arith.addi %parallel_loop3A_121, %iota3A : vector<16xi32>
          tpu.vector_store_idx %arg12[%parallel_loop3A_122], %parallel_loop3A_118 {add = true} : memref<51200xf32, #tpu.memory_space<vmem>>[vector<16xi32>], vector<16xf32>,
          %parallel_loop3A_123 = arith.mulf %parallel_loop3A_118, %parallel_loop3A_118 : vector<16xf32>
          %parallel_loop3A_124 = arith.addf %parallel_loop3A_114, %parallel_loop3A_123 : vector<16xf32>
          %parallel_loop3A_125 = arith.constant 64 : i32
          %parallel_loop3A_126 = arith.addi %parallel_loop3A_82, %parallel_loop3A_125 : i32
          %parallel_loop3A_127 = arith.index_cast %parallel_loop3A_126 : i32 to index
          %parallel_loop3A_128 = tpu.vector_load %arg6[%parallel_loop3A_127] {strides = array<i32>} : memref<20480xf32, #tpu.memory_space<vmem>>, vector<16xf32>,
          %parallel_loop3A_129 = arith.constant 64 : i32
          %parallel_loop3A_130 = vector.broadcast %parallel_loop3A_129 : i32 to vector<16xi32>
          %parallel_loop3A_131 = arith.addi %parallel_loop3A_80, %parallel_loop3A_130 : vector<16xi32>
          %parallel_loop3A_132 = arith.addi %parallel_loop3A_131, %iota3A : vector<16xi32>
          tpu.vector_store_idx %arg12[%parallel_loop3A_132], %parallel_loop3A_128 {add = true} : memref<51200xf32, #tpu.memory_space<vmem>>[vector<16xi32>], vector<16xf32>,
          %parallel_loop3A_133 = arith.mulf %parallel_loop3A_128, %parallel_loop3A_128 : vector<16xf32>
          %parallel_loop3A_134 = arith.addf %parallel_loop3A_124, %parallel_loop3A_133 : vector<16xf32>
          %parallel_loop3A_135 = arith.constant 80 : i32
          %parallel_loop3A_136 = arith.addi %parallel_loop3A_82, %parallel_loop3A_135 : i32
          %parallel_loop3A_137 = arith.index_cast %parallel_loop3A_136 : i32 to index
          %parallel_loop3A_138 = tpu.vector_load %arg6[%parallel_loop3A_137] {strides = array<i32>} : memref<20480xf32, #tpu.memory_space<vmem>>, vector<16xf32>,
          %parallel_loop3A_139 = arith.constant 80 : i32
          %parallel_loop3A_140 = vector.broadcast %parallel_loop3A_139 : i32 to vector<16xi32>
          %parallel_loop3A_141 = arith.addi %parallel_loop3A_80, %parallel_loop3A_140 : vector<16xi32>
          %parallel_loop3A_142 = arith.addi %parallel_loop3A_141, %iota3A : vector<16xi32>
          tpu.vector_store_idx %arg12[%parallel_loop3A_142], %parallel_loop3A_138 {add = true} : memref<51200xf32, #tpu.memory_space<vmem>>[vector<16xi32>], vector<16xf32>,
          %parallel_loop3A_143 = arith.mulf %parallel_loop3A_138, %parallel_loop3A_138 : vector<16xf32>
          %parallel_loop3A_144 = arith.addf %parallel_loop3A_134, %parallel_loop3A_143 : vector<16xf32>
          %parallel_loop3A_145 = arith.constant 96 : i32
          %parallel_loop3A_146 = arith.addi %parallel_loop3A_82, %parallel_loop3A_145 : i32
          %parallel_loop3A_147 = arith.index_cast %parallel_loop3A_146 : i32 to index
          %parallel_loop3A_148 = tpu.vector_load %arg6[%parallel_loop3A_147] {strides = array<i32>} : memref<20480xf32, #tpu.memory_space<vmem>>, vector<16xf32>,
          %parallel_loop3A_149 = arith.constant 96 : i32
          %parallel_loop3A_150 = vector.broadcast %parallel_loop3A_149 : i32 to vector<16xi32>
          %parallel_loop3A_151 = arith.addi %parallel_loop3A_80, %parallel_loop3A_150 : vector<16xi32>
          %parallel_loop3A_152 = arith.addi %parallel_loop3A_151, %iota3A : vector<16xi32>
          tpu.vector_store_idx %arg12[%parallel_loop3A_152], %parallel_loop3A_148 {add = true} : memref<51200xf32, #tpu.memory_space<vmem>>[vector<16xi32>], vector<16xf32>,
          %parallel_loop3A_153 = arith.mulf %parallel_loop3A_148, %parallel_loop3A_148 : vector<16xf32>
          %parallel_loop3A_154 = arith.addf %parallel_loop3A_144, %parallel_loop3A_153 : vector<16xf32>
          %parallel_loop3A_155 = arith.constant 112 : i32
          %parallel_loop3A_156 = arith.addi %parallel_loop3A_82, %parallel_loop3A_155 : i32
          %parallel_loop3A_157 = arith.index_cast %parallel_loop3A_156 : i32 to index
          %parallel_loop3A_158 = tpu.vector_load %arg6[%parallel_loop3A_157] {strides = array<i32>} : memref<20480xf32, #tpu.memory_space<vmem>>, vector<16xf32>,
          %parallel_loop3A_159 = arith.constant 112 : i32
          %parallel_loop3A_160 = vector.broadcast %parallel_loop3A_159 : i32 to vector<16xi32>
          %parallel_loop3A_161 = arith.addi %parallel_loop3A_80, %parallel_loop3A_160 : vector<16xi32>
          %parallel_loop3A_162 = arith.addi %parallel_loop3A_161, %iota3A : vector<16xi32>
          tpu.vector_store_idx %arg12[%parallel_loop3A_162], %parallel_loop3A_158 {add = true} : memref<51200xf32, #tpu.memory_space<vmem>>[vector<16xi32>], vector<16xf32>,
          %parallel_loop3A_163 = arith.mulf %parallel_loop3A_158, %parallel_loop3A_158 : vector<16xf32>
          %parallel_loop3A_164 = arith.addf %parallel_loop3A_154, %parallel_loop3A_163 : vector<16xf32>
          %parallel_loop3A_165 = arith.constant 128 : i32
          %parallel_loop3A_166 = vector.broadcast %parallel_loop3A_165 : i32 to vector<16xi32>
          %parallel_loop3A_167 = arith.addi %parallel_loop3A_80, %parallel_loop3A_166 : vector<16xi32>
          %parallel_loop3A_168 = arith.addi %parallel_loop3A_167, %iota3A : vector<16xi32>
          tpu.vector_store_idx %arg12[%parallel_loop3A_168], %parallel_loop3A_164 {add = true} : memref<51200xf32, #tpu.memory_space<vmem>>[vector<16xi32>], vector<16xf32>,
          %parallel_loop3A_169 = arith.constant 144 : i32
          %parallel_loop3A_170 = vector.broadcast %parallel_loop3A_169 : i32 to vector<16xi32>
          %parallel_loop3A_171 = arith.addi %parallel_loop3A_80, %parallel_loop3A_170 : vector<16xi32>
          %parallel_loop3A_172 = arith.addi %parallel_loop3A_171, %iota3A : vector<16xi32>
          tpu.vector_store_idx %arg12[%parallel_loop3A_172], %broadcast_in_dim3A_1 {add = true} : memref<51200xf32, #tpu.memory_space<vmem>>[vector<16xi32>], vector<16xf32>,
        } {sc.loop_unroll_factor = 2 : i64, sc.parallel_access}
      } else {
      }
      %lt3A_44 = arith.constant 325 : i32
      %lt3A_45 = arith.cmpi slt, %add3A_36, %lt3A_44 : i32
      %convert_element_type3A_46 = arith.extui %lt3A_45 : i1 to i32
      %cond3A_47 = arith.constant 0 : i32
      %cond3A_48 = arith.cmpi ne, %convert_element_type3A_46, %cond3A_47 : i32
      scf.if %cond3A_48 {
        %mul3A_55 = arith.constant 20480 : i32
        %mul3A_56 = arith.muli %add3A_36, %mul3A_55 : i32
        %dma_start3A_57 = tpu.memref_slice %arg2[%mul3A_56] : memref<12800000xf32, #tpu.memory_space<hbm>> -> memref<20480xf32, #tpu.memory_space<hbm>>
        %dma_start3A_58 = tpu.memref_slice %arg2[%mul3A_56] : memref<12800000xf32, #tpu.memory_space<hbm>> -> memref<20480xf32, #tpu.memory_space<hbm>>
        tpu.enqueue_dma source(%dma_start3A_58 : memref<20480xf32, #tpu.memory_space<hbm>>) target(%arg6 : memref<20480xf32, #tpu.memory_space<vmem>>) target_semaphore(%arg14 : memref<!tpu.dma_semaphore, #tpu.memory_space<semaphore_mem>>)
        %mul3A_59 = arith.constant 160 : i32
        %mul3A_60 = arith.muli %add3A_36, %mul3A_59 : i32
        %dma_start3A_61 = tpu.memref_slice %arg3[%mul3A_60] : memref<100000xi32, #tpu.memory_space<hbm>> -> memref<160xi32, #tpu.memory_space<hbm>>
        %dma_start3A_62 = tpu.memref_slice %arg3[%mul3A_60] : memref<100000xi32, #tpu.memory_space<hbm>> -> memref<160xi32, #tpu.memory_space<hbm>>
        tpu.enqueue_dma source(%dma_start3A_62 : memref<160xi32, #tpu.memory_space<hbm>>) target(%arg8 : memref<160xi32, #tpu.memory_space<vmem>>) target_semaphore(%arg14 : memref<!tpu.dma_semaphore, #tpu.memory_space<semaphore_mem>>)
        %mul3A_63 = arith.constant 160 : i32
        %mul3A_64 = arith.muli %add3A_36, %mul3A_63 : i32
        %dma_start3A_65 = tpu.memref_slice %arg4[%mul3A_64] : memref<100000xi32, #tpu.memory_space<hbm>> -> memref<160xi32, #tpu.memory_space<hbm>>
        %dma_start3A_66 = tpu.memref_slice %arg4[%mul3A_64] : memref<100000xi32, #tpu.memory_space<hbm>> -> memref<160xi32, #tpu.memory_space<hbm>>
        tpu.enqueue_dma source(%dma_start3A_66 : memref<160xi32, #tpu.memory_space<hbm>>) target(%arg10 : memref<160xi32, #tpu.memory_space<vmem>>) target_semaphore(%arg14 : memref<!tpu.dma_semaphore, #tpu.memory_space<semaphore_mem>>)
      } else {
      }
      %lt3A_49 = arith.constant 325 : i32
      %lt3A_50 = arith.cmpi slt, %add3A_34, %lt3A_49 : i32
      %convert_element_type3A_51 = arith.extui %lt3A_50 : i1 to i32
      %cond3A_52 = arith.constant 0 : i32
      %cond3A_53 = arith.cmpi ne, %convert_element_type3A_51, %cond3A_52 : i32
      scf.if %cond3A_53 {
        %mul3A_55 = arith.constant 20480 : i32
        %mul3A_56 = arith.muli %add3A_34, %mul3A_55 : i32
        %dma_wait3A = tpu.memref_slice %arg2[%mul3A_56] : memref<12800000xf32, #tpu.memory_space<hbm>> -> memref<20480xf32, #tpu.memory_space<hbm>>
        %dma_wait3A_57 = tpu.memref_slice %arg2[%mul3A_56] : memref<12800000xf32, #tpu.memory_space<hbm>> -> memref<20480xf32, #tpu.memory_space<hbm>>
        tpu.wait_dma2 semaphore(%arg15 : memref<!tpu.dma_semaphore, #tpu.memory_space<semaphore_mem>>) src(%dma_wait3A_57 : memref<20480xf32, #tpu.memory_space<hbm>>) dst(%arg7 : memref<20480xf32, #tpu.memory_space<vmem>>)
        %mul3A_58 = arith.constant 160 : i32
        %mul3A_59 = arith.muli %add3A_34, %mul3A_58 : i32
        %dma_wait3A_60 = tpu.memref_slice %arg3[%mul3A_59] : memref<100000xi32, #tpu.memory_space<hbm>> -> memref<160xi32, #tpu.memory_space<hbm>>
        %dma_wait3A_61 = tpu.memref_slice %arg3[%mul3A_59] : memref<100000xi32, #tpu.memory_space<hbm>> -> memref<160xi32, #tpu.memory_space<hbm>>
        tpu.wait_dma2 semaphore(%arg15 : memref<!tpu.dma_semaphore, #tpu.memory_space<semaphore_mem>>) src(%dma_wait3A_61 : memref<160xi32, #tpu.memory_space<hbm>>) dst(%arg9 : memref<160xi32, #tpu.memory_space<vmem>>)
        %mul3A_62 = arith.constant 160 : i32
        %mul3A_63 = arith.muli %add3A_34, %mul3A_62 : i32
        %dma_wait3A_64 = tpu.memref_slice %arg4[%mul3A_63] : memref<100000xi32, #tpu.memory_space<hbm>> -> memref<160xi32, #tpu.memory_space<hbm>>
        %dma_wait3A_65 = tpu.memref_slice %arg4[%mul3A_63] : memref<100000xi32, #tpu.memory_space<hbm>> -> memref<160xi32, #tpu.memory_space<hbm>>
        tpu.wait_dma2 semaphore(%arg15 : memref<!tpu.dma_semaphore, #tpu.memory_space<semaphore_mem>>) src(%dma_wait3A_65 : memref<160xi32, #tpu.memory_space<hbm>>) dst(%arg11 : memref<160xi32, #tpu.memory_space<vmem>>)
        %scan3A_66 = arith.constant 0 : i32
        %scan3A_67 = arith.constant 0 : i32
        %scan3A_68 = arith.constant 10 : i32
        %scan3A_69 = arith.addi %scan3A_67, %scan3A_68 : i32
        %scan3A_70 = arith.constant 1 : i32
        %scan3A_71 = scf.for %scan3A_75 = %scan3A_67 to %scan3A_69 step %scan3A_70 iter_args(%scan3A_76 = %scan3A_66) -> (i32)  : i32 {
          %mul3A_77 = arith.constant 16 : i32
          %mul3A_78 = arith.muli %scan3A_75, %mul3A_77 : i32
          %get3A = arith.index_cast %mul3A_78 : i32 to index
          %get3A_79 = tpu.vector_load %arg9[%get3A] {strides = array<i32>} : memref<160xi32, #tpu.memory_space<vmem>>, vector<16xi32>,
          %mul3A_80 = arith.constant 16 : i32
          %mul3A_81 = arith.muli %scan3A_75, %mul3A_80 : i32
          %get3A_82 = arith.index_cast %mul3A_81 : i32 to index
          %get3A_83 = tpu.vector_load %arg11[%get3A_82] {strides = array<i32>} : memref<160xi32, #tpu.memory_space<vmem>>, vector<16xi32>,
          %mul3A_84 = arith.constant 16 : i32
          %mul3A_85 = vector.broadcast %mul3A_84 : i32 to vector<16xi32>
          %mul3A_86 = arith.muli %get3A_83, %mul3A_85 : vector<16xi32>
          %add3A_87 = arith.addi %mul3A_86, %get3A_79 : vector<16xi32>
          %mul3A_88 = arith.constant 16 : i32
          %mul3A_89 = arith.muli %scan3A_75, %mul3A_88 : i32
          %swap3A = arith.index_cast %mul3A_89 : i32 to index
          %swap3A_90 = tpu.vector_load %arg13[%swap3A] {strides = array<i32>} : memref<160xi32, #tpu.memory_space<vmem>>, vector<16xi32>,
          tpu.vector_store %arg13[%swap3A], %add3A_87 {strides = array<i32>} : memref<160xi32, #tpu.memory_space<vmem>>, vector<16xi32>,
          %scan3A_91 = arith.constant 0 : i32
          scf.yield %scan3A_91 : i32
        }
        %scan3A_72 = arith.constant 10 : i32
        %parallel_loop3A = arith.constant 0 : i32
        %parallel_loop3A_73 = arith.constant 160 : i32
        %parallel_loop3A_74 = arith.constant 1 : i32
        scf.for %parallel_loop3A_75 = %parallel_loop3A to %parallel_loop3A_73 step %parallel_loop3A_74  : i32 {
          %parallel_loop3A_76 = vector.broadcast %parallel_loop3A_75 : i32 to vector<16xi32>
          %parallel_loop3A_77 = tpu.vector_load_idx %arg13[%parallel_loop3A_76] : memref<160xi32, #tpu.memory_space<vmem>>[vector<16xi32>], vector<16xi32>,
          %parallel_loop3A_78 = arith.constant 160 : i32
          %parallel_loop3A_79 = vector.broadcast %parallel_loop3A_78 : i32 to vector<16xi32>
          %parallel_loop3A_80 = arith.muli %parallel_loop3A_77, %parallel_loop3A_79 : vector<16xi32>
          %parallel_loop3A_81 = arith.constant 128 : i32
          %parallel_loop3A_82 = arith.muli %parallel_loop3A_75, %parallel_loop3A_81 : i32
          %parallel_loop3A_83 = arith.constant 0.000000e+00 : f32
          %parallel_loop3A_84 = vector.broadcast %parallel_loop3A_83 : f32 to vector<16xf32>
          %parallel_loop3A_85 = arith.constant 0 : i32
          %parallel_loop3A_86 = arith.addi %parallel_loop3A_82, %parallel_loop3A_85 : i32
          %parallel_loop3A_87 = arith.index_cast %parallel_loop3A_86 : i32 to index
          %parallel_loop3A_88 = tpu.vector_load %arg7[%parallel_loop3A_87] {strides = array<i32>} : memref<20480xf32, #tpu.memory_space<vmem>>, vector<16xf32>,
          %parallel_loop3A_89 = arith.constant 0 : i32
          %parallel_loop3A_90 = vector.broadcast %parallel_loop3A_89 : i32 to vector<16xi32>
          %parallel_loop3A_91 = arith.addi %parallel_loop3A_80, %parallel_loop3A_90 : vector<16xi32>
          %parallel_loop3A_92 = arith.addi %parallel_loop3A_91, %iota3A : vector<16xi32>
          tpu.vector_store_idx %arg12[%parallel_loop3A_92], %parallel_loop3A_88 {add = true} : memref<51200xf32, #tpu.memory_space<vmem>>[vector<16xi32>], vector<16xf32>,
          %parallel_loop3A_93 = arith.mulf %parallel_loop3A_88, %parallel_loop3A_88 : vector<16xf32>
          %parallel_loop3A_94 = arith.addf %parallel_loop3A_84, %parallel_loop3A_93 : vector<16xf32>
          %parallel_loop3A_95 = arith.constant 16 : i32
          %parallel_loop3A_96 = arith.addi %parallel_loop3A_82, %parallel_loop3A_95 : i32
          %parallel_loop3A_97 = arith.index_cast %parallel_loop3A_96 : i32 to index
          %parallel_loop3A_98 = tpu.vector_load %arg7[%parallel_loop3A_97] {strides = array<i32>} : memref<20480xf32, #tpu.memory_space<vmem>>, vector<16xf32>,
          %parallel_loop3A_99 = arith.constant 16 : i32
          %parallel_loop3A_100 = vector.broadcast %parallel_loop3A_99 : i32 to vector<16xi32>
          %parallel_loop3A_101 = arith.addi %parallel_loop3A_80, %parallel_loop3A_100 : vector<16xi32>
          %parallel_loop3A_102 = arith.addi %parallel_loop3A_101, %iota3A : vector<16xi32>
          tpu.vector_store_idx %arg12[%parallel_loop3A_102], %parallel_loop3A_98 {add = true} : memref<51200xf32, #tpu.memory_space<vmem>>[vector<16xi32>], vector<16xf32>,
          %parallel_loop3A_103 = arith.mulf %parallel_loop3A_98, %parallel_loop3A_98 : vector<16xf32>
          %parallel_loop3A_104 = arith.addf %parallel_loop3A_94, %parallel_loop3A_103 : vector<16xf32>
          %parallel_loop3A_105 = arith.constant 32 : i32
          %parallel_loop3A_106 = arith.addi %parallel_loop3A_82, %parallel_loop3A_105 : i32
          %parallel_loop3A_107 = arith.index_cast %parallel_loop3A_106 : i32 to index
          %parallel_loop3A_108 = tpu.vector_load %arg7[%parallel_loop3A_107] {strides = array<i32>} : memref<20480xf32, #tpu.memory_space<vmem>>, vector<16xf32>,
          %parallel_loop3A_109 = arith.constant 32 : i32
          %parallel_loop3A_110 = vector.broadcast %parallel_loop3A_109 : i32 to vector<16xi32>
          %parallel_loop3A_111 = arith.addi %parallel_loop3A_80, %parallel_loop3A_110 : vector<16xi32>
          %parallel_loop3A_112 = arith.addi %parallel_loop3A_111, %iota3A : vector<16xi32>
          tpu.vector_store_idx %arg12[%parallel_loop3A_112], %parallel_loop3A_108 {add = true} : memref<51200xf32, #tpu.memory_space<vmem>>[vector<16xi32>], vector<16xf32>,
          %parallel_loop3A_113 = arith.mulf %parallel_loop3A_108, %parallel_loop3A_108 : vector<16xf32>
          %parallel_loop3A_114 = arith.addf %parallel_loop3A_104, %parallel_loop3A_113 : vector<16xf32>
          %parallel_loop3A_115 = arith.constant 48 : i32
          %parallel_loop3A_116 = arith.addi %parallel_loop3A_82, %parallel_loop3A_115 : i32
          %parallel_loop3A_117 = arith.index_cast %parallel_loop3A_116 : i32 to index
          %parallel_loop3A_118 = tpu.vector_load %arg7[%parallel_loop3A_117] {strides = array<i32>} : memref<20480xf32, #tpu.memory_space<vmem>>, vector<16xf32>,
          %parallel_loop3A_119 = arith.constant 48 : i32
          %parallel_loop3A_120 = vector.broadcast %parallel_loop3A_119 : i32 to vector<16xi32>
          %parallel_loop3A_121 = arith.addi %parallel_loop3A_80, %parallel_loop3A_120 : vector<16xi32>
          %parallel_loop3A_122 = arith.addi %parallel_loop3A_121, %iota3A : vector<16xi32>
          tpu.vector_store_idx %arg12[%parallel_loop3A_122], %parallel_loop3A_118 {add = true} : memref<51200xf32, #tpu.memory_space<vmem>>[vector<16xi32>], vector<16xf32>,
          %parallel_loop3A_123 = arith.mulf %parallel_loop3A_118, %parallel_loop3A_118 : vector<16xf32>
          %parallel_loop3A_124 = arith.addf %parallel_loop3A_114, %parallel_loop3A_123 : vector<16xf32>
          %parallel_loop3A_125 = arith.constant 64 : i32
          %parallel_loop3A_126 = arith.addi %parallel_loop3A_82, %parallel_loop3A_125 : i32
          %parallel_loop3A_127 = arith.index_cast %parallel_loop3A_126 : i32 to index
          %parallel_loop3A_128 = tpu.vector_load %arg7[%parallel_loop3A_127] {strides = array<i32>} : memref<20480xf32, #tpu.memory_space<vmem>>, vector<16xf32>,
          %parallel_loop3A_129 = arith.constant 64 : i32
          %parallel_loop3A_130 = vector.broadcast %parallel_loop3A_129 : i32 to vector<16xi32>
          %parallel_loop3A_131 = arith.addi %parallel_loop3A_80, %parallel_loop3A_130 : vector<16xi32>
          %parallel_loop3A_132 = arith.addi %parallel_loop3A_131, %iota3A : vector<16xi32>
          tpu.vector_store_idx %arg12[%parallel_loop3A_132], %parallel_loop3A_128 {add = true} : memref<51200xf32, #tpu.memory_space<vmem>>[vector<16xi32>], vector<16xf32>,
          %parallel_loop3A_133 = arith.mulf %parallel_loop3A_128, %parallel_loop3A_128 : vector<16xf32>
          %parallel_loop3A_134 = arith.addf %parallel_loop3A_124, %parallel_loop3A_133 : vector<16xf32>
          %parallel_loop3A_135 = arith.constant 80 : i32
          %parallel_loop3A_136 = arith.addi %parallel_loop3A_82, %parallel_loop3A_135 : i32
          %parallel_loop3A_137 = arith.index_cast %parallel_loop3A_136 : i32 to index
          %parallel_loop3A_138 = tpu.vector_load %arg7[%parallel_loop3A_137] {strides = array<i32>} : memref<20480xf32, #tpu.memory_space<vmem>>, vector<16xf32>,
          %parallel_loop3A_139 = arith.constant 80 : i32
          %parallel_loop3A_140 = vector.broadcast %parallel_loop3A_139 : i32 to vector<16xi32>
          %parallel_loop3A_141 = arith.addi %parallel_loop3A_80, %parallel_loop3A_140 : vector<16xi32>
          %parallel_loop3A_142 = arith.addi %parallel_loop3A_141, %iota3A : vector<16xi32>
          tpu.vector_store_idx %arg12[%parallel_loop3A_142], %parallel_loop3A_138 {add = true} : memref<51200xf32, #tpu.memory_space<vmem>>[vector<16xi32>], vector<16xf32>,
          %parallel_loop3A_143 = arith.mulf %parallel_loop3A_138, %parallel_loop3A_138 : vector<16xf32>
          %parallel_loop3A_144 = arith.addf %parallel_loop3A_134, %parallel_loop3A_143 : vector<16xf32>
          %parallel_loop3A_145 = arith.constant 96 : i32
          %parallel_loop3A_146 = arith.addi %parallel_loop3A_82, %parallel_loop3A_145 : i32
          %parallel_loop3A_147 = arith.index_cast %parallel_loop3A_146 : i32 to index
          %parallel_loop3A_148 = tpu.vector_load %arg7[%parallel_loop3A_147] {strides = array<i32>} : memref<20480xf32, #tpu.memory_space<vmem>>, vector<16xf32>,
          %parallel_loop3A_149 = arith.constant 96 : i32
          %parallel_loop3A_150 = vector.broadcast %parallel_loop3A_149 : i32 to vector<16xi32>
          %parallel_loop3A_151 = arith.addi %parallel_loop3A_80, %parallel_loop3A_150 : vector<16xi32>
          %parallel_loop3A_152 = arith.addi %parallel_loop3A_151, %iota3A : vector<16xi32>
          tpu.vector_store_idx %arg12[%parallel_loop3A_152], %parallel_loop3A_148 {add = true} : memref<51200xf32, #tpu.memory_space<vmem>>[vector<16xi32>], vector<16xf32>,
          %parallel_loop3A_153 = arith.mulf %parallel_loop3A_148, %parallel_loop3A_148 : vector<16xf32>
          %parallel_loop3A_154 = arith.addf %parallel_loop3A_144, %parallel_loop3A_153 : vector<16xf32>
          %parallel_loop3A_155 = arith.constant 112 : i32
          %parallel_loop3A_156 = arith.addi %parallel_loop3A_82, %parallel_loop3A_155 : i32
          %parallel_loop3A_157 = arith.index_cast %parallel_loop3A_156 : i32 to index
          %parallel_loop3A_158 = tpu.vector_load %arg7[%parallel_loop3A_157] {strides = array<i32>} : memref<20480xf32, #tpu.memory_space<vmem>>, vector<16xf32>,
          %parallel_loop3A_159 = arith.constant 112 : i32
          %parallel_loop3A_160 = vector.broadcast %parallel_loop3A_159 : i32 to vector<16xi32>
          %parallel_loop3A_161 = arith.addi %parallel_loop3A_80, %parallel_loop3A_160 : vector<16xi32>
          %parallel_loop3A_162 = arith.addi %parallel_loop3A_161, %iota3A : vector<16xi32>
          tpu.vector_store_idx %arg12[%parallel_loop3A_162], %parallel_loop3A_158 {add = true} : memref<51200xf32, #tpu.memory_space<vmem>>[vector<16xi32>], vector<16xf32>,
          %parallel_loop3A_163 = arith.mulf %parallel_loop3A_158, %parallel_loop3A_158 : vector<16xf32>
          %parallel_loop3A_164 = arith.addf %parallel_loop3A_154, %parallel_loop3A_163 : vector<16xf32>
          %parallel_loop3A_165 = arith.constant 128 : i32
          %parallel_loop3A_166 = vector.broadcast %parallel_loop3A_165 : i32 to vector<16xi32>
          %parallel_loop3A_167 = arith.addi %parallel_loop3A_80, %parallel_loop3A_166 : vector<16xi32>
          %parallel_loop3A_168 = arith.addi %parallel_loop3A_167, %iota3A : vector<16xi32>
          tpu.vector_store_idx %arg12[%parallel_loop3A_168], %parallel_loop3A_164 {add = true} : memref<51200xf32, #tpu.memory_space<vmem>>[vector<16xi32>], vector<16xf32>,
          %parallel_loop3A_169 = arith.constant 144 : i32
          %parallel_loop3A_170 = vector.broadcast %parallel_loop3A_169 : i32 to vector<16xi32>
          %parallel_loop3A_171 = arith.addi %parallel_loop3A_80, %parallel_loop3A_170 : vector<16xi32>
          %parallel_loop3A_172 = arith.addi %parallel_loop3A_171, %iota3A : vector<16xi32>
          tpu.vector_store_idx %arg12[%parallel_loop3A_172], %broadcast_in_dim3A_1 {add = true} : memref<51200xf32, #tpu.memory_space<vmem>>[vector<16xi32>], vector<16xf32>,
        } {sc.loop_unroll_factor = 2 : i64, sc.parallel_access}
      } else {
      }
      %scan3A_54 = arith.constant 0 : i32
      scf.yield %scan3A_54 : i32
    }
    %scan3A_25 = arith.constant 6 : i32
    "tpu.region"() ({
      %run_scoped3A = tpu.sem_alloc : memref<!tpu.dma_semaphore, #tpu.memory_space<semaphore_mem>>
      %dma_start3A_26 = arith.constant 0 : i32
      %dma_start3A_27 = tpu.memref_slice %arg5[%add3A, %dma_start3A_26] : memref<32x51200xf32, #tpu.memory_space<hbm>> -> memref<1x51200xf32, #tpu.memory_space<hbm>>
      %dma_start3A_28 = tpu.memref_squeeze %dma_start3A_27 : memref<1x51200xf32, #tpu.memory_space<hbm>> -> memref<51200xf32, #tpu.memory_space<hbm>>
      %dma_start3A_29 = arith.constant 0 : i32
      %dma_start3A_30 = tpu.memref_slice %arg5[%add3A, %dma_start3A_29] : memref<32x51200xf32, #tpu.memory_space<hbm>> -> memref<1x51200xf32, #tpu.memory_space<hbm>>
      %dma_start3A_31 = tpu.memref_squeeze %dma_start3A_30 : memref<1x51200xf32, #tpu.memory_space<hbm>> -> memref<51200xf32, #tpu.memory_space<hbm>>
      tpu.enqueue_dma source(%arg12 : memref<51200xf32, #tpu.memory_space<vmem>>) target(%dma_start3A_31 : memref<51200xf32, #tpu.memory_space<hbm>>) target_semaphore(%run_scoped3A : memref<!tpu.dma_semaphore, #tpu.memory_space<semaphore_mem>>)
      %dma_wait3A = arith.constant 0 : i32
      %dma_wait3A_32 = tpu.memref_slice %arg5[%add3A, %dma_wait3A] : memref<32x51200xf32, #tpu.memory_space<hbm>> -> memref<1x51200xf32, #tpu.memory_space<hbm>>
      %dma_wait3A_33 = tpu.memref_squeeze %dma_wait3A_32 : memref<1x51200xf32, #tpu.memory_space<hbm>> -> memref<51200xf32, #tpu.memory_space<hbm>>
      %dma_wait3A_34 = arith.constant 0 : i32
      %dma_wait3A_35 = tpu.memref_slice %arg5[%add3A, %dma_wait3A_34] : memref<32x51200xf32, #tpu.memory_space<hbm>> -> memref<1x51200xf32, #tpu.memory_space<hbm>>
      %dma_wait3A_36 = tpu.memref_squeeze %dma_wait3A_35 : memref<1x51200xf32, #tpu.memory_space<hbm>> -> memref<51200xf32, #tpu.memory_space<hbm>>
      tpu.wait_dma2 semaphore(%run_scoped3A : memref<!tpu.dma_semaphore, #tpu.memory_space<semaphore_mem>>) src(%arg12 : memref<51200xf32, #tpu.memory_space<vmem>>) dst(%dma_wait3A_36 : memref<51200xf32, #tpu.memory_space<hbm>>)
      tpu.yield
    }) : () -> ()
    return
  }
}

#map = affine_map<(d0, d1) -> (0)>
module attributes {stable_mosaic.version = 14 : i64} {
  func.func @_pass2(%arg0: i32, %arg1: i32, %arg2: memref<12800000xf32, #tpu.memory_space<hbm>>, %arg3: memref<100000xi32, #tpu.memory_space<hbm>>, %arg4: memref<100000xi32, #tpu.memory_space<hbm>>, %arg5: memref<41600xf32, #tpu.memory_space<hbm>>, %arg6: memref<12800000xf32, #tpu.memory_space<hbm>>, %arg7: memref<20480xf32, #tpu.memory_space<vmem>>, %arg8: memref<20480xf32, #tpu.memory_space<vmem>>, %arg9: memref<160xi32, #tpu.memory_space<vmem>>, %arg10: memref<160xi32, #tpu.memory_space<vmem>>, %arg11: memref<160xi32, #tpu.memory_space<vmem>>, %arg12: memref<160xi32, #tpu.memory_space<vmem>>, %arg13: memref<41600xf32, #tpu.memory_space<vmem>>, %arg14: memref<20480xf32, #tpu.memory_space<vmem>>, %arg15: memref<20480xf32, #tpu.memory_space<vmem>>, %arg16: memref<160xi32, #tpu.memory_space<vmem>>, %arg17: memref<160xf32, #tpu.memory_space<vmem>>, %arg18: memref<!tpu.dma_semaphore, #tpu.memory_space<semaphore_mem>>, %arg19: memref<!tpu.dma_semaphore, #tpu.memory_space<semaphore_mem>>, %arg20: memref<!tpu.dma_semaphore, #tpu.memory_space<semaphore_mem>>, %arg21: memref<!tpu.dma_semaphore, #tpu.memory_space<semaphore_mem>>) attributes {dimension_semantics = [#tpu.dimension_semantics<core_parallel>, #tpu.dimension_semantics<subcore_parallel>], iteration_bounds = array<i64: 2, 16>, scalar_prefetch = 0 : i64, scratch_operands = 15 : i64, tpu.core_type = #tpu.core_type<sc_vector_subcore>, window_params = [{transform_indices = #map}, {transform_indices = #map}, {transform_indices = #map}, {transform_indices = #map}, {transform_indices = #map}]} {
    %mul3A = arith.constant 2 : i32
    %mul3A_0 = arith.muli %arg1, %mul3A : i32
    %add3A = arith.addi %mul3A_0, %arg0 : i32
    %iota3A = tpu.iota {dimensions = array<i32: 0>} : vector<16xi32>
    %mul3A_1 = arith.constant 20480 : i32
    %mul3A_2 = arith.muli %add3A, %mul3A_1 : i32
    %dma_start3A = tpu.memref_slice %arg2[%mul3A_2] : memref<12800000xf32, #tpu.memory_space<hbm>> -> memref<20480xf32, #tpu.memory_space<hbm>>
    %dma_start3A_3 = tpu.memref_slice %arg2[%mul3A_2] : memref<12800000xf32, #tpu.memory_space<hbm>> -> memref<20480xf32, #tpu.memory_space<hbm>>
    tpu.enqueue_dma source(%dma_start3A_3 : memref<20480xf32, #tpu.memory_space<hbm>>) target(%arg7 : memref<20480xf32, #tpu.memory_space<vmem>>) target_semaphore(%arg18 : memref<!tpu.dma_semaphore, #tpu.memory_space<semaphore_mem>>)
    %mul3A_4 = arith.constant 160 : i32
    %mul3A_5 = arith.muli %add3A, %mul3A_4 : i32
    %dma_start3A_6 = tpu.memref_slice %arg3[%mul3A_5] : memref<100000xi32, #tpu.memory_space<hbm>> -> memref<160xi32, #tpu.memory_space<hbm>>
    %dma_start3A_7 = tpu.memref_slice %arg3[%mul3A_5] : memref<100000xi32, #tpu.memory_space<hbm>> -> memref<160xi32, #tpu.memory_space<hbm>>
    tpu.enqueue_dma source(%dma_start3A_7 : memref<160xi32, #tpu.memory_space<hbm>>) target(%arg9 : memref<160xi32, #tpu.memory_space<vmem>>) target_semaphore(%arg18 : memref<!tpu.dma_semaphore, #tpu.memory_space<semaphore_mem>>)
    %mul3A_8 = arith.constant 160 : i32
    %mul3A_9 = arith.muli %add3A, %mul3A_8 : i32
    %dma_start3A_10 = tpu.memref_slice %arg4[%mul3A_9] : memref<100000xi32, #tpu.memory_space<hbm>> -> memref<160xi32, #tpu.memory_space<hbm>>
    %dma_start3A_11 = tpu.memref_slice %arg4[%mul3A_9] : memref<100000xi32, #tpu.memory_space<hbm>> -> memref<160xi32, #tpu.memory_space<hbm>>
    tpu.enqueue_dma source(%dma_start3A_11 : memref<160xi32, #tpu.memory_space<hbm>>) target(%arg11 : memref<160xi32, #tpu.memory_space<vmem>>) target_semaphore(%arg18 : memref<!tpu.dma_semaphore, #tpu.memory_space<semaphore_mem>>)
    "tpu.region"() ({
      %run_scoped3A = tpu.sem_alloc : memref<!tpu.dma_semaphore, #tpu.memory_space<semaphore_mem>>
      tpu.enqueue_dma source(%arg5 : memref<41600xf32, #tpu.memory_space<hbm>>) target(%arg13 : memref<41600xf32, #tpu.memory_space<vmem>>) target_semaphore(%run_scoped3A : memref<!tpu.dma_semaphore, #tpu.memory_space<semaphore_mem>>)
      tpu.wait_dma2 semaphore(%run_scoped3A : memref<!tpu.dma_semaphore, #tpu.memory_space<semaphore_mem>>) src(%arg5 : memref<41600xf32, #tpu.memory_space<hbm>>) dst(%arg13 : memref<41600xf32, #tpu.memory_space<vmem>>)
      tpu.yield
    }) : () -> ()
    %scan3A = arith.constant 0 : i32
    %scan3A_12 = arith.constant 0 : i32
    %scan3A_13 = arith.constant 10 : i32
    %scan3A_14 = arith.addi %scan3A_12, %scan3A_13 : i32
    %scan3A_15 = arith.constant 1 : i32
    %scan3A_16 = scf.for %scan3A_29 = %scan3A_12 to %scan3A_14 step %scan3A_15 iter_args(%scan3A_30 = %scan3A) -> (i32)  : i32 {
      %mul3A_31 = arith.constant 2 : i32
      %mul3A_32 = arith.muli %mul3A_31, %scan3A_29 : i32
      %mul3A_33 = arith.constant 32 : i32
      %mul3A_34 = arith.muli %mul3A_32, %mul3A_33 : i32
      %add3A_35 = arith.addi %add3A, %mul3A_34 : i32
      %add3A_36 = arith.constant 32 : i32
      %add3A_37 = arith.addi %add3A_35, %add3A_36 : i32
      %add3A_38 = arith.constant 64 : i32
      %add3A_39 = arith.addi %add3A_35, %add3A_38 : i32
      %lt3A_40 = arith.constant 625 : i32
      %lt3A_41 = arith.cmpi slt, %add3A_37, %lt3A_40 : i32
      %convert_element_type3A_42 = arith.extui %lt3A_41 : i1 to i32
      %cond3A_43 = arith.constant 0 : i32
      %cond3A_44 = arith.cmpi ne, %convert_element_type3A_42, %cond3A_43 : i32
      scf.if %cond3A_44 {
        %mul3A_78 = arith.constant 20480 : i32
        %mul3A_79 = arith.muli %add3A_37, %mul3A_78 : i32
        %dma_start3A_80 = tpu.memref_slice %arg2[%mul3A_79] : memref<12800000xf32, #tpu.memory_space<hbm>> -> memref<20480xf32, #tpu.memory_space<hbm>>
        %dma_start3A_81 = tpu.memref_slice %arg2[%mul3A_79] : memref<12800000xf32, #tpu.memory_space<hbm>> -> memref<20480xf32, #tpu.memory_space<hbm>>
        tpu.enqueue_dma source(%dma_start3A_81 : memref<20480xf32, #tpu.memory_space<hbm>>) target(%arg8 : memref<20480xf32, #tpu.memory_space<vmem>>) target_semaphore(%arg19 : memref<!tpu.dma_semaphore, #tpu.memory_space<semaphore_mem>>)
        %mul3A_82 = arith.constant 160 : i32
        %mul3A_83 = arith.muli %add3A_37, %mul3A_82 : i32
        %dma_start3A_84 = tpu.memref_slice %arg3[%mul3A_83] : memref<100000xi32, #tpu.memory_space<hbm>> -> memref<160xi32, #tpu.memory_space<hbm>>
        %dma_start3A_85 = tpu.memref_slice %arg3[%mul3A_83] : memref<100000xi32, #tpu.memory_space<hbm>> -> memref<160xi32, #tpu.memory_space<hbm>>
        tpu.enqueue_dma source(%dma_start3A_85 : memref<160xi32, #tpu.memory_space<hbm>>) target(%arg10 : memref<160xi32, #tpu.memory_space<vmem>>) target_semaphore(%arg19 : memref<!tpu.dma_semaphore, #tpu.memory_space<semaphore_mem>>)
        %mul3A_86 = arith.constant 160 : i32
        %mul3A_87 = arith.muli %add3A_37, %mul3A_86 : i32
        %dma_start3A_88 = tpu.memref_slice %arg4[%mul3A_87] : memref<100000xi32, #tpu.memory_space<hbm>> -> memref<160xi32, #tpu.memory_space<hbm>>
        %dma_start3A_89 = tpu.memref_slice %arg4[%mul3A_87] : memref<100000xi32, #tpu.memory_space<hbm>> -> memref<160xi32, #tpu.memory_space<hbm>>
        tpu.enqueue_dma source(%dma_start3A_89 : memref<160xi32, #tpu.memory_space<hbm>>) target(%arg12 : memref<160xi32, #tpu.memory_space<vmem>>) target_semaphore(%arg19 : memref<!tpu.dma_semaphore, #tpu.memory_space<semaphore_mem>>)
      } else {
      }
      %ge3A = arith.constant 1 : i32
      %ge3A_45 = arith.cmpi sge, %scan3A_29, %ge3A : i32
      %sub3A = arith.constant 64 : i32
      %sub3A_46 = arith.subi %add3A_35, %sub3A : i32
      %lt3A_47 = arith.constant 625 : i32
      %lt3A_48 = arith.cmpi slt, %sub3A_46, %lt3A_47 : i32
      %and3A = arith.andi %ge3A_45, %lt3A_48 : i1
      %convert_element_type3A_49 = arith.extui %and3A : i1 to i32
      %cond3A_50 = arith.constant 0 : i32
      %cond3A_51 = arith.cmpi ne, %convert_element_type3A_49, %cond3A_50 : i32
      scf.if %cond3A_51 {
        %sub3A_78 = arith.constant 64 : i32
        %sub3A_79 = arith.subi %add3A_35, %sub3A_78 : i32
        %mul3A_80 = arith.constant 20480 : i32
        %mul3A_81 = arith.muli %sub3A_79, %mul3A_80 : i32
        %dma_wait3A = tpu.memref_slice %arg6[%mul3A_81] : memref<12800000xf32, #tpu.memory_space<hbm>> -> memref<20480xf32, #tpu.memory_space<hbm>>
        %dma_wait3A_82 = tpu.memref_slice %arg6[%mul3A_81] : memref<12800000xf32, #tpu.memory_space<hbm>> -> memref<20480xf32, #tpu.memory_space<hbm>>
        tpu.wait_dma2 semaphore(%arg20 : memref<!tpu.dma_semaphore, #tpu.memory_space<semaphore_mem>>) src(%arg14 : memref<20480xf32, #tpu.memory_space<vmem>>) dst(%dma_wait3A_82 : memref<20480xf32, #tpu.memory_space<hbm>>)
      } else {
      }
      %lt3A_52 = arith.constant 625 : i32
      %lt3A_53 = arith.cmpi slt, %add3A_35, %lt3A_52 : i32
      %convert_element_type3A_54 = arith.extui %lt3A_53 : i1 to i32
      %cond3A_55 = arith.constant 0 : i32
      %cond3A_56 = arith.cmpi ne, %convert_element_type3A_54, %cond3A_55 : i32
      scf.if %cond3A_56 {
        %mul3A_78 = arith.constant 20480 : i32
        %mul3A_79 = arith.muli %add3A_35, %mul3A_78 : i32
        %dma_wait3A = tpu.memref_slice %arg2[%mul3A_79] : memref<12800000xf32, #tpu.memory_space<hbm>> -> memref<20480xf32, #tpu.memory_space<hbm>>
        %dma_wait3A_80 = tpu.memref_slice %arg2[%mul3A_79] : memref<12800000xf32, #tpu.memory_space<hbm>> -> memref<20480xf32, #tpu.memory_space<hbm>>
        tpu.wait_dma2 semaphore(%arg18 : memref<!tpu.dma_semaphore, #tpu.memory_space<semaphore_mem>>) src(%dma_wait3A_80 : memref<20480xf32, #tpu.memory_space<hbm>>) dst(%arg7 : memref<20480xf32, #tpu.memory_space<vmem>>)
        %mul3A_81 = arith.constant 160 : i32
        %mul3A_82 = arith.muli %add3A_35, %mul3A_81 : i32
        %dma_wait3A_83 = tpu.memref_slice %arg3[%mul3A_82] : memref<100000xi32, #tpu.memory_space<hbm>> -> memref<160xi32, #tpu.memory_space<hbm>>
        %dma_wait3A_84 = tpu.memref_slice %arg3[%mul3A_82] : memref<100000xi32, #tpu.memory_space<hbm>> -> memref<160xi32, #tpu.memory_space<hbm>>
        tpu.wait_dma2 semaphore(%arg18 : memref<!tpu.dma_semaphore, #tpu.memory_space<semaphore_mem>>) src(%dma_wait3A_84 : memref<160xi32, #tpu.memory_space<hbm>>) dst(%arg9 : memref<160xi32, #tpu.memory_space<vmem>>)
        %mul3A_85 = arith.constant 160 : i32
        %mul3A_86 = arith.muli %add3A_35, %mul3A_85 : i32
        %dma_wait3A_87 = tpu.memref_slice %arg4[%mul3A_86] : memref<100000xi32, #tpu.memory_space<hbm>> -> memref<160xi32, #tpu.memory_space<hbm>>
        %dma_wait3A_88 = tpu.memref_slice %arg4[%mul3A_86] : memref<100000xi32, #tpu.memory_space<hbm>> -> memref<160xi32, #tpu.memory_space<hbm>>
        tpu.wait_dma2 semaphore(%arg18 : memref<!tpu.dma_semaphore, #tpu.memory_space<semaphore_mem>>) src(%dma_wait3A_88 : memref<160xi32, #tpu.memory_space<hbm>>) dst(%arg11 : memref<160xi32, #tpu.memory_space<vmem>>)
        %scan3A_89 = arith.constant 0 : i32
        %scan3A_90 = arith.constant 0 : i32
        %scan3A_91 = arith.constant 10 : i32
        %scan3A_92 = arith.addi %scan3A_90, %scan3A_91 : i32
        %scan3A_93 = arith.constant 1 : i32
        %scan3A_94 = scf.for %scan3A_102 = %scan3A_90 to %scan3A_92 step %scan3A_93 iter_args(%scan3A_103 = %scan3A_89) -> (i32)  : i32 {
          %mul3A_104 = arith.constant 16 : i32
          %mul3A_105 = arith.muli %scan3A_102, %mul3A_104 : i32
          %get3A = arith.index_cast %mul3A_105 : i32 to index
          %get3A_106 = tpu.vector_load %arg9[%get3A] {strides = array<i32>} : memref<160xi32, #tpu.memory_space<vmem>>, vector<16xi32>,
          %mul3A_107 = arith.constant 16 : i32
          %mul3A_108 = arith.muli %scan3A_102, %mul3A_107 : i32
          %get3A_109 = arith.index_cast %mul3A_108 : i32 to index
          %get3A_110 = tpu.vector_load %arg11[%get3A_109] {strides = array<i32>} : memref<160xi32, #tpu.memory_space<vmem>>, vector<16xi32>,
          %mul3A_111 = arith.constant 16 : i32
          %mul3A_112 = vector.broadcast %mul3A_111 : i32 to vector<16xi32>
          %mul3A_113 = arith.muli %get3A_110, %mul3A_112 : vector<16xi32>
          %add3A_114 = arith.addi %mul3A_113, %get3A_106 : vector<16xi32>
          %mul3A_115 = arith.constant 16 : i32
          %mul3A_116 = arith.muli %scan3A_102, %mul3A_115 : i32
          %swap3A = arith.index_cast %mul3A_116 : i32 to index
          %swap3A_117 = tpu.vector_load %arg16[%swap3A] {strides = array<i32>} : memref<160xi32, #tpu.memory_space<vmem>>, vector<16xi32>,
          tpu.vector_store %arg16[%swap3A], %add3A_114 {strides = array<i32>} : memref<160xi32, #tpu.memory_space<vmem>>, vector<16xi32>,
          %mul3A_118 = arith.constant 130 : i32
          %mul3A_119 = vector.broadcast %mul3A_118 : i32 to vector<16xi32>
          %mul3A_120 = arith.muli %add3A_114, %mul3A_119 : vector<16xi32>
          %add3A_121 = arith.constant 128 : i32
          %add3A_122 = vector.broadcast %add3A_121 : i32 to vector<16xi32>
          %add3A_123 = arith.addi %mul3A_120, %add3A_122 : vector<16xi32>
          %gather3A = tpu.vector_load_idx %arg13[%add3A_123] : memref<41600xf32, #tpu.memory_space<vmem>>[vector<16xi32>], vector<16xf32>,
          %mul3A_124 = arith.constant 16 : i32
          %mul3A_125 = arith.muli %scan3A_102, %mul3A_124 : i32
          %swap3A_126 = arith.index_cast %mul3A_125 : i32 to index
          %swap3A_127 = tpu.vector_load %arg17[%swap3A_126] {strides = array<i32>} : memref<160xf32, #tpu.memory_space<vmem>>, vector<16xf32>,
          tpu.vector_store %arg17[%swap3A_126], %gather3A {strides = array<i32>} : memref<160xf32, #tpu.memory_space<vmem>>, vector<16xf32>,
          %scan3A_128 = arith.constant 0 : i32
          scf.yield %scan3A_128 : i32
        }
        %scan3A_95 = arith.constant 10 : i32
        %parallel_loop3A = arith.constant 0 : i32
        %parallel_loop3A_96 = arith.constant 160 : i32
        %parallel_loop3A_97 = arith.constant 1 : i32
        scf.for %parallel_loop3A_102 = %parallel_loop3A to %parallel_loop3A_96 step %parallel_loop3A_97  : i32 {
          %parallel_loop3A_103 = vector.broadcast %parallel_loop3A_102 : i32 to vector<16xi32>
          %parallel_loop3A_104 = tpu.vector_load_idx %arg17[%parallel_loop3A_103] : memref<160xf32, #tpu.memory_space<vmem>>[vector<16xi32>], vector<16xf32>,
          %parallel_loop3A_105 = tpu.vector_load_idx %arg16[%parallel_loop3A_103] : memref<160xi32, #tpu.memory_space<vmem>>[vector<16xi32>], vector<16xi32>,
          %parallel_loop3A_106 = arith.constant 130 : i32
          %parallel_loop3A_107 = vector.broadcast %parallel_loop3A_106 : i32 to vector<16xi32>
          %parallel_loop3A_108 = arith.muli %parallel_loop3A_105, %parallel_loop3A_107 : vector<16xi32>
          %parallel_loop3A_109 = arith.constant 128 : i32
          %parallel_loop3A_110 = arith.muli %parallel_loop3A_102, %parallel_loop3A_109 : i32
          %parallel_loop3A_111 = arith.constant 0 : i32
          %parallel_loop3A_112 = arith.addi %parallel_loop3A_110, %parallel_loop3A_111 : i32
          %parallel_loop3A_113 = arith.index_cast %parallel_loop3A_112 : i32 to index
          %parallel_loop3A_114 = tpu.vector_load %arg7[%parallel_loop3A_113] {strides = array<i32>} : memref<20480xf32, #tpu.memory_space<vmem>>, vector<16xf32>,
          %parallel_loop3A_115 = arith.constant 0 : i32
          %parallel_loop3A_116 = vector.broadcast %parallel_loop3A_115 : i32 to vector<16xi32>
          %parallel_loop3A_117 = arith.addi %parallel_loop3A_108, %parallel_loop3A_116 : vector<16xi32>
          %parallel_loop3A_118 = arith.addi %parallel_loop3A_117, %iota3A : vector<16xi32>
          %parallel_loop3A_119 = tpu.vector_load_idx %arg13[%parallel_loop3A_118] : memref<41600xf32, #tpu.memory_space<vmem>>[vector<16xi32>], vector<16xf32>,
          %parallel_loop3A_120 = arith.mulf %parallel_loop3A_104, %parallel_loop3A_114 : vector<16xf32>
          %parallel_loop3A_121 = arith.addf %parallel_loop3A_120, %parallel_loop3A_119 : vector<16xf32>
          %parallel_loop3A_122 = arith.constant 0 : i32
          %parallel_loop3A_123 = arith.addi %parallel_loop3A_110, %parallel_loop3A_122 : i32
          %parallel_loop3A_124 = arith.index_cast %parallel_loop3A_123 : i32 to index
          %parallel_loop3A_125 = tpu.vector_load %arg14[%parallel_loop3A_124] {strides = array<i32>} : memref<20480xf32, #tpu.memory_space<vmem>>, vector<16xf32>,
          tpu.vector_store %arg14[%parallel_loop3A_124], %parallel_loop3A_121 {strides = array<i32>} : memref<20480xf32, #tpu.memory_space<vmem>>, vector<16xf32>,
          %parallel_loop3A_126 = arith.constant 16 : i32
          %parallel_loop3A_127 = arith.addi %parallel_loop3A_110, %parallel_loop3A_126 : i32
          %parallel_loop3A_128 = arith.index_cast %parallel_loop3A_127 : i32 to index
          %parallel_loop3A_129 = tpu.vector_load %arg7[%parallel_loop3A_128] {strides = array<i32>} : memref<20480xf32, #tpu.memory_space<vmem>>, vector<16xf32>,
          %parallel_loop3A_130 = arith.constant 16 : i32
          %parallel_loop3A_131 = vector.broadcast %parallel_loop3A_130 : i32 to vector<16xi32>
          %parallel_loop3A_132 = arith.addi %parallel_loop3A_108, %parallel_loop3A_131 : vector<16xi32>
          %parallel_loop3A_133 = arith.addi %parallel_loop3A_132, %iota3A : vector<16xi32>
          %parallel_loop3A_134 = tpu.vector_load_idx %arg13[%parallel_loop3A_133] : memref<41600xf32, #tpu.memory_space<vmem>>[vector<16xi32>], vector<16xf32>,
          %parallel_loop3A_135 = arith.mulf %parallel_loop3A_104, %parallel_loop3A_129 : vector<16xf32>
          %parallel_loop3A_136 = arith.addf %parallel_loop3A_135, %parallel_loop3A_134 : vector<16xf32>
          %parallel_loop3A_137 = arith.constant 16 : i32
          %parallel_loop3A_138 = arith.addi %parallel_loop3A_110, %parallel_loop3A_137 : i32
          %parallel_loop3A_139 = arith.index_cast %parallel_loop3A_138 : i32 to index
          %parallel_loop3A_140 = tpu.vector_load %arg14[%parallel_loop3A_139] {strides = array<i32>} : memref<20480xf32, #tpu.memory_space<vmem>>, vector<16xf32>,
          tpu.vector_store %arg14[%parallel_loop3A_139], %parallel_loop3A_136 {strides = array<i32>} : memref<20480xf32, #tpu.memory_space<vmem>>, vector<16xf32>,
          %parallel_loop3A_141 = arith.constant 32 : i32
          %parallel_loop3A_142 = arith.addi %parallel_loop3A_110, %parallel_loop3A_141 : i32
          %parallel_loop3A_143 = arith.index_cast %parallel_loop3A_142 : i32 to index
          %parallel_loop3A_144 = tpu.vector_load %arg7[%parallel_loop3A_143] {strides = array<i32>} : memref<20480xf32, #tpu.memory_space<vmem>>, vector<16xf32>,
          %parallel_loop3A_145 = arith.constant 32 : i32
          %parallel_loop3A_146 = vector.broadcast %parallel_loop3A_145 : i32 to vector<16xi32>
          %parallel_loop3A_147 = arith.addi %parallel_loop3A_108, %parallel_loop3A_146 : vector<16xi32>
          %parallel_loop3A_148 = arith.addi %parallel_loop3A_147, %iota3A : vector<16xi32>
          %parallel_loop3A_149 = tpu.vector_load_idx %arg13[%parallel_loop3A_148] : memref<41600xf32, #tpu.memory_space<vmem>>[vector<16xi32>], vector<16xf32>,
          %parallel_loop3A_150 = arith.mulf %parallel_loop3A_104, %parallel_loop3A_144 : vector<16xf32>
          %parallel_loop3A_151 = arith.addf %parallel_loop3A_150, %parallel_loop3A_149 : vector<16xf32>
          %parallel_loop3A_152 = arith.constant 32 : i32
          %parallel_loop3A_153 = arith.addi %parallel_loop3A_110, %parallel_loop3A_152 : i32
          %parallel_loop3A_154 = arith.index_cast %parallel_loop3A_153 : i32 to index
          %parallel_loop3A_155 = tpu.vector_load %arg14[%parallel_loop3A_154] {strides = array<i32>} : memref<20480xf32, #tpu.memory_space<vmem>>, vector<16xf32>,
          tpu.vector_store %arg14[%parallel_loop3A_154], %parallel_loop3A_151 {strides = array<i32>} : memref<20480xf32, #tpu.memory_space<vmem>>, vector<16xf32>,
          %parallel_loop3A_156 = arith.constant 48 : i32
          %parallel_loop3A_157 = arith.addi %parallel_loop3A_110, %parallel_loop3A_156 : i32
          %parallel_loop3A_158 = arith.index_cast %parallel_loop3A_157 : i32 to index
          %parallel_loop3A_159 = tpu.vector_load %arg7[%parallel_loop3A_158] {strides = array<i32>} : memref<20480xf32, #tpu.memory_space<vmem>>, vector<16xf32>,
          %parallel_loop3A_160 = arith.constant 48 : i32
          %parallel_loop3A_161 = vector.broadcast %parallel_loop3A_160 : i32 to vector<16xi32>
          %parallel_loop3A_162 = arith.addi %parallel_loop3A_108, %parallel_loop3A_161 : vector<16xi32>
          %parallel_loop3A_163 = arith.addi %parallel_loop3A_162, %iota3A : vector<16xi32>
          %parallel_loop3A_164 = tpu.vector_load_idx %arg13[%parallel_loop3A_163] : memref<41600xf32, #tpu.memory_space<vmem>>[vector<16xi32>], vector<16xf32>,
          %parallel_loop3A_165 = arith.mulf %parallel_loop3A_104, %parallel_loop3A_159 : vector<16xf32>
          %parallel_loop3A_166 = arith.addf %parallel_loop3A_165, %parallel_loop3A_164 : vector<16xf32>
          %parallel_loop3A_167 = arith.constant 48 : i32
          %parallel_loop3A_168 = arith.addi %parallel_loop3A_110, %parallel_loop3A_167 : i32
          %parallel_loop3A_169 = arith.index_cast %parallel_loop3A_168 : i32 to index
          %parallel_loop3A_170 = tpu.vector_load %arg14[%parallel_loop3A_169] {strides = array<i32>} : memref<20480xf32, #tpu.memory_space<vmem>>, vector<16xf32>,
          tpu.vector_store %arg14[%parallel_loop3A_169], %parallel_loop3A_166 {strides = array<i32>} : memref<20480xf32, #tpu.memory_space<vmem>>, vector<16xf32>,
          %parallel_loop3A_171 = arith.constant 64 : i32
          %parallel_loop3A_172 = arith.addi %parallel_loop3A_110, %parallel_loop3A_171 : i32
          %parallel_loop3A_173 = arith.index_cast %parallel_loop3A_172 : i32 to index
          %parallel_loop3A_174 = tpu.vector_load %arg7[%parallel_loop3A_173] {strides = array<i32>} : memref<20480xf32, #tpu.memory_space<vmem>>, vector<16xf32>,
          %parallel_loop3A_175 = arith.constant 64 : i32
          %parallel_loop3A_176 = vector.broadcast %parallel_loop3A_175 : i32 to vector<16xi32>
          %parallel_loop3A_177 = arith.addi %parallel_loop3A_108, %parallel_loop3A_176 : vector<16xi32>
          %parallel_loop3A_178 = arith.addi %parallel_loop3A_177, %iota3A : vector<16xi32>
          %parallel_loop3A_179 = tpu.vector_load_idx %arg13[%parallel_loop3A_178] : memref<41600xf32, #tpu.memory_space<vmem>>[vector<16xi32>], vector<16xf32>,
          %parallel_loop3A_180 = arith.mulf %parallel_loop3A_104, %parallel_loop3A_174 : vector<16xf32>
          %parallel_loop3A_181 = arith.addf %parallel_loop3A_180, %parallel_loop3A_179 : vector<16xf32>
          %parallel_loop3A_182 = arith.constant 64 : i32
          %parallel_loop3A_183 = arith.addi %parallel_loop3A_110, %parallel_loop3A_182 : i32
          %parallel_loop3A_184 = arith.index_cast %parallel_loop3A_183 : i32 to index
          %parallel_loop3A_185 = tpu.vector_load %arg14[%parallel_loop3A_184] {strides = array<i32>} : memref<20480xf32, #tpu.memory_space<vmem>>, vector<16xf32>,
          tpu.vector_store %arg14[%parallel_loop3A_184], %parallel_loop3A_181 {strides = array<i32>} : memref<20480xf32, #tpu.memory_space<vmem>>, vector<16xf32>,
          %parallel_loop3A_186 = arith.constant 80 : i32
          %parallel_loop3A_187 = arith.addi %parallel_loop3A_110, %parallel_loop3A_186 : i32
          %parallel_loop3A_188 = arith.index_cast %parallel_loop3A_187 : i32 to index
          %parallel_loop3A_189 = tpu.vector_load %arg7[%parallel_loop3A_188] {strides = array<i32>} : memref<20480xf32, #tpu.memory_space<vmem>>, vector<16xf32>,
          %parallel_loop3A_190 = arith.constant 80 : i32
          %parallel_loop3A_191 = vector.broadcast %parallel_loop3A_190 : i32 to vector<16xi32>
          %parallel_loop3A_192 = arith.addi %parallel_loop3A_108, %parallel_loop3A_191 : vector<16xi32>
          %parallel_loop3A_193 = arith.addi %parallel_loop3A_192, %iota3A : vector<16xi32>
          %parallel_loop3A_194 = tpu.vector_load_idx %arg13[%parallel_loop3A_193] : memref<41600xf32, #tpu.memory_space<vmem>>[vector<16xi32>], vector<16xf32>,
          %parallel_loop3A_195 = arith.mulf %parallel_loop3A_104, %parallel_loop3A_189 : vector<16xf32>
          %parallel_loop3A_196 = arith.addf %parallel_loop3A_195, %parallel_loop3A_194 : vector<16xf32>
          %parallel_loop3A_197 = arith.constant 80 : i32
          %parallel_loop3A_198 = arith.addi %parallel_loop3A_110, %parallel_loop3A_197 : i32
          %parallel_loop3A_199 = arith.index_cast %parallel_loop3A_198 : i32 to index
          %parallel_loop3A_200 = tpu.vector_load %arg14[%parallel_loop3A_199] {strides = array<i32>} : memref<20480xf32, #tpu.memory_space<vmem>>, vector<16xf32>,
          tpu.vector_store %arg14[%parallel_loop3A_199], %parallel_loop3A_196 {strides = array<i32>} : memref<20480xf32, #tpu.memory_space<vmem>>, vector<16xf32>,
          %parallel_loop3A_201 = arith.constant 96 : i32
          %parallel_loop3A_202 = arith.addi %parallel_loop3A_110, %parallel_loop3A_201 : i32
          %parallel_loop3A_203 = arith.index_cast %parallel_loop3A_202 : i32 to index
          %parallel_loop3A_204 = tpu.vector_load %arg7[%parallel_loop3A_203] {strides = array<i32>} : memref<20480xf32, #tpu.memory_space<vmem>>, vector<16xf32>,
          %parallel_loop3A_205 = arith.constant 96 : i32
          %parallel_loop3A_206 = vector.broadcast %parallel_loop3A_205 : i32 to vector<16xi32>
          %parallel_loop3A_207 = arith.addi %parallel_loop3A_108, %parallel_loop3A_206 : vector<16xi32>
          %parallel_loop3A_208 = arith.addi %parallel_loop3A_207, %iota3A : vector<16xi32>
          %parallel_loop3A_209 = tpu.vector_load_idx %arg13[%parallel_loop3A_208] : memref<41600xf32, #tpu.memory_space<vmem>>[vector<16xi32>], vector<16xf32>,
          %parallel_loop3A_210 = arith.mulf %parallel_loop3A_104, %parallel_loop3A_204 : vector<16xf32>
          %parallel_loop3A_211 = arith.addf %parallel_loop3A_210, %parallel_loop3A_209 : vector<16xf32>
          %parallel_loop3A_212 = arith.constant 96 : i32
          %parallel_loop3A_213 = arith.addi %parallel_loop3A_110, %parallel_loop3A_212 : i32
          %parallel_loop3A_214 = arith.index_cast %parallel_loop3A_213 : i32 to index
          %parallel_loop3A_215 = tpu.vector_load %arg14[%parallel_loop3A_214] {strides = array<i32>} : memref<20480xf32, #tpu.memory_space<vmem>>, vector<16xf32>,
          tpu.vector_store %arg14[%parallel_loop3A_214], %parallel_loop3A_211 {strides = array<i32>} : memref<20480xf32, #tpu.memory_space<vmem>>, vector<16xf32>,
          %parallel_loop3A_216 = arith.constant 112 : i32
          %parallel_loop3A_217 = arith.addi %parallel_loop3A_110, %parallel_loop3A_216 : i32
          %parallel_loop3A_218 = arith.index_cast %parallel_loop3A_217 : i32 to index
          %parallel_loop3A_219 = tpu.vector_load %arg7[%parallel_loop3A_218] {strides = array<i32>} : memref<20480xf32, #tpu.memory_space<vmem>>, vector<16xf32>,
          %parallel_loop3A_220 = arith.constant 112 : i32
          %parallel_loop3A_221 = vector.broadcast %parallel_loop3A_220 : i32 to vector<16xi32>
          %parallel_loop3A_222 = arith.addi %parallel_loop3A_108, %parallel_loop3A_221 : vector<16xi32>
          %parallel_loop3A_223 = arith.addi %parallel_loop3A_222, %iota3A : vector<16xi32>
          %parallel_loop3A_224 = tpu.vector_load_idx %arg13[%parallel_loop3A_223] : memref<41600xf32, #tpu.memory_space<vmem>>[vector<16xi32>], vector<16xf32>,
          %parallel_loop3A_225 = arith.mulf %parallel_loop3A_104, %parallel_loop3A_219 : vector<16xf32>
          %parallel_loop3A_226 = arith.addf %parallel_loop3A_225, %parallel_loop3A_224 : vector<16xf32>
          %parallel_loop3A_227 = arith.constant 112 : i32
          %parallel_loop3A_228 = arith.addi %parallel_loop3A_110, %parallel_loop3A_227 : i32
          %parallel_loop3A_229 = arith.index_cast %parallel_loop3A_228 : i32 to index
          %parallel_loop3A_230 = tpu.vector_load %arg14[%parallel_loop3A_229] {strides = array<i32>} : memref<20480xf32, #tpu.memory_space<vmem>>, vector<16xf32>,
          tpu.vector_store %arg14[%parallel_loop3A_229], %parallel_loop3A_226 {strides = array<i32>} : memref<20480xf32, #tpu.memory_space<vmem>>, vector<16xf32>,
        } {sc.loop_unroll_factor = 2 : i64, sc.parallel_access}
        %mul3A_98 = arith.constant 20480 : i32
        %mul3A_99 = arith.muli %add3A_35, %mul3A_98 : i32
        %dma_start3A_100 = tpu.memref_slice %arg6[%mul3A_99] : memref<12800000xf32, #tpu.memory_space<hbm>> -> memref<20480xf32, #tpu.memory_space<hbm>>
        %dma_start3A_101 = tpu.memref_slice %arg6[%mul3A_99] : memref<12800000xf32, #tpu.memory_space<hbm>> -> memref<20480xf32, #tpu.memory_space<hbm>>
        tpu.enqueue_dma source(%arg14 : memref<20480xf32, #tpu.memory_space<vmem>>) target(%dma_start3A_101 : memref<20480xf32, #tpu.memory_space<hbm>>) target_semaphore(%arg20 : memref<!tpu.dma_semaphore, #tpu.memory_space<semaphore_mem>>)
      } else {
      }
      %lt3A_57 = arith.constant 625 : i32
      %lt3A_58 = arith.cmpi slt, %add3A_39, %lt3A_57 : i32
      %convert_element_type3A_59 = arith.extui %lt3A_58 : i1 to i32
      %cond3A_60 = arith.constant 0 : i32
      %cond3A_61 = arith.cmpi ne, %convert_element_type3A_59, %cond3A_60 : i32
      scf.if %cond3A_61 {
        %mul3A_78 = arith.constant 20480 : i32
        %mul3A_79 = arith.muli %add3A_39, %mul3A_78 : i32
        %dma_start3A_80 = tpu.memref_slice %arg2[%mul3A_79] : memref<12800000xf32, #tpu.memory_space<hbm>> -> memref<20480xf32, #tpu.memory_space<hbm>>
        %dma_start3A_81 = tpu.memref_slice %arg2[%mul3A_79] : memref<12800000xf32, #tpu.memory_space<hbm>> -> memref<20480xf32, #tpu.memory_space<hbm>>
        tpu.enqueue_dma source(%dma_start3A_81 : memref<20480xf32, #tpu.memory_space<hbm>>) target(%arg7 : memref<20480xf32, #tpu.memory_space<vmem>>) target_semaphore(%arg18 : memref<!tpu.dma_semaphore, #tpu.memory_space<semaphore_mem>>)
        %mul3A_82 = arith.constant 160 : i32
        %mul3A_83 = arith.muli %add3A_39, %mul3A_82 : i32
        %dma_start3A_84 = tpu.memref_slice %arg3[%mul3A_83] : memref<100000xi32, #tpu.memory_space<hbm>> -> memref<160xi32, #tpu.memory_space<hbm>>
        %dma_start3A_85 = tpu.memref_slice %arg3[%mul3A_83] : memref<100000xi32, #tpu.memory_space<hbm>> -> memref<160xi32, #tpu.memory_space<hbm>>
        tpu.enqueue_dma source(%dma_start3A_85 : memref<160xi32, #tpu.memory_space<hbm>>) target(%arg9 : memref<160xi32, #tpu.memory_space<vmem>>) target_semaphore(%arg18 : memref<!tpu.dma_semaphore, #tpu.memory_space<semaphore_mem>>)
        %mul3A_86 = arith.constant 160 : i32
        %mul3A_87 = arith.muli %add3A_39, %mul3A_86 : i32
        %dma_start3A_88 = tpu.memref_slice %arg4[%mul3A_87] : memref<100000xi32, #tpu.memory_space<hbm>> -> memref<160xi32, #tpu.memory_space<hbm>>
        %dma_start3A_89 = tpu.memref_slice %arg4[%mul3A_87] : memref<100000xi32, #tpu.memory_space<hbm>> -> memref<160xi32, #tpu.memory_space<hbm>>
        tpu.enqueue_dma source(%dma_start3A_89 : memref<160xi32, #tpu.memory_space<hbm>>) target(%arg11 : memref<160xi32, #tpu.memory_space<vmem>>) target_semaphore(%arg18 : memref<!tpu.dma_semaphore, #tpu.memory_space<semaphore_mem>>)
      } else {
      }
      %ge3A_62 = arith.constant 1 : i32
      %ge3A_63 = arith.cmpi sge, %scan3A_29, %ge3A_62 : i32
      %sub3A_64 = arith.constant 64 : i32
      %sub3A_65 = arith.subi %add3A_37, %sub3A_64 : i32
      %lt3A_66 = arith.constant 625 : i32
      %lt3A_67 = arith.cmpi slt, %sub3A_65, %lt3A_66 : i32
      %and3A_68 = arith.andi %ge3A_63, %lt3A_67 : i1
      %convert_element_type3A_69 = arith.extui %and3A_68 : i1 to i32
      %cond3A_70 = arith.constant 0 : i32
      %cond3A_71 = arith.cmpi ne, %convert_element_type3A_69, %cond3A_70 : i32
      scf.if %cond3A_71 {
        %sub3A_78 = arith.constant 64 : i32
        %sub3A_79 = arith.subi %add3A_37, %sub3A_78 : i32
        %mul3A_80 = arith.constant 20480 : i32
        %mul3A_81 = arith.muli %sub3A_79, %mul3A_80 : i32
        %dma_wait3A = tpu.memref_slice %arg6[%mul3A_81] : memref<12800000xf32, #tpu.memory_space<hbm>> -> memref<20480xf32, #tpu.memory_space<hbm>>
        %dma_wait3A_82 = tpu.memref_slice %arg6[%mul3A_81] : memref<12800000xf32, #tpu.memory_space<hbm>> -> memref<20480xf32, #tpu.memory_space<hbm>>
        tpu.wait_dma2 semaphore(%arg21 : memref<!tpu.dma_semaphore, #tpu.memory_space<semaphore_mem>>) src(%arg15 : memref<20480xf32, #tpu.memory_space<vmem>>) dst(%dma_wait3A_82 : memref<20480xf32, #tpu.memory_space<hbm>>)
      } else {
      }
      %lt3A_72 = arith.constant 625 : i32
      %lt3A_73 = arith.cmpi slt, %add3A_37, %lt3A_72 : i32
      %convert_element_type3A_74 = arith.extui %lt3A_73 : i1 to i32
      %cond3A_75 = arith.constant 0 : i32
      %cond3A_76 = arith.cmpi ne, %convert_element_type3A_74, %cond3A_75 : i32
      scf.if %cond3A_76 {
        %mul3A_78 = arith.constant 20480 : i32
        %mul3A_79 = arith.muli %add3A_37, %mul3A_78 : i32
        %dma_wait3A = tpu.memref_slice %arg2[%mul3A_79] : memref<12800000xf32, #tpu.memory_space<hbm>> -> memref<20480xf32, #tpu.memory_space<hbm>>
        %dma_wait3A_80 = tpu.memref_slice %arg2[%mul3A_79] : memref<12800000xf32, #tpu.memory_space<hbm>> -> memref<20480xf32, #tpu.memory_space<hbm>>
        tpu.wait_dma2 semaphore(%arg19 : memref<!tpu.dma_semaphore, #tpu.memory_space<semaphore_mem>>) src(%dma_wait3A_80 : memref<20480xf32, #tpu.memory_space<hbm>>) dst(%arg8 : memref<20480xf32, #tpu.memory_space<vmem>>)
        %mul3A_81 = arith.constant 160 : i32
        %mul3A_82 = arith.muli %add3A_37, %mul3A_81 : i32
        %dma_wait3A_83 = tpu.memref_slice %arg3[%mul3A_82] : memref<100000xi32, #tpu.memory_space<hbm>> -> memref<160xi32, #tpu.memory_space<hbm>>
        %dma_wait3A_84 = tpu.memref_slice %arg3[%mul3A_82] : memref<100000xi32, #tpu.memory_space<hbm>> -> memref<160xi32, #tpu.memory_space<hbm>>
        tpu.wait_dma2 semaphore(%arg19 : memref<!tpu.dma_semaphore, #tpu.memory_space<semaphore_mem>>) src(%dma_wait3A_84 : memref<160xi32, #tpu.memory_space<hbm>>) dst(%arg10 : memref<160xi32, #tpu.memory_space<vmem>>)
        %mul3A_85 = arith.constant 160 : i32
        %mul3A_86 = arith.muli %add3A_37, %mul3A_85 : i32
        %dma_wait3A_87 = tpu.memref_slice %arg4[%mul3A_86] : memref<100000xi32, #tpu.memory_space<hbm>> -> memref<160xi32, #tpu.memory_space<hbm>>
        %dma_wait3A_88 = tpu.memref_slice %arg4[%mul3A_86] : memref<100000xi32, #tpu.memory_space<hbm>> -> memref<160xi32, #tpu.memory_space<hbm>>
        tpu.wait_dma2 semaphore(%arg19 : memref<!tpu.dma_semaphore, #tpu.memory_space<semaphore_mem>>) src(%dma_wait3A_88 : memref<160xi32, #tpu.memory_space<hbm>>) dst(%arg12 : memref<160xi32, #tpu.memory_space<vmem>>)
        %scan3A_89 = arith.constant 0 : i32
        %scan3A_90 = arith.constant 0 : i32
        %scan3A_91 = arith.constant 10 : i32
        %scan3A_92 = arith.addi %scan3A_90, %scan3A_91 : i32
        %scan3A_93 = arith.constant 1 : i32
        %scan3A_94 = scf.for %scan3A_102 = %scan3A_90 to %scan3A_92 step %scan3A_93 iter_args(%scan3A_103 = %scan3A_89) -> (i32)  : i32 {
          %mul3A_104 = arith.constant 16 : i32
          %mul3A_105 = arith.muli %scan3A_102, %mul3A_104 : i32
          %get3A = arith.index_cast %mul3A_105 : i32 to index
          %get3A_106 = tpu.vector_load %arg10[%get3A] {strides = array<i32>} : memref<160xi32, #tpu.memory_space<vmem>>, vector<16xi32>,
          %mul3A_107 = arith.constant 16 : i32
          %mul3A_108 = arith.muli %scan3A_102, %mul3A_107 : i32
          %get3A_109 = arith.index_cast %mul3A_108 : i32 to index
          %get3A_110 = tpu.vector_load %arg12[%get3A_109] {strides = array<i32>} : memref<160xi32, #tpu.memory_space<vmem>>, vector<16xi32>,
          %mul3A_111 = arith.constant 16 : i32
          %mul3A_112 = vector.broadcast %mul3A_111 : i32 to vector<16xi32>
          %mul3A_113 = arith.muli %get3A_110, %mul3A_112 : vector<16xi32>
          %add3A_114 = arith.addi %mul3A_113, %get3A_106 : vector<16xi32>
          %mul3A_115 = arith.constant 16 : i32
          %mul3A_116 = arith.muli %scan3A_102, %mul3A_115 : i32
          %swap3A = arith.index_cast %mul3A_116 : i32 to index
          %swap3A_117 = tpu.vector_load %arg16[%swap3A] {strides = array<i32>} : memref<160xi32, #tpu.memory_space<vmem>>, vector<16xi32>,
          tpu.vector_store %arg16[%swap3A], %add3A_114 {strides = array<i32>} : memref<160xi32, #tpu.memory_space<vmem>>, vector<16xi32>,
          %mul3A_118 = arith.constant 130 : i32
          %mul3A_119 = vector.broadcast %mul3A_118 : i32 to vector<16xi32>
          %mul3A_120 = arith.muli %add3A_114, %mul3A_119 : vector<16xi32>
          %add3A_121 = arith.constant 128 : i32
          %add3A_122 = vector.broadcast %add3A_121 : i32 to vector<16xi32>
          %add3A_123 = arith.addi %mul3A_120, %add3A_122 : vector<16xi32>
          %gather3A = tpu.vector_load_idx %arg13[%add3A_123] : memref<41600xf32, #tpu.memory_space<vmem>>[vector<16xi32>], vector<16xf32>,
          %mul3A_124 = arith.constant 16 : i32
          %mul3A_125 = arith.muli %scan3A_102, %mul3A_124 : i32
          %swap3A_126 = arith.index_cast %mul3A_125 : i32 to index
          %swap3A_127 = tpu.vector_load %arg17[%swap3A_126] {strides = array<i32>} : memref<160xf32, #tpu.memory_space<vmem>>, vector<16xf32>,
          tpu.vector_store %arg17[%swap3A_126], %gather3A {strides = array<i32>} : memref<160xf32, #tpu.memory_space<vmem>>, vector<16xf32>,
          %scan3A_128 = arith.constant 0 : i32
          scf.yield %scan3A_128 : i32
        }
        %scan3A_95 = arith.constant 10 : i32
        %parallel_loop3A = arith.constant 0 : i32
        %parallel_loop3A_96 = arith.constant 160 : i32
        %parallel_loop3A_97 = arith.constant 1 : i32
        scf.for %parallel_loop3A_102 = %parallel_loop3A to %parallel_loop3A_96 step %parallel_loop3A_97  : i32 {
          %parallel_loop3A_103 = vector.broadcast %parallel_loop3A_102 : i32 to vector<16xi32>
          %parallel_loop3A_104 = tpu.vector_load_idx %arg17[%parallel_loop3A_103] : memref<160xf32, #tpu.memory_space<vmem>>[vector<16xi32>], vector<16xf32>,
          %parallel_loop3A_105 = tpu.vector_load_idx %arg16[%parallel_loop3A_103] : memref<160xi32, #tpu.memory_space<vmem>>[vector<16xi32>], vector<16xi32>,
          %parallel_loop3A_106 = arith.constant 130 : i32
          %parallel_loop3A_107 = vector.broadcast %parallel_loop3A_106 : i32 to vector<16xi32>
          %parallel_loop3A_108 = arith.muli %parallel_loop3A_105, %parallel_loop3A_107 : vector<16xi32>
          %parallel_loop3A_109 = arith.constant 128 : i32
          %parallel_loop3A_110 = arith.muli %parallel_loop3A_102, %parallel_loop3A_109 : i32
          %parallel_loop3A_111 = arith.constant 0 : i32
          %parallel_loop3A_112 = arith.addi %parallel_loop3A_110, %parallel_loop3A_111 : i32
          %parallel_loop3A_113 = arith.index_cast %parallel_loop3A_112 : i32 to index
          %parallel_loop3A_114 = tpu.vector_load %arg8[%parallel_loop3A_113] {strides = array<i32>} : memref<20480xf32, #tpu.memory_space<vmem>>, vector<16xf32>,
          %parallel_loop3A_115 = arith.constant 0 : i32
          %parallel_loop3A_116 = vector.broadcast %parallel_loop3A_115 : i32 to vector<16xi32>
          %parallel_loop3A_117 = arith.addi %parallel_loop3A_108, %parallel_loop3A_116 : vector<16xi32>
          %parallel_loop3A_118 = arith.addi %parallel_loop3A_117, %iota3A : vector<16xi32>
          %parallel_loop3A_119 = tpu.vector_load_idx %arg13[%parallel_loop3A_118] : memref<41600xf32, #tpu.memory_space<vmem>>[vector<16xi32>], vector<16xf32>,
          %parallel_loop3A_120 = arith.mulf %parallel_loop3A_104, %parallel_loop3A_114 : vector<16xf32>
          %parallel_loop3A_121 = arith.addf %parallel_loop3A_120, %parallel_loop3A_119 : vector<16xf32>
          %parallel_loop3A_122 = arith.constant 0 : i32
          %parallel_loop3A_123 = arith.addi %parallel_loop3A_110, %parallel_loop3A_122 : i32
          %parallel_loop3A_124 = arith.index_cast %parallel_loop3A_123 : i32 to index
          %parallel_loop3A_125 = tpu.vector_load %arg15[%parallel_loop3A_124] {strides = array<i32>} : memref<20480xf32, #tpu.memory_space<vmem>>, vector<16xf32>,
          tpu.vector_store %arg15[%parallel_loop3A_124], %parallel_loop3A_121 {strides = array<i32>} : memref<20480xf32, #tpu.memory_space<vmem>>, vector<16xf32>,
          %parallel_loop3A_126 = arith.constant 16 : i32
          %parallel_loop3A_127 = arith.addi %parallel_loop3A_110, %parallel_loop3A_126 : i32
          %parallel_loop3A_128 = arith.index_cast %parallel_loop3A_127 : i32 to index
          %parallel_loop3A_129 = tpu.vector_load %arg8[%parallel_loop3A_128] {strides = array<i32>} : memref<20480xf32, #tpu.memory_space<vmem>>, vector<16xf32>,
          %parallel_loop3A_130 = arith.constant 16 : i32
          %parallel_loop3A_131 = vector.broadcast %parallel_loop3A_130 : i32 to vector<16xi32>
          %parallel_loop3A_132 = arith.addi %parallel_loop3A_108, %parallel_loop3A_131 : vector<16xi32>
          %parallel_loop3A_133 = arith.addi %parallel_loop3A_132, %iota3A : vector<16xi32>
          %parallel_loop3A_134 = tpu.vector_load_idx %arg13[%parallel_loop3A_133] : memref<41600xf32, #tpu.memory_space<vmem>>[vector<16xi32>], vector<16xf32>,
          %parallel_loop3A_135 = arith.mulf %parallel_loop3A_104, %parallel_loop3A_129 : vector<16xf32>
          %parallel_loop3A_136 = arith.addf %parallel_loop3A_135, %parallel_loop3A_134 : vector<16xf32>
          %parallel_loop3A_137 = arith.constant 16 : i32
          %parallel_loop3A_138 = arith.addi %parallel_loop3A_110, %parallel_loop3A_137 : i32
          %parallel_loop3A_139 = arith.index_cast %parallel_loop3A_138 : i32 to index
          %parallel_loop3A_140 = tpu.vector_load %arg15[%parallel_loop3A_139] {strides = array<i32>} : memref<20480xf32, #tpu.memory_space<vmem>>, vector<16xf32>,
          tpu.vector_store %arg15[%parallel_loop3A_139], %parallel_loop3A_136 {strides = array<i32>} : memref<20480xf32, #tpu.memory_space<vmem>>, vector<16xf32>,
          %parallel_loop3A_141 = arith.constant 32 : i32
          %parallel_loop3A_142 = arith.addi %parallel_loop3A_110, %parallel_loop3A_141 : i32
          %parallel_loop3A_143 = arith.index_cast %parallel_loop3A_142 : i32 to index
          %parallel_loop3A_144 = tpu.vector_load %arg8[%parallel_loop3A_143] {strides = array<i32>} : memref<20480xf32, #tpu.memory_space<vmem>>, vector<16xf32>,
          %parallel_loop3A_145 = arith.constant 32 : i32
          %parallel_loop3A_146 = vector.broadcast %parallel_loop3A_145 : i32 to vector<16xi32>
          %parallel_loop3A_147 = arith.addi %parallel_loop3A_108, %parallel_loop3A_146 : vector<16xi32>
          %parallel_loop3A_148 = arith.addi %parallel_loop3A_147, %iota3A : vector<16xi32>
          %parallel_loop3A_149 = tpu.vector_load_idx %arg13[%parallel_loop3A_148] : memref<41600xf32, #tpu.memory_space<vmem>>[vector<16xi32>], vector<16xf32>,
          %parallel_loop3A_150 = arith.mulf %parallel_loop3A_104, %parallel_loop3A_144 : vector<16xf32>
          %parallel_loop3A_151 = arith.addf %parallel_loop3A_150, %parallel_loop3A_149 : vector<16xf32>
          %parallel_loop3A_152 = arith.constant 32 : i32
          %parallel_loop3A_153 = arith.addi %parallel_loop3A_110, %parallel_loop3A_152 : i32
          %parallel_loop3A_154 = arith.index_cast %parallel_loop3A_153 : i32 to index
          %parallel_loop3A_155 = tpu.vector_load %arg15[%parallel_loop3A_154] {strides = array<i32>} : memref<20480xf32, #tpu.memory_space<vmem>>, vector<16xf32>,
          tpu.vector_store %arg15[%parallel_loop3A_154], %parallel_loop3A_151 {strides = array<i32>} : memref<20480xf32, #tpu.memory_space<vmem>>, vector<16xf32>,
          %parallel_loop3A_156 = arith.constant 48 : i32
          %parallel_loop3A_157 = arith.addi %parallel_loop3A_110, %parallel_loop3A_156 : i32
          %parallel_loop3A_158 = arith.index_cast %parallel_loop3A_157 : i32 to index
          %parallel_loop3A_159 = tpu.vector_load %arg8[%parallel_loop3A_158] {strides = array<i32>} : memref<20480xf32, #tpu.memory_space<vmem>>, vector<16xf32>,
          %parallel_loop3A_160 = arith.constant 48 : i32
          %parallel_loop3A_161 = vector.broadcast %parallel_loop3A_160 : i32 to vector<16xi32>
          %parallel_loop3A_162 = arith.addi %parallel_loop3A_108, %parallel_loop3A_161 : vector<16xi32>
          %parallel_loop3A_163 = arith.addi %parallel_loop3A_162, %iota3A : vector<16xi32>
          %parallel_loop3A_164 = tpu.vector_load_idx %arg13[%parallel_loop3A_163] : memref<41600xf32, #tpu.memory_space<vmem>>[vector<16xi32>], vector<16xf32>,
          %parallel_loop3A_165 = arith.mulf %parallel_loop3A_104, %parallel_loop3A_159 : vector<16xf32>
          %parallel_loop3A_166 = arith.addf %parallel_loop3A_165, %parallel_loop3A_164 : vector<16xf32>
          %parallel_loop3A_167 = arith.constant 48 : i32
          %parallel_loop3A_168 = arith.addi %parallel_loop3A_110, %parallel_loop3A_167 : i32
          %parallel_loop3A_169 = arith.index_cast %parallel_loop3A_168 : i32 to index
          %parallel_loop3A_170 = tpu.vector_load %arg15[%parallel_loop3A_169] {strides = array<i32>} : memref<20480xf32, #tpu.memory_space<vmem>>, vector<16xf32>,
          tpu.vector_store %arg15[%parallel_loop3A_169], %parallel_loop3A_166 {strides = array<i32>} : memref<20480xf32, #tpu.memory_space<vmem>>, vector<16xf32>,
          %parallel_loop3A_171 = arith.constant 64 : i32
          %parallel_loop3A_172 = arith.addi %parallel_loop3A_110, %parallel_loop3A_171 : i32
          %parallel_loop3A_173 = arith.index_cast %parallel_loop3A_172 : i32 to index
          %parallel_loop3A_174 = tpu.vector_load %arg8[%parallel_loop3A_173] {strides = array<i32>} : memref<20480xf32, #tpu.memory_space<vmem>>, vector<16xf32>,
          %parallel_loop3A_175 = arith.constant 64 : i32
          %parallel_loop3A_176 = vector.broadcast %parallel_loop3A_175 : i32 to vector<16xi32>
          %parallel_loop3A_177 = arith.addi %parallel_loop3A_108, %parallel_loop3A_176 : vector<16xi32>
          %parallel_loop3A_178 = arith.addi %parallel_loop3A_177, %iota3A : vector<16xi32>
          %parallel_loop3A_179 = tpu.vector_load_idx %arg13[%parallel_loop3A_178] : memref<41600xf32, #tpu.memory_space<vmem>>[vector<16xi32>], vector<16xf32>,
          %parallel_loop3A_180 = arith.mulf %parallel_loop3A_104, %parallel_loop3A_174 : vector<16xf32>
          %parallel_loop3A_181 = arith.addf %parallel_loop3A_180, %parallel_loop3A_179 : vector<16xf32>
          %parallel_loop3A_182 = arith.constant 64 : i32
          %parallel_loop3A_183 = arith.addi %parallel_loop3A_110, %parallel_loop3A_182 : i32
          %parallel_loop3A_184 = arith.index_cast %parallel_loop3A_183 : i32 to index
          %parallel_loop3A_185 = tpu.vector_load %arg15[%parallel_loop3A_184] {strides = array<i32>} : memref<20480xf32, #tpu.memory_space<vmem>>, vector<16xf32>,
          tpu.vector_store %arg15[%parallel_loop3A_184], %parallel_loop3A_181 {strides = array<i32>} : memref<20480xf32, #tpu.memory_space<vmem>>, vector<16xf32>,
          %parallel_loop3A_186 = arith.constant 80 : i32
          %parallel_loop3A_187 = arith.addi %parallel_loop3A_110, %parallel_loop3A_186 : i32
          %parallel_loop3A_188 = arith.index_cast %parallel_loop3A_187 : i32 to index
          %parallel_loop3A_189 = tpu.vector_load %arg8[%parallel_loop3A_188] {strides = array<i32>} : memref<20480xf32, #tpu.memory_space<vmem>>, vector<16xf32>,
          %parallel_loop3A_190 = arith.constant 80 : i32
          %parallel_loop3A_191 = vector.broadcast %parallel_loop3A_190 : i32 to vector<16xi32>
          %parallel_loop3A_192 = arith.addi %parallel_loop3A_108, %parallel_loop3A_191 : vector<16xi32>
          %parallel_loop3A_193 = arith.addi %parallel_loop3A_192, %iota3A : vector<16xi32>
          %parallel_loop3A_194 = tpu.vector_load_idx %arg13[%parallel_loop3A_193] : memref<41600xf32, #tpu.memory_space<vmem>>[vector<16xi32>], vector<16xf32>,
          %parallel_loop3A_195 = arith.mulf %parallel_loop3A_104, %parallel_loop3A_189 : vector<16xf32>
          %parallel_loop3A_196 = arith.addf %parallel_loop3A_195, %parallel_loop3A_194 : vector<16xf32>
          %parallel_loop3A_197 = arith.constant 80 : i32
          %parallel_loop3A_198 = arith.addi %parallel_loop3A_110, %parallel_loop3A_197 : i32
          %parallel_loop3A_199 = arith.index_cast %parallel_loop3A_198 : i32 to index
          %parallel_loop3A_200 = tpu.vector_load %arg15[%parallel_loop3A_199] {strides = array<i32>} : memref<20480xf32, #tpu.memory_space<vmem>>, vector<16xf32>,
          tpu.vector_store %arg15[%parallel_loop3A_199], %parallel_loop3A_196 {strides = array<i32>} : memref<20480xf32, #tpu.memory_space<vmem>>, vector<16xf32>,
          %parallel_loop3A_201 = arith.constant 96 : i32
          %parallel_loop3A_202 = arith.addi %parallel_loop3A_110, %parallel_loop3A_201 : i32
          %parallel_loop3A_203 = arith.index_cast %parallel_loop3A_202 : i32 to index
          %parallel_loop3A_204 = tpu.vector_load %arg8[%parallel_loop3A_203] {strides = array<i32>} : memref<20480xf32, #tpu.memory_space<vmem>>, vector<16xf32>,
          %parallel_loop3A_205 = arith.constant 96 : i32
          %parallel_loop3A_206 = vector.broadcast %parallel_loop3A_205 : i32 to vector<16xi32>
          %parallel_loop3A_207 = arith.addi %parallel_loop3A_108, %parallel_loop3A_206 : vector<16xi32>
          %parallel_loop3A_208 = arith.addi %parallel_loop3A_207, %iota3A : vector<16xi32>
          %parallel_loop3A_209 = tpu.vector_load_idx %arg13[%parallel_loop3A_208] : memref<41600xf32, #tpu.memory_space<vmem>>[vector<16xi32>], vector<16xf32>,
          %parallel_loop3A_210 = arith.mulf %parallel_loop3A_104, %parallel_loop3A_204 : vector<16xf32>
          %parallel_loop3A_211 = arith.addf %parallel_loop3A_210, %parallel_loop3A_209 : vector<16xf32>
          %parallel_loop3A_212 = arith.constant 96 : i32
          %parallel_loop3A_213 = arith.addi %parallel_loop3A_110, %parallel_loop3A_212 : i32
          %parallel_loop3A_214 = arith.index_cast %parallel_loop3A_213 : i32 to index
          %parallel_loop3A_215 = tpu.vector_load %arg15[%parallel_loop3A_214] {strides = array<i32>} : memref<20480xf32, #tpu.memory_space<vmem>>, vector<16xf32>,
          tpu.vector_store %arg15[%parallel_loop3A_214], %parallel_loop3A_211 {strides = array<i32>} : memref<20480xf32, #tpu.memory_space<vmem>>, vector<16xf32>,
          %parallel_loop3A_216 = arith.constant 112 : i32
          %parallel_loop3A_217 = arith.addi %parallel_loop3A_110, %parallel_loop3A_216 : i32
          %parallel_loop3A_218 = arith.index_cast %parallel_loop3A_217 : i32 to index
          %parallel_loop3A_219 = tpu.vector_load %arg8[%parallel_loop3A_218] {strides = array<i32>} : memref<20480xf32, #tpu.memory_space<vmem>>, vector<16xf32>,
          %parallel_loop3A_220 = arith.constant 112 : i32
          %parallel_loop3A_221 = vector.broadcast %parallel_loop3A_220 : i32 to vector<16xi32>
          %parallel_loop3A_222 = arith.addi %parallel_loop3A_108, %parallel_loop3A_221 : vector<16xi32>
          %parallel_loop3A_223 = arith.addi %parallel_loop3A_222, %iota3A : vector<16xi32>
          %parallel_loop3A_224 = tpu.vector_load_idx %arg13[%parallel_loop3A_223] : memref<41600xf32, #tpu.memory_space<vmem>>[vector<16xi32>], vector<16xf32>,
          %parallel_loop3A_225 = arith.mulf %parallel_loop3A_104, %parallel_loop3A_219 : vector<16xf32>
          %parallel_loop3A_226 = arith.addf %parallel_loop3A_225, %parallel_loop3A_224 : vector<16xf32>
          %parallel_loop3A_227 = arith.constant 112 : i32
          %parallel_loop3A_228 = arith.addi %parallel_loop3A_110, %parallel_loop3A_227 : i32
          %parallel_loop3A_229 = arith.index_cast %parallel_loop3A_228 : i32 to index
          %parallel_loop3A_230 = tpu.vector_load %arg15[%parallel_loop3A_229] {strides = array<i32>} : memref<20480xf32, #tpu.memory_space<vmem>>, vector<16xf32>,
          tpu.vector_store %arg15[%parallel_loop3A_229], %parallel_loop3A_226 {strides = array<i32>} : memref<20480xf32, #tpu.memory_space<vmem>>, vector<16xf32>,
        } {sc.loop_unroll_factor = 2 : i64, sc.parallel_access}
        %mul3A_98 = arith.constant 20480 : i32
        %mul3A_99 = arith.muli %add3A_37, %mul3A_98 : i32
        %dma_start3A_100 = tpu.memref_slice %arg6[%mul3A_99] : memref<12800000xf32, #tpu.memory_space<hbm>> -> memref<20480xf32, #tpu.memory_space<hbm>>
        %dma_start3A_101 = tpu.memref_slice %arg6[%mul3A_99] : memref<12800000xf32, #tpu.memory_space<hbm>> -> memref<20480xf32, #tpu.memory_space<hbm>>
        tpu.enqueue_dma source(%arg15 : memref<20480xf32, #tpu.memory_space<vmem>>) target(%dma_start3A_101 : memref<20480xf32, #tpu.memory_space<hbm>>) target_semaphore(%arg21 : memref<!tpu.dma_semaphore, #tpu.memory_space<semaphore_mem>>)
      } else {
      }
      %scan3A_77 = arith.constant 0 : i32
      scf.yield %scan3A_77 : i32
    }
    %scan3A_17 = arith.constant 10 : i32
    %add3A_18 = arith.constant 576 : i32
    %add3A_19 = arith.addi %add3A, %add3A_18 : i32
    %add3A_20 = arith.constant 608 : i32
    %add3A_21 = arith.addi %add3A, %add3A_20 : i32
    %lt3A = arith.constant 625 : i32
    %lt3A_22 = arith.cmpi slt, %add3A_19, %lt3A : i32
    %convert_element_type3A = arith.extui %lt3A_22 : i1 to i32
    %cond3A = arith.constant 0 : i32
    %cond3A_23 = arith.cmpi ne, %convert_element_type3A, %cond3A : i32
    scf.if %cond3A_23 {
      %mul3A_29 = arith.constant 20480 : i32
      %mul3A_30 = arith.muli %add3A_19, %mul3A_29 : i32
      %dma_wait3A = tpu.memref_slice %arg6[%mul3A_30] : memref<12800000xf32, #tpu.memory_space<hbm>> -> memref<20480xf32, #tpu.memory_space<hbm>>
      %dma_wait3A_31 = tpu.memref_slice %arg6[%mul3A_30] : memref<12800000xf32, #tpu.memory_space<hbm>> -> memref<20480xf32, #tpu.memory_space<hbm>>
      tpu.wait_dma2 semaphore(%arg20 : memref<!tpu.dma_semaphore, #tpu.memory_space<semaphore_mem>>) src(%arg14 : memref<20480xf32, #tpu.memory_space<vmem>>) dst(%dma_wait3A_31 : memref<20480xf32, #tpu.memory_space<hbm>>)
    } else {
    }
    %lt3A_24 = arith.constant 625 : i32
    %lt3A_25 = arith.cmpi slt, %add3A_21, %lt3A_24 : i32
    %convert_element_type3A_26 = arith.extui %lt3A_25 : i1 to i32
    %cond3A_27 = arith.constant 0 : i32
    %cond3A_28 = arith.cmpi ne, %convert_element_type3A_26, %cond3A_27 : i32
    scf.if %cond3A_28 {
      %mul3A_29 = arith.constant 20480 : i32
      %mul3A_30 = arith.muli %add3A_21, %mul3A_29 : i32
      %dma_wait3A = tpu.memref_slice %arg6[%mul3A_30] : memref<12800000xf32, #tpu.memory_space<hbm>> -> memref<20480xf32, #tpu.memory_space<hbm>>
      %dma_wait3A_31 = tpu.memref_slice %arg6[%mul3A_30] : memref<12800000xf32, #tpu.memory_space<hbm>> -> memref<20480xf32, #tpu.memory_space<hbm>>
      tpu.wait_dma2 semaphore(%arg21 : memref<!tpu.dma_semaphore, #tpu.memory_space<semaphore_mem>>) src(%arg15 : memref<20480xf32, #tpu.memory_space<vmem>>) dst(%dma_wait3A_31 : memref<20480xf32, #tpu.memory_space<hbm>>)
    } else {
    }
    return
  }
}

module attributes {stable_mosaic.version = 14 : i64} {
  func.func @_stats_body(%arg0: memref<32x320x160xf32, #tpu.memory_space<vmem>>, %arg1: memref<320x160xf32, #tpu.memory_space<vmem>>, %arg2: memref<320x130xf32, #tpu.memory_space<vmem>>) attributes {dimension_semantics = [], scalar_prefetch = 0 : i64, scratch_operands = 0 : i64, tpu.core_type = #tpu.core_type<tc>} {
    %get3A = arith.constant 0 : index
    %get3A_0 = arith.constant 0 : index
    %get3A_1 = arith.constant 0 : index
    %get3A_2 = vector.load %arg0[%get3A, %get3A_0, %get3A_1] : memref<32x320x160xf32, #tpu.memory_space<vmem>>, vector<32x320x160xf32>
    %reduce_sum3A = arith.constant dense<0.000000e+00> : vector<320x160xf32>
    %reduce_sum3A_3 = vector.multi_reduction <add>, %get3A_2, %reduce_sum3A [0] : vector<32x320x160xf32> to vector<320x160xf32>
    %get3A_4 = arith.constant 0 : index
    %get3A_5 = arith.constant 0 : index
    %get3A_6 = vector.load %arg1[%get3A_4, %get3A_5] : memref<320x160xf32, #tpu.memory_space<vmem>>, vector<320x160xf32>
    %add3A = arith.addf %reduce_sum3A_3, %get3A_6 : vector<320x160xf32>
    %slice3A = vector.extract_strided_slice %add3A {offsets = [0, 0], sizes = [320, 128], strides = [1, 1]} : vector<320x160xf32> to vector<320x128xf32>
    %slice3A_7 = vector.extract_strided_slice %add3A {offsets = [0, 144], sizes = [320, 1], strides = [1, 1]} : vector<320x160xf32> to vector<320x1xf32>
    %slice3A_8 = vector.extract_strided_slice %add3A {offsets = [0, 128], sizes = [320, 16], strides = [1, 1]} : vector<320x160xf32> to vector<320x16xf32>
    %reduce_sum3A_9 = arith.constant dense<0.000000e+00> : vector<320xf32>
    %reduce_sum3A_10 = vector.multi_reduction <add>, %slice3A_8, %reduce_sum3A_9 [1] : vector<320x16xf32> to vector<320xf32>
    %broadcast_in_dim3A = vector.shape_cast %reduce_sum3A_10 : vector<320xf32> to vector<320x1xf32>
    %iota3A = tpu.iota {dimensions = array<i32: 0>} : vector<320x1xi32>
    %jit3A = arith.constant 16 : i32
    %div3A = vector.broadcast %jit3A : i32 to vector<320x1xi32>
    %div3A_11 = arith.divsi %iota3A, %div3A : vector<320x1xi32>
    %sign3A = arith.constant 0 : i32
    %sign3A_12 = vector.broadcast %sign3A : i32 to vector<320x1xi32>
    %sign3A_13 = arith.cmpi sgt, %iota3A, %sign3A_12 : vector<320x1xi32>
    %sign3A_14 = arith.extui %sign3A_13 : vector<320x1xi1> to vector<320x1xi32>
    %sign3A_15 = arith.constant 0 : i32
    %sign3A_16 = vector.broadcast %sign3A_15 : i32 to vector<320x1xi32>
    %sign3A_17 = arith.cmpi slt, %iota3A, %sign3A_16 : vector<320x1xi32>
    %sign3A_18 = arith.extui %sign3A_17 : vector<320x1xi1> to vector<320x1xi32>
    %sign3A_19 = arith.subi %sign3A_14, %sign3A_18 : vector<320x1xi32>
    %sign3A_20 = arith.constant 0 : i32
    %sign3A_21 = arith.cmpi sgt, %jit3A, %sign3A_20 : i32
    %sign3A_22 = arith.extui %sign3A_21 : i1 to i32
    %sign3A_23 = arith.constant 0 : i32
    %sign3A_24 = arith.cmpi slt, %jit3A, %sign3A_23 : i32
    %sign3A_25 = arith.extui %sign3A_24 : i1 to i32
    %sign3A_26 = arith.subi %sign3A_22, %sign3A_25 : i32
    %ne3A = vector.broadcast %sign3A_26 : i32 to vector<320x1xi32>
    %ne3A_27 = arith.cmpi ne, %sign3A_19, %ne3A : vector<320x1xi32>
    %rem3A = vector.broadcast %jit3A : i32 to vector<320x1xi32>
    %rem3A_28 = arith.remsi %iota3A, %rem3A : vector<320x1xi32>
    %ne3A_29 = arith.constant 0 : i32
    %ne3A_30 = vector.broadcast %ne3A_29 : i32 to vector<320x1xi32>
    %ne3A_31 = arith.cmpi ne, %rem3A_28, %ne3A_30 : vector<320x1xi32>
    %and3A = arith.andi %ne3A_27, %ne3A_31 : vector<320x1xi1>
    %sub3A = arith.constant 1 : i32
    %sub3A_32 = vector.broadcast %sub3A : i32 to vector<320x1xi32>
    %sub3A_33 = arith.subi %div3A_11, %sub3A_32 : vector<320x1xi32>
    %select_n3A = arith.select %and3A, %sub3A_33, %div3A_11 : vector<320x1xi1>, vector<320x1xi32>
    %iota3A_34 = tpu.iota {dimensions = array<i32: 1>} : vector<20x320xi32>
    %jit3A_35 = arith.constant 16 : i32
    %div3A_36 = vector.broadcast %jit3A_35 : i32 to vector<20x320xi32>
    %div3A_37 = arith.divsi %iota3A_34, %div3A_36 : vector<20x320xi32>
    %sign3A_38 = arith.constant 0 : i32
    %sign3A_39 = vector.broadcast %sign3A_38 : i32 to vector<20x320xi32>
    %sign3A_40 = arith.cmpi sgt, %iota3A_34, %sign3A_39 : vector<20x320xi32>
    %sign3A_41 = arith.extui %sign3A_40 : vector<20x320xi1> to vector<20x320xi32>
    %sign3A_42 = arith.constant 0 : i32
    %sign3A_43 = vector.broadcast %sign3A_42 : i32 to vector<20x320xi32>
    %sign3A_44 = arith.cmpi slt, %iota3A_34, %sign3A_43 : vector<20x320xi32>
    %sign3A_45 = arith.extui %sign3A_44 : vector<20x320xi1> to vector<20x320xi32>
    %sign3A_46 = arith.subi %sign3A_41, %sign3A_45 : vector<20x320xi32>
    %sign3A_47 = arith.constant 0 : i32
    %sign3A_48 = arith.cmpi sgt, %jit3A_35, %sign3A_47 : i32
    %sign3A_49 = arith.extui %sign3A_48 : i1 to i32
    %sign3A_50 = arith.constant 0 : i32
    %sign3A_51 = arith.cmpi slt, %jit3A_35, %sign3A_50 : i32
    %sign3A_52 = arith.extui %sign3A_51 : i1 to i32
    %sign3A_53 = arith.subi %sign3A_49, %sign3A_52 : i32
    %ne3A_54 = vector.broadcast %sign3A_53 : i32 to vector<20x320xi32>
    %ne3A_55 = arith.cmpi ne, %sign3A_46, %ne3A_54 : vector<20x320xi32>
    %rem3A_56 = vector.broadcast %jit3A_35 : i32 to vector<20x320xi32>
    %rem3A_57 = arith.remsi %iota3A_34, %rem3A_56 : vector<20x320xi32>
    %ne3A_58 = arith.constant 0 : i32
    %ne3A_59 = vector.broadcast %ne3A_58 : i32 to vector<20x320xi32>
    %ne3A_60 = arith.cmpi ne, %rem3A_57, %ne3A_59 : vector<20x320xi32>
    %and3A_61 = arith.andi %ne3A_55, %ne3A_60 : vector<20x320xi1>
    %sub3A_62 = arith.constant 1 : i32
    %sub3A_63 = vector.broadcast %sub3A_62 : i32 to vector<20x320xi32>
    %sub3A_64 = arith.subi %div3A_37, %sub3A_63 : vector<20x320xi32>
    %select_n3A_65 = arith.select %and3A_61, %sub3A_64, %div3A_37 : vector<20x320xi1>, vector<20x320xi32>
    %iota3A_66 = tpu.iota {dimensions = array<i32: 0>} : vector<20x320xi32>
    %eq3A = arith.cmpi eq, %select_n3A_65, %iota3A_66 : vector<20x320xi32>
    %convert_element_type3A = arith.extui %eq3A : vector<20x320xi1> to vector<20x320xi32>
    %convert_element_type3A_67 = arith.sitofp %convert_element_type3A : vector<20x320xi32> to vector<20x320xf32>
    %iota3A_68 = tpu.iota {dimensions = array<i32: 0>} : vector<320x20xi32>
    %jit3A_69 = arith.constant 16 : i32
    %div3A_70 = vector.broadcast %jit3A_69 : i32 to vector<320x20xi32>
    %div3A_71 = arith.divsi %iota3A_68, %div3A_70 : vector<320x20xi32>
    %sign3A_72 = arith.constant 0 : i32
    %sign3A_73 = vector.broadcast %sign3A_72 : i32 to vector<320x20xi32>
    %sign3A_74 = arith.cmpi sgt, %iota3A_68, %sign3A_73 : vector<320x20xi32>
    %sign3A_75 = arith.extui %sign3A_74 : vector<320x20xi1> to vector<320x20xi32>
    %sign3A_76 = arith.constant 0 : i32
    %sign3A_77 = vector.broadcast %sign3A_76 : i32 to vector<320x20xi32>
    %sign3A_78 = arith.cmpi slt, %iota3A_68, %sign3A_77 : vector<320x20xi32>
    %sign3A_79 = arith.extui %sign3A_78 : vector<320x20xi1> to vector<320x20xi32>
    %sign3A_80 = arith.subi %sign3A_75, %sign3A_79 : vector<320x20xi32>
    %sign3A_81 = arith.constant 0 : i32
    %sign3A_82 = arith.cmpi sgt, %jit3A_69, %sign3A_81 : i32
    %sign3A_83 = arith.extui %sign3A_82 : i1 to i32
    %sign3A_84 = arith.constant 0 : i32
    %sign3A_85 = arith.cmpi slt, %jit3A_69, %sign3A_84 : i32
    %sign3A_86 = arith.extui %sign3A_85 : i1 to i32
    %sign3A_87 = arith.subi %sign3A_83, %sign3A_86 : i32
    %ne3A_88 = vector.broadcast %sign3A_87 : i32 to vector<320x20xi32>
    %ne3A_89 = arith.cmpi ne, %sign3A_80, %ne3A_88 : vector<320x20xi32>
    %rem3A_90 = vector.broadcast %jit3A_69 : i32 to vector<320x20xi32>
    %rem3A_91 = arith.remsi %iota3A_68, %rem3A_90 : vector<320x20xi32>
    %ne3A_92 = arith.constant 0 : i32
    %ne3A_93 = vector.broadcast %ne3A_92 : i32 to vector<320x20xi32>
    %ne3A_94 = arith.cmpi ne, %rem3A_91, %ne3A_93 : vector<320x20xi32>
    %and3A_95 = arith.andi %ne3A_89, %ne3A_94 : vector<320x20xi1>
    %sub3A_96 = arith.constant 1 : i32
    %sub3A_97 = vector.broadcast %sub3A_96 : i32 to vector<320x20xi32>
    %sub3A_98 = arith.subi %div3A_71, %sub3A_97 : vector<320x20xi32>
    %select_n3A_99 = arith.select %and3A_95, %sub3A_98, %div3A_71 : vector<320x20xi1>, vector<320x20xi32>
    %iota3A_100 = tpu.iota {dimensions = array<i32: 1>} : vector<320x20xi32>
    %eq3A_101 = arith.cmpi eq, %select_n3A_99, %iota3A_100 : vector<320x20xi32>
    %convert_element_type3A_102 = arith.extui %eq3A_101 : vector<320x20xi1> to vector<320x20xi32>
    %convert_element_type3A_103 = arith.sitofp %convert_element_type3A_102 : vector<320x20xi32> to vector<320x20xf32>
    %dot_general3A = arith.constant dense<0.000000e+00> : vector<20x1xf32>
    %dot_general3A_104 = tpu.matmul %convert_element_type3A_67, %slice3A_7, %dot_general3A {dimension_numbers = #tpu.dot_dimension_numbers<[1], [0], [0], [1], [0, 0, 1, 1], [], []>, transpose_lhs_hint = false} : vector<20x320xf32>, vector<320x1xf32>, vector<20x1xf32> -> vector<20x1xf32>
    %dot_general3A_105 = arith.constant dense<0.000000e+00> : vector<20x128xf32>
    %dot_general3A_106 = tpu.matmul %convert_element_type3A_67, %slice3A, %dot_general3A_105 {dimension_numbers = #tpu.dot_dimension_numbers<[1], [0], [0], [1], [0, 0, 1, 1], [], []>, transpose_lhs_hint = false} : vector<20x320xf32>, vector<320x128xf32>, vector<20x128xf32> -> vector<20x128xf32>
    %max3A = arith.constant 1.000000e+00 : f32
    %max3A_107 = vector.broadcast %max3A : f32 to vector<320x1xf32>
    %max3A_108 = arith.maximumf %max3A_107, %slice3A_7 : vector<320x1xf32>
    %div3A_109 = vector.broadcast %max3A_108 : vector<320x1xf32> to vector<320x128xf32>
    %div3A_110 = arith.divf %slice3A, %div3A_109 : vector<320x128xf32>
    %max3A_111 = arith.constant 1.000000e+00 : f32
    %max3A_112 = vector.broadcast %max3A_111 : f32 to vector<20x1xf32>
    %max3A_113 = arith.maximumf %max3A_112, %dot_general3A_104 : vector<20x1xf32>
    %div3A_114 = vector.broadcast %max3A_113 : vector<20x1xf32> to vector<20x128xf32>
    %div3A_115 = arith.divf %dot_general3A_106, %div3A_114 : vector<20x128xf32>
    %dot_general3A_116 = arith.constant dense<0.000000e+00> : vector<320x128xf32>
    %dot_general3A_117 = tpu.matmul %convert_element_type3A_103, %div3A_115, %dot_general3A_116 {dimension_numbers = #tpu.dot_dimension_numbers<[1], [0], [0], [1], [0, 0, 1, 1], [], []>, transpose_lhs_hint = false} : vector<320x20xf32>, vector<20x128xf32>, vector<320x128xf32> -> vector<320x128xf32>
    %sub3A_118 = arith.subf %div3A_110, %dot_general3A_117 : vector<320x128xf32>
    %mul3A = arith.mulf %sub3A_118, %sub3A_118 : vector<320x128xf32>
    %reduce_sum3A_119 = arith.constant dense<0.000000e+00> : vector<320xf32>
    %reduce_sum3A_120 = vector.multi_reduction <add>, %mul3A, %reduce_sum3A_119 [1] : vector<320x128xf32> to vector<320xf32>
    %broadcast_in_dim3A_121 = vector.shape_cast %reduce_sum3A_120 : vector<320xf32> to vector<320x1xf32>
    %mul3A_122 = arith.mulf %slice3A_7, %broadcast_in_dim3A_121 : vector<320x1xf32>
    %mul3A_123 = arith.mulf %div3A_110, %slice3A : vector<320x128xf32>
    %reduce_sum3A_124 = arith.constant dense<0.000000e+00> : vector<320xf32>
    %reduce_sum3A_125 = vector.multi_reduction <add>, %mul3A_123, %reduce_sum3A_124 [1] : vector<320x128xf32> to vector<320xf32>
    %broadcast_in_dim3A_126 = vector.shape_cast %reduce_sum3A_125 : vector<320xf32> to vector<320x1xf32>
    %mul3A_127 = arith.constant 2.000000e+00 : f32
    %mul3A_128 = vector.broadcast %mul3A_127 : f32 to vector<320x1xf32>
    %mul3A_129 = arith.mulf %mul3A_128, %broadcast_in_dim3A_126 : vector<320x1xf32>
    %sub3A_130 = arith.subf %broadcast_in_dim3A, %mul3A_129 : vector<320x1xf32>
    %mul3A_131 = arith.mulf %div3A_110, %div3A_110 : vector<320x128xf32>
    %reduce_sum3A_132 = arith.constant dense<0.000000e+00> : vector<320xf32>
    %reduce_sum3A_133 = vector.multi_reduction <add>, %mul3A_131, %reduce_sum3A_132 [1] : vector<320x128xf32> to vector<320xf32>
    %broadcast_in_dim3A_134 = vector.shape_cast %reduce_sum3A_133 : vector<320xf32> to vector<320x1xf32>
    %mul3A_135 = arith.mulf %slice3A_7, %broadcast_in_dim3A_134 : vector<320x1xf32>
    %add3A_136 = arith.addf %sub3A_130, %mul3A_135 : vector<320x1xf32>
    %dot_general3A_137 = arith.constant dense<0.000000e+00> : vector<20x1xf32>
    %dot_general3A_138 = tpu.matmul %convert_element_type3A_67, %mul3A_122, %dot_general3A_137 {dimension_numbers = #tpu.dot_dimension_numbers<[1], [0], [0], [1], [0, 0, 1, 1], [], []>, transpose_lhs_hint = false} : vector<20x320xf32>, vector<320x1xf32>, vector<20x1xf32> -> vector<20x1xf32>
    %dot_general3A_139 = arith.constant dense<0.000000e+00> : vector<20x1xf32>
    %dot_general3A_140 = tpu.matmul %convert_element_type3A_67, %add3A_136, %dot_general3A_139 {dimension_numbers = #tpu.dot_dimension_numbers<[1], [0], [0], [1], [0, 0, 1, 1], [], []>, transpose_lhs_hint = false} : vector<20x320xf32>, vector<320x1xf32>, vector<20x1xf32> -> vector<20x1xf32>
    %ge3A = arith.constant 15 : i32
    %ge3A_141 = vector.broadcast %ge3A : i32 to vector<320x1xi32>
    %ge3A_142 = arith.cmpi sge, %select_n3A, %ge3A_141 : vector<320x1xi32>
    %convert_element_type3A_143 = arith.extui %ge3A_142 : vector<320x1xi1> to vector<320x1xi32>
    %convert_element_type3A_144 = arith.sitofp %convert_element_type3A_143 : vector<320x1xi32> to vector<320x1xf32>
    %mul3A_145 = arith.mulf %convert_element_type3A_144, %slice3A_7 : vector<320x1xf32>
    %reduce_sum3A_146 = vector.shape_cast %mul3A_145 : vector<320x1xf32> to vector<1x320x1xf32>
    %reduce_sum3A_147 = arith.constant dense<0.000000e+00> : vector<1xf32>
    %reduce_sum3A_148 = vector.multi_reduction <add>, %reduce_sum3A_146, %reduce_sum3A_147 [1, 2] : vector<1x320x1xf32> to vector<1xf32>
    %reduce_sum3A_149 = vector.shape_cast %reduce_sum3A_148 : vector<1xf32> to vector<1x1x1xf32>
    %reduce_sum3A_150 = vector.extract %reduce_sum3A_149[0, 0, 0] : f32 from vector<1x1x1xf32>
    %mul3A_151 = vector.broadcast %convert_element_type3A_144 : vector<320x1xf32> to vector<320x128xf32>
    %mul3A_152 = arith.mulf %slice3A, %mul3A_151 : vector<320x128xf32>
    %reduce_sum3A_153 = arith.constant dense<0.000000e+00> : vector<128xf32>
    %reduce_sum3A_154 = vector.multi_reduction <add>, %mul3A_152, %reduce_sum3A_153 [0] : vector<320x128xf32> to vector<128xf32>
    %broadcast_in_dim3A_155 = vector.shape_cast %reduce_sum3A_154 : vector<128xf32> to vector<1x128xf32>
    %mul3A_156 = arith.mulf %broadcast_in_dim3A, %convert_element_type3A_144 : vector<320x1xf32>
    %reduce_sum3A_157 = vector.shape_cast %mul3A_156 : vector<320x1xf32> to vector<1x320x1xf32>
    %reduce_sum3A_158 = arith.constant dense<0.000000e+00> : vector<1xf32>
    %reduce_sum3A_159 = vector.multi_reduction <add>, %reduce_sum3A_157, %reduce_sum3A_158 [1, 2] : vector<1x320x1xf32> to vector<1xf32>
    %reduce_sum3A_160 = vector.shape_cast %reduce_sum3A_159 : vector<1xf32> to vector<1x1x1xf32>
    %reduce_sum3A_161 = vector.extract %reduce_sum3A_160[0, 0, 0] : f32 from vector<1x1x1xf32>
    %max3A_162 = arith.constant 1.000000e+00 : f32
    %max3A_163 = arith.maximumf %max3A_162, %reduce_sum3A_150 : f32
    %div3A_164 = vector.broadcast %max3A_163 : f32 to vector<1x128xf32>
    %div3A_165 = arith.divf %broadcast_in_dim3A_155, %div3A_164 : vector<1x128xf32>
    %mul3A_166 = arith.mulf %div3A_165, %broadcast_in_dim3A_155 : vector<1x128xf32>
    %reduce_sum3A_167 = vector.shape_cast %mul3A_166 : vector<1x128xf32> to vector<1x1x128xf32>
    %reduce_sum3A_168 = arith.constant dense<0.000000e+00> : vector<1xf32>
    %reduce_sum3A_169 = vector.multi_reduction <add>, %reduce_sum3A_167, %reduce_sum3A_168 [1, 2] : vector<1x1x128xf32> to vector<1xf32>
    %reduce_sum3A_170 = vector.shape_cast %reduce_sum3A_169 : vector<1xf32> to vector<1x1x1xf32>
    %reduce_sum3A_171 = vector.extract %reduce_sum3A_170[0, 0, 0] : f32 from vector<1x1x1xf32>
    %mul3A_172 = arith.constant 2.000000e+00 : f32
    %mul3A_173 = arith.mulf %mul3A_172, %reduce_sum3A_171 : f32
    %sub3A_174 = arith.subf %reduce_sum3A_161, %mul3A_173 : f32
    %mul3A_175 = arith.mulf %div3A_165, %div3A_165 : vector<1x128xf32>
    %reduce_sum3A_176 = vector.shape_cast %mul3A_175 : vector<1x128xf32> to vector<1x1x128xf32>
    %reduce_sum3A_177 = arith.constant dense<0.000000e+00> : vector<1xf32>
    %reduce_sum3A_178 = vector.multi_reduction <add>, %reduce_sum3A_176, %reduce_sum3A_177 [1, 2] : vector<1x1x128xf32> to vector<1xf32>
    %reduce_sum3A_179 = vector.shape_cast %reduce_sum3A_178 : vector<1xf32> to vector<1x1x1xf32>
    %reduce_sum3A_180 = vector.extract %reduce_sum3A_179[0, 0, 0] : f32 from vector<1x1x1xf32>
    %mul3A_181 = arith.mulf %reduce_sum3A_150, %reduce_sum3A_180 : f32
    %add3A_182 = arith.addf %sub3A_174, %mul3A_181 : f32
    %sub3A_183 = arith.constant 1.000000e+00 : f32
    %sub3A_184 = arith.subf %reduce_sum3A_150, %sub3A_183 : f32
    %max3A_185 = arith.constant 1.000000e+00 : f32
    %max3A_186 = arith.maximumf %max3A_185, %sub3A_184 : f32
    %div3A_187 = arith.divf %add3A_182, %max3A_186 : f32
    %iota3A_188 = tpu.iota {dimensions = array<i32: 0>} : vector<20x1xi32>
    %lt3A = arith.constant 15 : i32
    %lt3A_189 = vector.broadcast %lt3A : i32 to vector<20x1xi32>
    %lt3A_190 = arith.cmpi slt, %iota3A_188, %lt3A_189 : vector<20x1xi32>
    %sub3A_191 = arith.constant 1.000000e+00 : f32
    %sub3A_192 = vector.broadcast %sub3A_191 : f32 to vector<20x1xf32>
    %sub3A_193 = arith.subf %dot_general3A_104, %sub3A_192 : vector<20x1xf32>
    %max3A_194 = arith.constant 1.000000e+00 : f32
    %max3A_195 = vector.broadcast %max3A_194 : f32 to vector<20x1xf32>
    %max3A_196 = arith.maximumf %max3A_195, %sub3A_193 : vector<20x1xf32>
    %div3A_197 = arith.divf %dot_general3A_138, %max3A_196 : vector<20x1xf32>
    %select_n3A_198 = arith.select %lt3A_190, %div3A_197, %dot_general3A_138 : vector<20x1xi1>, vector<20x1xf32>
    %div3A_199 = arith.divf %dot_general3A_140, %max3A_196 : vector<20x1xf32>
    %select_n3A_200 = arith.select %lt3A_190, %div3A_199, %dot_general3A_140 : vector<20x1xi1>, vector<20x1xf32>
    %sub3A_201 = vector.broadcast %div3A_187 : f32 to vector<20x1xf32>
    %sub3A_202 = arith.subf %sub3A_201, %select_n3A_198 : vector<20x1xf32>
    %max3A_203 = arith.constant 9.99999997E-7 : f32
    %max3A_204 = vector.broadcast %max3A_203 : f32 to vector<20x1xf32>
    %max3A_205 = arith.maximumf %max3A_204, %select_n3A_200 : vector<20x1xf32>
    %div3A_206 = arith.divf %sub3A_202, %max3A_205 : vector<20x1xf32>
    %gt3A = arith.constant 0.000000e+00 : f32
    %gt3A_207 = vector.broadcast %gt3A : f32 to vector<20x1xf32>
    %gt3A_208 = arith.cmpf ogt, %div3A_206, %gt3A_207 : vector<20x1xf32>
    %gt3A_209 = arith.constant 0.000000e+00 : f32
    %gt3A_210 = vector.broadcast %gt3A_209 : f32 to vector<20x1xf32>
    %gt3A_211 = arith.cmpf ogt, %div3A_206, %gt3A_210 : vector<20x1xf32>
    %jit3A_212 = arith.constant 1.000000e+00 : f32
    %broadcast_in_dim3A_213 = vector.broadcast %jit3A_212 : f32 to vector<20x1xf32>
    %select_n3A_214 = arith.select %gt3A_211, %div3A_206, %broadcast_in_dim3A_213 : vector<20x1xi1>, vector<20x1xf32>
    %sqrt3A = math.sqrt %select_n3A_214 : vector<20x1xf32>
    %jit3A_215 = arith.constant 0.000000e+00 : f32
    %broadcast_in_dim3A_216 = vector.broadcast %jit3A_215 : f32 to vector<20x1xf32>
    %select_n3A_217 = arith.select %gt3A_208, %sqrt3A, %broadcast_in_dim3A_216 : vector<20x1xi1>, vector<20x1xf32>
    %dot_general3A_218 = arith.constant dense<0.000000e+00> : vector<320x1xf32>
    %dot_general3A_219 = tpu.matmul %convert_element_type3A_103, %select_n3A_217, %dot_general3A_218 {dimension_numbers = #tpu.dot_dimension_numbers<[1], [0], [0], [1], [0, 0, 1, 1], [], []>, transpose_lhs_hint = false} : vector<320x20xf32>, vector<20x1xf32>, vector<320x1xf32> -> vector<320x1xf32>
    %lt3A_220 = arith.constant 15 : i32
    %lt3A_221 = vector.broadcast %lt3A_220 : i32 to vector<320x1xi32>
    %lt3A_222 = arith.cmpi slt, %select_n3A, %lt3A_221 : vector<320x1xi32>
    %jit3A_223 = arith.constant 1.000000e+00 : f32
    %broadcast_in_dim3A_224 = vector.broadcast %jit3A_223 : f32 to vector<320x1xf32>
    %select_n3A_225 = arith.select %lt3A_222, %dot_general3A_219, %broadcast_in_dim3A_224 : vector<320x1xi1>, vector<320x1xf32>
    %sub3A_226 = arith.constant 1.000000e+00 : f32
    %sub3A_227 = vector.broadcast %sub3A_226 : f32 to vector<320x1xf32>
    %sub3A_228 = arith.subf %sub3A_227, %dot_general3A_219 : vector<320x1xf32>
    %mul3A_229 = vector.broadcast %sub3A_228 : vector<320x1xf32> to vector<320x128xf32>
    %mul3A_230 = arith.mulf %mul3A_229, %div3A_110 : vector<320x128xf32>
    %jit3A_231 = arith.constant 0.000000e+00 : f32
    %broadcast_in_dim3A_232 = vector.shape_cast %lt3A_222 : vector<320x1xi1> to vector<320x1xi1>
    %broadcast_in_dim3A_233 = vector.broadcast %broadcast_in_dim3A_232 : vector<320x1xi1> to vector<320x128xi1>
    %broadcast_in_dim3A_234 = vector.broadcast %jit3A_231 : f32 to vector<320x128xf32>
    %select_n3A_235 = arith.select %broadcast_in_dim3A_233, %mul3A_230, %broadcast_in_dim3A_234 : vector<320x128xi1>, vector<320x128xf32>
    %broadcast_in_dim3A_236 = arith.constant 0.000000e+00 : f32
    %broadcast_in_dim3A_237 = vector.broadcast %broadcast_in_dim3A_236 : f32 to vector<320x1xf32>
    %concatenate3A = tpu.concatenate %select_n3A_235, %select_n3A_225, %broadcast_in_dim3A_237 in 1 : vector<320x128xf32>, vector<320x1xf32>, vector<320x1xf32> -> vector<320x130xf32>
    %swap3A = arith.constant 0 : index
    %swap3A_238 = arith.constant 0 : index
    %swap3A_239 = vector.load %arg2[%swap3A, %swap3A_238] : memref<320x130xf32, #tpu.memory_space<vmem>>, vector<320x130xf32>
    tpu.vector_store %arg2[%swap3A, %swap3A_238], %concatenate3A {strides = array<i32>} : memref<320x130xf32, #tpu.memory_space<vmem>>, vector<320x130xf32>,
    return
  }
}

module attributes {stable_mosaic.version = 14 : i64} {
  func.func @_p1tc_body(%arg0: i32, %arg1: memref<2000x128xf32, #tpu.memory_space<vmem>>, %arg2: memref<1x1x2000xi32, #tpu.memory_space<vmem>>, %arg3: memref<1x1x2000xi32, #tpu.memory_space<vmem>>, %arg4: memref<320x160xf32, #tpu.memory_space<vmem>>) attributes {dimension_semantics = [#tpu.dimension_semantics<arbitrary>], iteration_bounds = array<i64: 24>, scalar_prefetch = 0 : i64, scratch_operands = 0 : i64, tpu.core_type = #tpu.core_type<tc>, window_params = [{transform_indices = @transform_0, window_bounds = array<i64: 2000, 128>}, {transform_indices = @transform_1, window_bounds = array<i64: 1, 1, 2000>}, {transform_indices = @transform_2, window_bounds = array<i64: 1, 1, 2000>}, {pipeline_mode = #tpu.pipeline_mode<synchronous>, transform_indices = @transform_3, window_bounds = array<i64: 320, 160>}]} {
    %get3A = arith.constant 0 : index
    %get3A_0 = arith.constant 0 : index
    %get3A_1 = vector.load %arg1[%get3A, %get3A_0] : memref<2000x128xf32, #tpu.memory_space<vmem>>, vector<2000x128xf32>
    %get3A_2 = arith.constant 0 : index
    %get3A_3 = arith.constant 0 : index
    %get3A_4 = arith.constant 0 : index
    %get3A_5 = vector.load %arg3[%get3A_2, %get3A_3, %get3A_4] : memref<1x1x2000xi32, #tpu.memory_space<vmem>>, vector<1x1x2000xi32>
    %get3A_6 = vector.shape_cast %get3A_5 : vector<1x1x2000xi32> to vector<2000xi32>
    %mul3A = arith.constant 16 : i32
    %mul3A_7 = vector.broadcast %mul3A : i32 to vector<2000xi32>
    %mul3A_8 = arith.muli %get3A_6, %mul3A_7 : vector<2000xi32>
    %get3A_9 = arith.constant 0 : index
    %get3A_10 = arith.constant 0 : index
    %get3A_11 = arith.constant 0 : index
    %get3A_12 = vector.load %arg2[%get3A_9, %get3A_10, %get3A_11] : memref<1x1x2000xi32, #tpu.memory_space<vmem>>, vector<1x1x2000xi32>
    %get3A_13 = vector.shape_cast %get3A_12 : vector<1x1x2000xi32> to vector<2000xi32>
    %add3A = arith.addi %mul3A_8, %get3A_13 : vector<2000xi32>
    %iota3A = tpu.iota {dimensions = array<i32: 0>} : vector<320x2000xi32>
    %broadcast_in_dim3A = vector.shape_cast %add3A : vector<2000xi32> to vector<1x2000xi32>
    %eq3A = vector.broadcast %broadcast_in_dim3A : vector<1x2000xi32> to vector<320x2000xi32>
    %eq3A_14 = arith.cmpi eq, %iota3A, %eq3A : vector<320x2000xi32>
    %convert_element_type3A = arith.extui %eq3A_14 : vector<320x2000xi1> to vector<320x2000xi32>
    %convert_element_type3A_15 = arith.sitofp %convert_element_type3A : vector<320x2000xi32> to vector<320x2000xf32>
    %mul3A_16 = arith.mulf %get3A_1, %get3A_1 : vector<2000x128xf32>
    %reduce_sum3A = arith.constant dense<0.000000e+00> : vector<2000xf32>
    %reduce_sum3A_17 = vector.multi_reduction <add>, %mul3A_16, %reduce_sum3A [1] : vector<2000x128xf32> to vector<2000xf32>
    %broadcast_in_dim3A_18 = vector.shape_cast %reduce_sum3A_17 : vector<2000xf32> to vector<2000x1xf32>
    %broadcast_in_dim3A_19 = arith.constant 0.000000e+00 : f32
    %broadcast_in_dim3A_20 = vector.broadcast %broadcast_in_dim3A_19 : f32 to vector<2000x15xf32>
    %broadcast_in_dim3A_21 = arith.constant 1.000000e+00 : f32
    %broadcast_in_dim3A_22 = vector.broadcast %broadcast_in_dim3A_21 : f32 to vector<2000x1xf32>
    %broadcast_in_dim3A_23 = arith.constant 0.000000e+00 : f32
    %broadcast_in_dim3A_24 = vector.broadcast %broadcast_in_dim3A_23 : f32 to vector<2000x15xf32>
    %concatenate3A = tpu.concatenate %get3A_1, %broadcast_in_dim3A_18, %broadcast_in_dim3A_20, %broadcast_in_dim3A_22, %broadcast_in_dim3A_24 in 1 : vector<2000x128xf32>, vector<2000x1xf32>, vector<2000x15xf32>, vector<2000x1xf32>, vector<2000x15xf32> -> vector<2000x160xf32>
    %dot_general3A = arith.constant dense<0.000000e+00> : vector<320x160xf32>
    %dot_general3A_25 = tpu.matmul %convert_element_type3A_15, %concatenate3A, %dot_general3A {dimension_numbers = #tpu.dot_dimension_numbers<[1], [0], [0], [1], [0, 0, 1, 1], [], []>, transpose_lhs_hint = false} : vector<320x2000xf32>, vector<2000x160xf32>, vector<320x160xf32> -> vector<320x160xf32>
    %eq3A_26 = arith.constant 0 : i32
    %eq3A_27 = arith.cmpi eq, %arg0, %eq3A_26 : i32
    %convert_element_type3A_28 = arith.extui %eq3A_27 : i1 to i32
    %cond3A = arith.constant 0 : i32
    %cond3A_29 = arith.cmpi ne, %convert_element_type3A_28, %cond3A : i32
    scf.if %cond3A_29 {
      %swap3A = arith.constant 0 : index
      %swap3A_34 = arith.constant 0 : index
      %swap3A_35 = vector.load %arg4[%swap3A, %swap3A_34] : memref<320x160xf32, #tpu.memory_space<vmem>>, vector<320x160xf32>
      tpu.vector_store %arg4[%swap3A, %swap3A_34], %dot_general3A_25 {strides = array<i32>} : memref<320x160xf32, #tpu.memory_space<vmem>>, vector<320x160xf32>,
    } else {
    }
    %gt3A = arith.constant 0 : i32
    %gt3A_30 = arith.cmpi sgt, %arg0, %gt3A : i32
    %convert_element_type3A_31 = arith.extui %gt3A_30 : i1 to i32
    %cond3A_32 = arith.constant 0 : i32
    %cond3A_33 = arith.cmpi ne, %convert_element_type3A_31, %cond3A_32 : i32
    scf.if %cond3A_33 {
      %get3A_34 = arith.constant 0 : index
      %get3A_35 = arith.constant 0 : index
      %get3A_36 = vector.load %arg4[%get3A_34, %get3A_35] : memref<320x160xf32, #tpu.memory_space<vmem>>, vector<320x160xf32>
      %add3A_37 = arith.addf %get3A_36, %dot_general3A_25 : vector<320x160xf32>
      %swap3A = arith.constant 0 : index
      %swap3A_38 = arith.constant 0 : index
      %swap3A_39 = vector.load %arg4[%swap3A, %swap3A_38] : memref<320x160xf32, #tpu.memory_space<vmem>>, vector<320x160xf32>
      tpu.vector_store %arg4[%swap3A, %swap3A_38], %add3A_37 {strides = array<i32>} : memref<320x160xf32, #tpu.memory_space<vmem>>, vector<320x160xf32>,
    } else {
    }
    return
  }
  func.func @transform_0(%arg0: i32) -> (i32, i32) {
    %add3A = arith.constant 26 : i32
    %add3A_0 = arith.addi %add3A, %arg0 : i32
    %c0_i32 = arith.constant 0 : i32
    %c0_i32_1 = arith.constant 0 : i32
    return %add3A_0, %c0_i32 : i32, i32
  }
  func.func @transform_1(%arg0: i32) -> (i32, i32, i32) {
    %add3A = arith.constant 26 : i32
    %add3A_0 = arith.addi %add3A, %arg0 : i32
    %c0_i32 = arith.constant 0 : i32
    %c0_i32_1 = arith.constant 0 : i32
    %c0_i32_2 = arith.constant 0 : i32
    return %add3A_0, %c0_i32, %c0_i32_1 : i32, i32, i32
  }
  func.func @transform_2(%arg0: i32) -> (i32, i32, i32) {
    %add3A = arith.constant 26 : i32
    %add3A_0 = arith.addi %add3A, %arg0 : i32
    %c0_i32 = arith.constant 0 : i32
    %c0_i32_1 = arith.constant 0 : i32
    %c0_i32_2 = arith.constant 0 : i32
    return %add3A_0, %c0_i32, %c0_i32_1 : i32, i32, i32
  }
  func.func @transform_3(%arg0: i32) -> (i32, i32) {
    %c0_i32 = arith.constant 0 : i32
    %c0_i32_0 = arith.constant 0 : i32
    %c0_i32_1 = arith.constant 0 : i32
    return %c0_i32, %c0_i32_0 : i32, i32
  }
}

</mosaic_0001>

<sc_bundles>
// kernel: kernel.6.cloned.1.call-start
scs
__scs_entry_jumppad:
0x0: {  	(pc) =	sbr.rel $0x88, $3  }
0x1: {  	(tag) =	ssettag $0x0;
	lr =	simm.s32 $0x1  }
0x2: {  	[smem:$0x3F9E] =	sst lr;
	_ =	strace $0xD0000000  }
0x3: {  	_ = 	snop  }
0x4: {  	_ = 	snop  }
0x5: {  	_ = 	snop  }
0x6: {  	_ = 	snop  }
0x7: {  	_ = 	snop  }
__scs_overlays_trampoline_lowered:
0x8: {  	[smem:$0x3FAD] =	sst s0  }
0x9: {  	[smem:$0x3FAE] =	sst s1  }
0xa: {  	[smem:$0x3FAF] =	sst s2  }
0xb: {  	[smem:$0x3FB0] =	sst s3  }
0xc: {  	[smem:$0x3FB1] =	sst s4  }
0xd: {  	[smem:$0x3FB2] =	sst s5  }
0xe: {  	[smem:$0x3FB3] =	sst s6  }
0xf: {  	[smem:$0x3FB4] =	sst s7  }
0x10: {  	[smem:$0x3FB5] =	sst s8  }
0x11: {  	[smem:$0x3FB6] =	sst s9;
	s0 =	simm.s32 @!p0 $0x0  }
0x12: {  	s1 =	sld [smem:$0x3F9C];
	s0 =	simm.s32 @p0 $0x1  }
0x13: {  	[smem:$0x3FB7] =	sst s0;
	s0 =	simm.s32 @!p1 $0x0  }
0x14: {  	s2 =	sld [smem:$0x3F9B];
	s0 =	simm.s32 @p1 $0x1  }
0x15: {  	[smem:$0x3FB8] =	sst s0;
	s0 =	simm.s32 @!p2 $0x0  }
0x16: {  	s3 =	sld [smem:$0x3FDB];
	s0 =	simm.s32 @p2 $0x1  }
0x17: {  	s4 =	simm.s32 $0x1BF5;
	[smem:$0x3FBA] =	sst s0  }
0x18: {  	s0 =	sld [smem:$0x3F9D];
	_ =	swait.ge [sflag:s4], $0x0  }
0x19: {  	s7 =	sld [smem:$0x3F9E]  }
0x1a: {  	s8 =	sadd.s32 $0xFFFFE003, lr  }
0x1b: {  	s9 =	sadd.s32 $0xFFFFFEF7, lr;
	s5 =	simm.s32 $0xFFFFFFFF;
	p2 =	slt.u32 s8, $0xFFFFF086  }
0x1c: {  	p1 =	slt.u32 s9, $0xF7A;
	s5 =	simm.s32 @!p2 $0x0  }
0x1d: {  	s5 =	simm.s32 @p1 $0x1;
	p0 =	seq.s32 s7, s2  }
0x1e: {  	s7 =	smul.u32 @!p0 $0xF7A, s2;
	p2 =	seq.s32 @!p0 s5, $0x0  }
0x1f: {  	s9 =	smul.u32 $0xF7A, s1;
	s8 =	simm.s32 @!p0 $0x1BF5;
	p2 =	por !p2, p0  }
0x20: {  	[sflag:s8] =	ssyncset.s32 @!p0 $0xFFFFF086;
	s6 =	sadd.s32 @!p0 s3, s7;
	s7 =	simm.s32 @!p0 $0x108  }
0x21: {  	s3 =	sadd.s32 s3, s9;
	s6 =	sadd.s32 @!p0 $0x88, s6;
	s7 =	simm.s32 @p2 $0x1082  }
0x22: {  	[simem:s7], [sflag:s8] =	dma.local @!p0 [hbm:s6], $0xF7A  }
0x23: {  	s9 =	sor.u32 $0xD0000000, s2;
	s6 =	simm.s32 $0x108;
	_ =	swait.ge @!p0 [sflag:s8], $0x0  }
0x24: {  	s3 =	sadd.s32 $0x88, s3;
	s6 =	simm.s32 @!p1 $0x1082;
	[sflag:s4] =	ssyncset.s32 $0xFFFFF086  }
0x25: {  	[simem:s6], [sflag:s4] =	dma.local [hbm:s3], $0xF7A  }
0x26: {  	[smem:$0x3F9E] =	sst s1;
	(tag) =	ssettag s2;
	_ =	strace s9  }
0x27: {  	s1 =	sld [smem:$0x3FAE]  }
0x28: {  	s2 =	sld [smem:$0x3FAF]  }
0x29: {  	s4 =	sld [smem:$0x3FB1]  }
0x2a: {  	p0 =	seq.s32 s5, $0x0;
	s5 =	sld [smem:$0x3FB2]  }
0x2b: {  	s6 =	sld [smem:$0x3FB3]  }
0x2c: {  	s7 =	sld [smem:$0x3FB4]  }
0x2d: {  	s3 =	simm.s32 $0x108;
	s8 =	sld [smem:$0x3FB5]  }
0x2e: {  	s3 =	simm.s32 @!p0 $0x1082;
	s9 =	sld [smem:$0x3FB6]  }
0x2f: {  	lr =	sadd.s32 s0, s3;
	s0 =	sld [smem:$0x3FAD]  }
0x30: {  	s3 =	sld [smem:$0x3FB0]  }
0x31: {  	[smem:$0x3FB9] =	sst s10  }
0x32: {  	s10 =	sld [smem:$0x3FB7];
	_ =	sdelay $0x3  }
0x33: {  	p0 =	seq.s32 s10, $0x1;
	s10 =	sld [smem:$0x3FB9];
	_ =	sdelay $0x3  }
0x34: {  	[smem:$0x3FB9] =	sst s10  }
0x35: {  	s10 =	sld [smem:$0x3FB8];
	_ =	sdelay $0x3  }
0x36: {  	p1 =	seq.s32 s10, $0x1;
	s10 =	sld [smem:$0x3FB9];
	_ =	sdelay $0x3  }
0x37: {  	[smem:$0x3FB9] =	sst s10  }
0x38: {  	s10 =	sld [smem:$0x3FBA]  }
0x39: {  	_ = 	snop;
	(pc) =	sbr.ind lr, $3  }
0x3a: {  	_ = 	snop  }
0x3b: {  	_ = 	snop  }
0x3c: {  	p2 =	seq.s32 s10, $0x1;
	s10 =	sld [smem:$0x3FB9]  }
0x3d: {  	_ =	shalt  }
0x3e: {  	_ =	shalt  }
0x3f: {  	_ =	shalt  }
0x40: {  	_ =	shalt  }
0x41: {  	_ =	shalt  }
0x42: {  	_ =	shalt  }
0x43: {  	_ =	shalt  }
0x44: {  	_ =	shalt  }
0x45: {  	_ =	shalt  }
0x46: {  	_ =	shalt  }
0x47: {  	_ =	shalt  }
0x48: {  	_ =	shalt  }
0x49: {  	_ =	shalt  }
0x4a: {  	_ =	shalt  }
0x4b: {  	_ =	shalt  }
0x4c: {  	_ =	shalt  }
0x4d: {  	_ =	shalt  }
0x4e: {  	_ =	shalt  }
0x4f: {  	_ =	shalt  }
0x50: {  	_ =	shalt  }
0x51: {  	_ =	shalt  }
0x52: {  	_ =	shalt  }
0x53: {  	_ =	shalt  }
0x54: {  	_ =	shalt  }
0x55: {  	_ =	shalt  }
0x56: {  	_ =	shalt  }
0x57: {  	_ =	shalt  }
0x58: {  	_ =	shalt  }
0x59: {  	_ =	shalt  }
0x5a: {  	_ =	shalt  }
0x5b: {  	_ =	shalt  }
0x5c: {  	_ =	shalt  }
0x5d: {  	_ =	shalt  }
0x5e: {  	_ =	shalt  }
0x5f: {  	_ =	shalt  }
0x60: {  	_ =	shalt  }
0x61: {  	_ =	shalt  }
0x62: {  	_ =	shalt  }
0x63: {  	_ =	shalt  }
0x64: {  	_ =	shalt  }
0x65: {  	_ =	shalt  }
0x66: {  	_ =	shalt  }
0x67: {  	_ =	shalt  }
0x68: {  	_ =	shalt  }
0x69: {  	_ =	shalt  }
0x6a: {  	_ =	shalt  }
0x6b: {  	_ =	shalt  }
0x6c: {  	_ =	shalt  }
0x6d: {  	_ =	shalt  }
0x6e: {  	_ =	shalt  }
0x6f: {  	_ =	shalt  }
0x70: {  	_ =	shalt  }
0x71: {  	_ =	shalt  }
0x72: {  	_ =	shalt  }
0x73: {  	_ =	shalt  }
0x74: {  	_ =	shalt  }
0x75: {  	_ =	shalt  }
0x76: {  	_ =	shalt  }
0x77: {  	_ =	shalt  }
0x78: {  	_ =	shalt  }
0x79: {  	_ =	shalt  }
0x7a: {  	_ =	shalt  }
0x7b: {  	_ =	shalt  }
0x7c: {  	_ =	shalt  }
0x7d: {  	_ =	shalt  }
0x7e: {  	_ =	shalt  }
0x7f: {  	_ =	shalt  }
0x80: {  	_ =	shalt  }
0x81: {  	_ =	shalt  }
0x82: {  	_ =	shalt  }
0x83: {  	_ =	shalt  }
0x84: {  	_ =	shalt  }
0x85: {  	_ =	shalt  }
0x86: {  	_ =	shalt  }
0x87: {  	_ =	shalt  }
.Lfunc_end0:
.L_simem_size_0:
called_computation_lowered:
.L_overlay_start_0:
0x88: {  	s2 =	sld [smem:$0x3FD9]  }
0x89: {  	s3 =	sld [smem:$0x3FFE];
	_ =	sdelay $0x1  }
0x8a: {  	s1 =	srdreg.scid  }
0x8b: {  	s0 =	sand.u32 $0x1, s1  }
0x8c: {  	s18 =	sshll.u32 s0, $0xA;
	s2 =	sadd.s32 s3, s2  }
0x8d: {  	s2 =	sadd.s32 s2, s18  }
0x8e: {  	[smem:$0x3FC5] =	sst s2  }
0x8f: {  	_ = 	snop  }
0x90: {  	s2 =	sld [smem:$0x3FC9]  }
0x91: {  	s19 =	sld [smem:$0x3FC8]  }
0x92: {  	s4 =	sld [smem:$0x3FC7]  }
0x93: {  	s5 =	sld [smem:$0x3FD0];
	(tm) =	ssettm $0x1  }
0x94: {  	s6 =	sld [smem:$0x3FFB];
	_ =	sdelay $0x3  }
0x95: {  	_ =	strace s6  }
0x96: {  	s6 =	sld [smem:$0x3FFC];
	_ =	sdelay $0x3  }
0x97: {  	_ =	strace s6  }
0x98: {  	s6 =	sld [smem:$0x3FFD];
	_ =	sdelay $0x3  }
0x99: {  	_ =	strace s6  }
0x9a: {  	_ =	strace $0x8FFFFFFF  }
0x9b: {  	s20 =	sld [smem:$0x3FDB];
	_ =	sdelay $0x1  }
0x9c: {  	s7 =	simm.s32 $_scs_section_size  }
0x9d: {  	s8 =	simm.s32 $_size__tile_overlayer_lowered;
	s9 =	simm.s32 $_tile_overlayer_lowered  }
0x9e: {  	s23 =	simm.s32 $0x1BFF;
	s22 =	sshll.u32 s9, $0x1;
	s6 =	sadd.s32 s7, s20  }
0x9f: {  	s10 =	simm.s32 $0x0;
	s21 =	sshll.u32 s8, $0x1;
	s8 =	sadd.s32 s22, s6  }
0xa0: {  	[timem:s10], [sflag:s23] =	dma.local [hbm:s8], s21  }
0xa1: {  	_ =	swait.ge [sflag:s23], s21  }
0xa2: {  	s7 =	ssub.s32 $0x0, s21;
	[sflag:s23] =	ssyncset.done $0x0  }
0xa3: {  	[sflag:s23] =	ssyncadd.s32 s7;
	_ =	sdelay $0x1  }
0xa4: {  	s24 =	simm.s32 $0x1B8B  }
0xa5: {  	_ =	swait.ge [sflag:s24], $0x1  }
0xa6: {  	[sflag:s24] =	ssyncset.done $0x0  }
0xa7: {  	s25 =	simm.s32 $0x1B8E;
	[sflag:s24] =	ssyncadd.s32 $0xFFFFFFFF  }
0xa8: {  	s26 =	simm.s32 $execute0_lowered;
	[smem:$0x3FD2] =	sst s25  }
0xa9: {  	s7 =	sshll.u32 s26, $0x1;
	_ =	strace $0x80000046;
	[dreg:$0x1] =	wrdreg $0xFFFFFFFF  }
0xaa: {  	s28 =	simm.s32 $_size_execute0_lowered;
	s6 =	sadd.s32 s6, s7;
	[dreg:$0x0] =	wrdreg $0x0  }
0xab: {  	s7 =	sshll.u32 s28, $0x1;
	[dreg:$0x2] =	wrdreg s6  }
0xac: {  	[dreg:$0x3] =	wrdreg s7  }
0xad: {  	[dreg:$0x4] =	wrdreg $0xC0  }
0xae: {  	_ =	task [dreg:s10], $0x5FFFF  }
0xaf: {  	[dreg:$0x1] =	wrdreg $0xFFFFFFFF  }
0xb0: {  	[dreg:$0x0] =	wrdreg $0x60  }
0xb1: {  	[dreg:$0x2] =	wrdreg s2  }
0xb2: {  	[dreg:$0x3] =	wrdreg s19  }
0xb3: {  	[dreg:$0x4] =	wrdreg s4  }
0xb4: {  	[dreg:$0x5] =	wrdreg s5  }
0xb5: {  	[dreg:$0x6] =	wrdreg $0x9  }
0xb6: {  	_ =	task.clear_ibuf [dreg:s10], $0x7FFFF;
	_ =	strace $0x90000046  }
0xb7: {  	s29 =	simm.s32 $0x9;
	_ =	strace $0x80000048  }
0xb8: {  	_ =	swait.ge [sflag:s29], $0x1  }
0xb9: {  	[sflag:s29] =	ssyncadd.s32 $0xFFFFFFFF  }
0xba: {  	_ =	strace $0x90000048  }
0xbb: {  	_ =	sfence  }
0xbc: {  	s30 =	sld [smem:$0x0];
	_ =	sdelay $0x2  }
0xbd: {  	s31 =	sshll.u32 s1, $0xD;
	s1 =	sshrl.u32 s1, $0x2  }
0xbe: {  	s3 =	sand.u32 $0x4000, s31;
	s1 =	sadd.s32 s1, s30  }
0xbf: {  	s0 =	sor.u32 s3, s0;
	s1 =	sshll.u32 s1, $0x11  }
0xc0: {  	s0 =	sor.u32 s1, s0  }
0xc1: {  	s0 =	sadd.s32 $0x8F2B, s0  }
0xc2: {  	[sflag:s0] =	ssyncadd.remote.s32 $0x1  }
0xc3: {  	_ =	sfence.sel $0xFFFF  }
0xc4: {  	[dreg:$0x0] =	wrdreg $0xFFFFFFFF;
	(pc) =	sbr.abs _section_cstart, $3  }
0xc5: {  	[dreg:$0x1] =	wrdreg $0xFFFFFFFF  }
0xc6: {  	_ =	task.clear_ibuf [dreg:s10], $0x2FFFF;
	_ =	strace $0x9FFFFFFF  }
0xc7: {  	(tm) =	ssettm $0x7FFFFFFF  }
tec
execute0_lowered:
.L_overlay_start_1:
0x0: {  	(tag) =	ssettag $0x1  }
0x1: {  	s1 =	rddreg [dreg:$0x0]  }
0x2: {  	s2 =	rddreg [dreg:$0x1]  }
0x3: {  	s4 =	rddreg [dreg:$0x2]  }
0x4: {  	s10 =	rddreg [dreg:$0x3]  }
0x5: {  	s0 =	rddreg [dreg:$0x4]  }
0x6: {  	s6 =	srdreg.scid;
	s3 =	stileid.u32  }
0x7: {  	s5 =	simm.s32 $0x0;
	s14 =	simm.s32 $0x1;
	s15 =	simm.s32 $0x16C00  }
0x8: {  	s16 =	simm.s32 $0xA400;
	s17 =	simm.s32 $0x2;
	s18 =	simm.s32 $0x80  }
0x9: {  	s7 =	sand.u32 $0x1, s6;
	s31 =	sshll.u32 s3, $0x1;
	s9 =	sshrl.u32 s3, $0x2  }
0xa: {  	s19 =	simm.s32 $0x400;
	s6 =	sor.u32 s7, s31;
	s9 =	smul.u32 $0x64000, s9  }
0xb: {  	s20 =	simm.s32 $0x3;
	s21 =	simm.s32 $0x0;
	s8 =	smul.u32 $0xA00, s6  }
0xc: {  	[smem:$0x7FF] =	sst s5;
	s7 =	ssub.s32 $0x2, s7;
	s13 =	smul.u32 $0x14, s6  }
.Ltmp0:
0xd: {  	s11 =	sshll.u32 s6, $0x7;
	s12 =	sshrl.u32 s7, $0x1;
	(pc) =	sbr.rel .LBB2_1-.Ltmp0, $4  }
0xe: {  	v0 =	vlaneseq.u32;
	v1 =	vimm.f32 $0.0e+00;
	v11 =	vimm.f32 $1.000000000e+00;
	_ =	strace $0x80000047;
	s11 =	sand.u32 $0x380, s11;
	s12 =	ssub.s32 s7, s12  }
0xf: {  	v2 =	vor.u32 $0x10, v0;
	v3 =	vor.u32 $0x20, v0;
	v4 =	vor.u32 $0x30, v0;
	s7 =	sadd.s32 s1, s8;
	s11 =	sor.u32 s9, s11;
	s8 =	sadd.s32 s2, s13  }
0x10: {  	v5 =	vor.u32 $0x40, v0;
	v6 =	vor.u32 $0x50, v0;
	v7 =	vor.u32 $0x60, v0;
	s9 =	sadd.s32 s4, s13;
	s13 =	simm.s32 $0xA200;
	s11 =	sshrl.u32 s11, $0x3  }
0x11: {  	v8 =	vor.u32 $0x70, v0;
	v9 =	vor.u32 $0x80, v0;
	v10 =	vor.u32 $0x90, v0;
	s10 =	sadd.s32 s10, s11;
	s11 =	smax.u32 s12, $0x1;
	s12 =	simm.s32 $0xA000  }
.LBB2_14:
0x12: {  	s21 =	sadd.s32 $0x1, s21  }
0x13: {  	p0 =	sne.s32 s21, s11  }
.Ltmp1:
0x14: {  	_ = 	snop;
	(pc) =	sbr.rel @!p0 .LBB2_15-.Ltmp1, $4  }
0x15: {  	[hbm4b:s10+s18] =	stream.strided.scatter [tilespmem:s16], [sflag:$0x3], $0xC800, s19, s18, $0x38;
	[tilespmem:$0x16D00] =	vst v63  }
0x16: {  	_ =	swait.ge [sflag:s20], $0xC800  }
0x17: {  	[sflag:s20] =	ssyncset.done $0x0  }
0x18: {  	[sflag:s20] =	ssyncadd.s32 $0xFFFF3800  }
.LBB2_1:
0x19: {  	[tilespmem:s5], [sflag:$0x1] =	stream.linear.gather [hbm4b:s7+s5], $0x5000, $0x38;
	[tilespmem:$0x16D00] =	vst v63  }
0x1a: {  	_ = 	snop  }
0x1b: {  	[tilespmem:s12], [sflag:$0x1] =	stream.linear.gather [hbm4b:s8+s5], $0xA0, $0x38;
	[tilespmem:$0x16D00] =	vst v63  }
0x1c: {  	s22 =	simm.s32 $0x0  }
0x1d: {  	[tilespmem:s13], [sflag:$0x1] =	stream.linear.gather [hbm4b:s9+s5], $0xA0, $0x38;
	[tilespmem:$0x16D00] =	vst v63  }
.LBB2_2:
0x1e: {  	p0 =	sne.s32 s22, $0x31FC0  }
.Ltmp2:
0x1f: {  	_ = 	snop;
	(pc) =	sbr.rel @p0 .LBB2_2-.Ltmp2, $3  }
0x20: {  	_ =	sdelay $0x1  }
0x21: {  	s23 =	sshra.s32 s22, $0x2  }
0x22: {  	s22 =	sadd.s32 $0x40, s22;
	[tilespmem:s23+$0xA400] =	vst v1  }
.Ltmp3:
0x23: {  	(pc) =	sbr.rel .LBB2_4-.Ltmp3, $2  }
0x24: {  	_ =	sdelay $0x2  }
0x25: {  	s22 =	simm.s32 $0x0  }
.LBB2_13:
0x26: {  	s22 =	sadd.s32 $0x1, s22  }
0x27: {  	p0 =	sne.s32 s22, $0x6  }
.Ltmp4:
0x28: {  	_ = 	snop;
	(pc) =	sbr.rel @!p0 .LBB2_14-.Ltmp4, $1  }
0x29: {  	_ =	sdelay $0x3  }
.LBB2_4:
0x2a: {  	s23 =	sshll.u32 s22, $0x6  }
0x2b: {  	s23 =	sor.u32 s6, s23  }
0x2c: {  	s24 =	sor.u32 $0x20, s23  }
0x2d: {  	p0 =	sgt.u32 s24, $0x144  }
0x2e: {  	s25 =	smul.u32 @!p0 $0xA00, s24  }
0x2f: {  	p1 =	sgt.u32 s23, $0x144;
	s26 =	simm.s32 @!p0 $0x0  }
0x30: {  	s28 =	simm.s32 @!p0 $0x5000;
	s24 =	smul.u32 @!p0 $0x14, s24;
	s25 =	sadd.s32 @!p0 s1, s25  }
0x31: {  	[tilespmem:s28], [sflag:$0x2] =	stream.linear.gather @!p0 [hbm4b:s25+s26], $0x5000, $0x38;
	[tilespmem:$0x16D00] =	vst v63  }
.Ltmp5:
0x32: {  	_ = 	snop;
	(pc) =	sbr.rel @p1 .LBB2_13-.Ltmp5, $4  }
0x33: {  	s25 =	sadd.s32 @!p0 s2, s24;
	s28 =	simm.s32 @!p0 $0xA100  }
0x34: {  	[tilespmem:s28], [sflag:$0x2] =	stream.linear.gather @!p0 [hbm4b:s25+s26], $0xA0, $0x38;
	[tilespmem:$0x16D00] =	vst v63  }
0x35: {  	s24 =	sadd.s32 @!p0 s4, s24;
	s25 =	simm.s32 @!p0 $0xA300  }
0x36: {  	[tilespmem:s25], [sflag:$0x2] =	stream.linear.gather @!p0 [hbm4b:s24+s26], $0xA0, $0x38;
	[tilespmem:$0x16D00] =	vst v63  }
0x37: {  	_ =	swait.ge [sflag:s14], $0x5000  }
0x38: {  	[sflag:s14] =	ssyncset.done $0x0  }
0x39: {  	[sflag:s14] =	ssyncadd.s32 $0xFFFFB000  }
0x3a: {  	_ =	swait.ge [sflag:s14], $0xA0  }
0x3b: {  	[sflag:s14] =	ssyncset.done $0x0  }
0x3c: {  	[sflag:s14] =	ssyncadd.s32 $0xFFFFFF60  }
0x3d: {  	_ =	swait.ge [sflag:s14], $0xA0  }
0x3e: {  	[sflag:s14] =	ssyncset.done $0x0  }
0x3f: {  	[sflag:s14] =	ssyncadd.s32 $0xFFFFFF60  }
0x40: {  	v12 =	vld [tilespmem:$0xA000]  }
0x41: {  	v13 =	vld [tilespmem:$0xA200]  }
0x42: {  	v14 =	vld [tilespmem:$0xA010]  }
0x43: {  	v15 =	vld [tilespmem:$0xA210]  }
0x44: {  	v16 =	vld [tilespmem:$0xA020]  }
0x45: {  	v17 =	vld [tilespmem:$0xA220]  }
0x46: {  	v18 =	vld [tilespmem:$0xA030]  }
0x47: {  	v19 =	vld [tilespmem:$0xA230]  }
0x48: {  	v20 =	vld [tilespmem:$0xA040]  }
0x49: {  	v21 =	vld [tilespmem:$0xA240]  }
0x4a: {  	v22 =	vld [tilespmem:$0xA050]  }
0x4b: {  	v23 =	vld [tilespmem:$0xA250]  }
0x4c: {  	v24 =	vld [tilespmem:$0xA060]  }
0x4d: {  	v25 =	vld [tilespmem:$0xA260]  }
0x4e: {  	v26 =	vld [tilespmem:$0xA070];
	v13 =	vshll.u32 v13, $0x4  }
0x4f: {  	v12 =	vadd.s32 v12, v13;
	v13 =	vshll.u32 v15, $0x4;
	v15 =	vld [tilespmem:$0xA270]  }
0x50: {  	[tilespmem:$0x16C00] =	vst v12;
	v12 =	vadd.s32 v14, v13;
	v13 =	vshll.u32 v17, $0x4;
	v14 =	vld [tilespmem:$0xA080]  }
0x51: {  	s24 =	simm.s32 $0x0;
	[tilespmem:$0x16C10] =	vst v12;
	v12 =	vadd.s32 v16, v13;
	v13 =	vshll.u32 v19, $0x4;
	v16 =	vld [tilespmem:$0xA280]  }
0x52: {  	v17 =	vld [tilespmem:$0xA290];
	[tilespmem:$0x16C20] =	vst v12;
	v12 =	vadd.s32 v18, v13;
	v13 =	vshll.u32 v21, $0x4;
	v18 =	vmov s24  }
0x53: {  	v19 =	vld [tilespmem:$0xA090];
	[tilespmem:$0x16C30] =	vst v12;
	v12 =	vadd.s32 v20, v13;
	v13 =	vshll.u32 v23, $0x4;
	v18 =	vand.u32 $0xFFFFFFFE, v18  }
0x54: {  	[tilespmem:$0x16C40] =	vst v12;
	v12 =	vadd.s32 v22, v13;
	v13 =	vshll.u32 v25, $0x4;
	v18 =	vbroadcast v18, $0x0  }
0x55: {  	[tilespmem:$0x16C50] =	vst v12;
	v12 =	vadd.s32 v24, v13;
	v13 =	vshll.u32 v15, $0x4  }
0x56: {  	[tilespmem:$0x16C60] =	vst v12;
	v12 =	vadd.s32 v26, v13;
	v13 =	vshll.u32 v16, $0x4  }
0x57: {  	[tilespmem:$0x16C70] =	vst v12;
	v12 =	vadd.s32 v14, v13;
	v13 =	vshll.u32 v17, $0x4  }
0x58: {  	s26 =	simm.s32 $0x1;
	[tilespmem:$0x16C80] =	vst v12;
	v12 =	vadd.s32 v19, v13  }
0x59: {  	v13 =	vmov s26;
	[tilespmem:$0x16C90] =	vst v12  }
0x5a: {  	v12 =	vld.idx.msk [tilespmem:v18+s15+$0x0], $0xffff;
	_ =	sdelay $0x3  }
0x5b: {  	v13 =	vld.idx.msk [tilespmem:v13+s15+$0x0], $0xffff  }
0x5c: {  	v17 =	vmul.u32 $0xA0, v12  }
0x5d: {  	s29 =	simm.s32 $0x80  }
0x5e: {  	v16 =	vld [tilespmem:s29+$0xFFFFFF80];
	v12 =	vor.u32 v0, v17;
	_ =	sdelay $0x1  }
0x5f: {  	v14 =	vmul.u32 $0xA0, v13;
	_ =	sdelay $0x1  }
0x60: {  	v19 =	vld [tilespmem:s29+$0x0];
	v13 =	vor.u32 v0, v14  }
0x61: {  	[tilespmem:v12+s16+$0x0] =	vst.idx.add.f32.msk $0xffff, v16  }
0x62: {  	v12 =	vor.u32 v2, v17;
	v18 =	vld [tilespmem:s29+$0xFFFFFF90];
	_ =	sdelay $0x2  }
0x63: {  	[tilespmem:v13+s16+$0x0] =	vst.idx.add.f32.msk $0xffff, v19  }
0x64: {  	v13 =	vor.u32 v2, v14;
	v21 =	vld [tilespmem:s29+$0x10]  }
0x65: {  	[tilespmem:v12+s16+$0x0] =	vst.idx.add.f32.msk $0xffff, v18  }
0x66: {  	v12 =	vadd.s32 v3, v17;
	v20 =	vld [tilespmem:s29+$0xFFFFFFA0];
	_ =	sdelay $0x2  }
0x67: {  	[tilespmem:v13+s16+$0x0] =	vst.idx.add.f32.msk $0xffff, v21  }
0x68: {  	s25 =	simm.s32 $0x2;
	v15 =	vadd.s32 v3, v14;
	v23 =	vld [tilespmem:s29+$0x20]  }
0x69: {  	v13 =	vmov s25;
	[tilespmem:v12+s16+$0x0] =	vst.idx.add.f32.msk $0xffff, v20  }
0x6a: {  	v13 =	vand.u32 $0xFFFFFFFE, v13;
	v12 =	vadd.s32 v4, v17;
	v22 =	vld [tilespmem:s29+$0xFFFFFFB0]  }
0x6b: {  	v13 =	vbroadcast v13, $0x0  }
0x6c: {  	s30 =	simm.s32 $0x3  }
0x6d: {  	v25 =	vmov s30;
	[tilespmem:v15+s16+$0x0] =	vst.idx.add.f32.msk $0xffff, v23  }
0x6e: {  	v15 =	vadd.s32 v4, v14;
	v26 =	vld [tilespmem:s29+$0x30]  }
0x6f: {  	[tilespmem:v12+s16+$0x0] =	vst.idx.add.f32.msk $0xffff, v22  }
0x70: {  	v12 =	vadd.s32 v5, v17;
	v24 =	vld [tilespmem:s29+$0xFFFFFFC0]  }
0x71: {  	v13 =	vld.idx.msk [tilespmem:v13+s15+$0x0], $0xffff  }
0x72: {  	v25 =	vld.idx.msk [tilespmem:v25+s15+$0x0], $0xffff  }
0x73: {  	[tilespmem:v15+s16+$0x0] =	vst.idx.add.f32.msk $0xffff, v26  }
0x74: {  	v30 =	vadd.s32 v5, v14;
	v29 =	vld [tilespmem:s29+$0x40]  }
0x75: {  	v28 =	vadd.s32 v6, v17;
	[tilespmem:v12+s16+$0x0] =	vst.idx.add.f32.msk $0xffff, v24  }
0x76: {  	v16 =	vmul.f32 v16, v16;
	v18 =	vmul.f32 v18, v18;
	s25 =	simm.s32 $0x180;
	v12 =	vmul.u32 $0xA0, v13;
	v27 =	vld [tilespmem:s29+$0xFFFFFFD0]  }
0x77: {  	v15 =	vld [tilespmem:s25+$0xFFFFFF80];
	v13 =	vmul.u32 $0xA0, v25  }
0x78: {  	v16 =	vadd.f32 v18, v16;
	v18 =	vmul.f32 v20, v20;
	v25 =	vld [tilespmem:s25+$0x0];
	v31 =	vor.u32 v0, v12  }
0x79: {  	v20 =	vor.u32 v0, v13;
	[tilespmem:v30+s16+$0x0] =	vst.idx.add.f32.msk $0xffff, v29  }
0x7a: {  	v16 =	vadd.f32 v18, v16;
	v18 =	vmul.f32 v22, v22;
	v22 =	vld [tilespmem:s29+$0x50]  }
0x7b: {  	[tilespmem:v28+s16+$0x0] =	vst.idx.add.f32.msk $0xffff, v27  }
0x7c: {  	v32 =	vadd.s32 v7, v17;
	v28 =	vld [tilespmem:s29+$0xFFFFFFE0]  }
0x7d: {  	[tilespmem:v31+s16+$0x0] =	vst.idx.add.f32.msk $0xffff, v15  }
0x7e: {  	v18 =	vadd.f32 v18, v16;
	v24 =	vmul.f32 v24, v24;
	[tilespmem:v20+s16+$0x0] =	vst.idx.add.f32.msk $0xffff, v25  }
0x7f: {  	v58 =	vadd.s32 v6, v14;
	v19 =	vmul.f32 v19, v19;
	v16 =	vld [tilespmem:s25+$0xFFFFFF90]  }
0x80: {  	v21 =	vmul.f32 v21, v21;
	v18 =	vadd.f32 v24, v18;
	v24 =	vmul.f32 v27, v27;
	v27 =	vld [tilespmem:s25+$0x10]  }
0x81: {  	v60 =	vor.u32 v2, v12;
	[tilespmem:v32+s16+$0x0] =	vst.idx.add.f32.msk $0xffff, v28  }
0x82: {  	v19 =	vadd.f32 v21, v19;
	v21 =	vor.u32 v2, v13;
	v59 =	vld [tilespmem:s29+$0xFFFFFFF0];
	_ =	sdelay $0x1  }
0x83: {  	v20 =	vadd.s32 v8, v17;
	[tilespmem:v58+s16+$0x0] =	vst.idx.add.f32.msk $0xffff, v22  }
0x84: {  	v18 =	vadd.f32 v24, v18;
	v33 =	vld [tilespmem:s29+$0x60];
	v24 =	vmul.f32 v28, v28  }
0x85: {  	v61 =	vadd.s32 v9, v17;
	v23 =	vmul.f32 v23, v23;
	[tilespmem:v60+s16+$0x0] =	vst.idx.add.f32.msk $0xffff, v16  }
0x86: {  	[tilespmem:v21+s16+$0x0] =	vst.idx.add.f32.msk $0xffff, v27;
	v18 =	vadd.f32 v24, v18;
	v24 =	vmul.f32 v59, v59  }
0x87: {  	v62 =	vadd.s32 v10, v17;
	v19 =	vadd.f32 v23, v19;
	v23 =	vadd.s32 v7, v14;
	v17 =	vld [tilespmem:s25+$0xFFFFFFA0]  }
0x88: {  	[tilespmem:v20+s16+$0x0] =	vst.idx.add.f32.msk $0xffff, v59;
	v20 =	vadd.s32 v3, v12;
	v18 =	vadd.f32 v24, v18  }
0x89: {  	v21 =	vld [tilespmem:s25+$0x20]  }
0x8a: {  	v24 =	vadd.s32 v3, v13;
	[tilespmem:v61+s16+$0x0] =	vst.idx.add.f32.msk $0xffff, v18;
	v18 =	vmul.f32 v26, v26;
	_ =	sdelay $0x1  }
0x8b: {  	s26 =	simm.s32 $0x4;
	[tilespmem:v23+s16+$0x0] =	vst.idx.add.f32.msk $0xffff, v33;
	v18 =	vadd.f32 v18, v19;
	v19 =	vmul.f32 v29, v29  }
0x8c: {  	v25 =	vmul.f32 v25, v25;
	v27 =	vmul.f32 v27, v27;
	v23 =	vmov s26;
	[tilespmem:v20+s16+$0x0] =	vst.idx.add.f32.msk $0xffff, v17  }
0x8d: {  	v26 =	vadd.s32 v4, v12;
	v20 =	vmul.f32 v22, v22;
	v19 =	vadd.f32 v19, v18;
	v18 =	vld [tilespmem:s25+$0xFFFFFFB0]  }
0x8e: {  	v27 =	vadd.f32 v27, v25;
	v23 =	vand.u32 $0xFFFFFFFE, v23;
	[tilespmem:v24+s16+$0x0] =	vst.idx.add.f32.msk $0xffff, v21  }
0x8f: {  	s31 =	simm.s32 $0x5;
	v22 =	vld [tilespmem:s29+$0x70];
	v24 =	vadd.s32 v8, v14;
	v19 =	vadd.f32 v20, v19;
	v20 =	vmul.f32 v33, v33  }
0x90: {  	v25 =	vmov s31;
	v23 =	vbroadcast v23, $0x0;
	v63 =	vmul.f32 v21, v21;
	[tilespmem:v62+s16+$0x0] =	vst.idx.add.f32.msk $0xffff, v11  }
0x91: {  	v21 =	vadd.f32 v20, v19;
	v20 =	vld [tilespmem:s25+$0x30]  }
0x92: {  	s28 =	simm.s32 $0x6;
	s24 =	sadd.s32 $0x40, s23;
	s26 =	simm.s32 $0x180;
	v19 =	vadd.f32 v63, v27;
	[tilespmem:v26+s16+$0x0] =	vst.idx.add.f32.msk $0xffff, v18;
	v26 =	vadd.s32 v4, v13  }
.LBB2_6:
0x93: {  	p1 =	slt.u32 s28, $0x9E;
	v27 =	vld [tilespmem:s25+$0xFFFFFFC0];
	v28 =	vadd.s32 v5, v12  }
0x94: {  	[tilespmem:v24+s16+$0x0] =	vst.idx.add.f32.msk $0xffff, v22;
	v22 =	vmul.f32 v22, v22  }
0x95: {  	v24 =	vld.idx.msk [tilespmem:v25+s15+$0x0], $0xffff  }
0x96: {  	v23 =	vld.idx.msk [tilespmem:v23+s15+$0x0], $0xffff;
	v25 =	vmul.f32 v20, v20;
	v21 =	vadd.f32 v22, v21;
	v22 =	vadd.s32 v9, v14  }
0x97: {  	[tilespmem:v26+s16+$0x0] =	vst.idx.add.f32.msk $0xffff, v20;
	v20 =	vadd.s32 v10, v14;
	v14 =	vmov v13  }
0x98: {  	[tilespmem:v28+s16+$0x0] =	vst.idx.add.f32.msk $0xffff, v27;
	v19 =	vadd.f32 v25, v19  }
0x99: {  	v13 =	vadd.s32 v6, v12;
	v25 =	vld [tilespmem:s25+$0xFFFFFFD0]  }
0x9a: {  	v26 =	vld [tilespmem:s25+$0x40]  }
0x9b: {  	[tilespmem:v22+s16+$0x0] =	vst.idx.add.f32.msk $0xffff, v21  }
0x9c: {  	s25 =	sadd.s32 $0x100, s25;
	v21 =	vmul.u32 $0xA0, v23;
	v22 =	vadd.s32 v5, v14;
	[tilespmem:v20+s16+$0x0] =	vst.idx.add.f32.msk $0xffff, v11  }
0x9d: {  	v20 =	vmul.f32 v15, v15;
	v15 =	vld [tilespmem:s25+$0xFFFFFF80]  }
0x9e: {  	v16 =	vmul.f32 v16, v16;
	v23 =	vor.u32 v0, v21;
	[tilespmem:v13+s16+$0x0] =	vst.idx.add.f32.msk $0xffff, v25  }
0x9f: {  	v29 =	vadd.s32 v7, v12;
	v28 =	vld [tilespmem:s26+$0xFFFFFFE0];
	v30 =	vmul.f32 v26, v26  }
0xa0: {  	v17 =	vmul.f32 v17, v17;
	v13 =	vmul.u32 $0xA0, v24;
	v16 =	vadd.f32 v16, v20;
	v24 =	vld [tilespmem:s25+$0x0]  }
0xa1: {  	[tilespmem:v22+s16+$0x0] =	vst.idx.add.f32.msk $0xffff, v26;
	v19 =	vadd.f32 v30, v19  }
0xa2: {  	v20 =	vor.u32 v0, v13;
	v16 =	vadd.f32 v17, v16;
	v17 =	vmul.f32 v18, v18;
	v18 =	vld [tilespmem:s26+$0x50]  }
0xa3: {  	v22 =	vadd.s32 v6, v14;
	[tilespmem:v23+s16+$0x0] =	vst.idx.add.f32.msk $0xffff, v15  }
0xa4: {  	v17 =	vadd.f32 v17, v16;
	v23 =	vmul.f32 v27, v27;
	[tilespmem:v29+s16+$0x0] =	vst.idx.add.f32.msk $0xffff, v28  }
0xa5: {  	v26 =	vmul.f32 v24, v24;
	v27 =	vld [tilespmem:s26+$0xFFFFFFF0]  }
0xa6: {  	v29 =	vor.u32 v2, v21;
	v17 =	vadd.f32 v23, v17;
	v23 =	vmul.f32 v25, v25;
	v16 =	vld [tilespmem:s25+$0xFFFFFF90]  }
0xa7: {  	[tilespmem:v20+s16+$0x0] =	vst.idx.add.f32.msk $0xffff, v24;
	v20 =	vmul.f32 v18, v18  }
0xa8: {  	v25 =	vadd.s32 v8, v12;
	v17 =	vadd.f32 v23, v17;
	v23 =	vmul.f32 v28, v28;
	v24 =	vld [tilespmem:s25+$0x10]  }
0xa9: {  	v28 =	vadd.s32 v9, v12;
	[tilespmem:v22+s16+$0x0] =	vst.idx.add.f32.msk $0xffff, v18;
	v18 =	vadd.f32 v20, v19  }
0xaa: {  	v19 =	vadd.f32 v23, v17;
	v22 =	vadd.s32 v10, v12;
	v12 =	vmovc v21;
	v20 =	vmul.f32 v27, v27;
	v23 =	vld [tilespmem:s26+$0x60]  }
0xab: {  	v21 =	vor.u32 v2, v13;
	[tilespmem:v29+s16+$0x0] =	vst.idx.add.f32.msk $0xffff, v16  }
0xac: {  	v17 =	vld [tilespmem:s25+$0xFFFFFFA0];
	v19 =	vadd.f32 v20, v19  }
0xad: {  	v20 =	vadd.s32 v3, v12;
	v29 =	vmul.f32 v24, v24;
	[tilespmem:v25+s16+$0x0] =	vst.idx.add.f32.msk $0xffff, v27  }
0xae: {  	[tilespmem:v28+s16+$0x0] =	vst.idx.add.f32.msk $0xffff, v19;
	v19 =	vadd.s32 v7, v14  }
0xaf: {  	v26 =	vadd.f32 v29, v26;
	[tilespmem:v22+s16+$0x0] =	vst.idx.add.f32.msk $0xffff, v11;
	v22 =	vmul.f32 v23, v23  }
0xb0: {  	[tilespmem:v21+s16+$0x0] =	vst.idx.add.f32.msk $0xffff, v24  }
0xb1: {  	v28 =	vadd.s32 v3, v13;
	v27 =	vld [tilespmem:s25+$0x20];
	v21 =	vadd.f32 v22, v18  }
0xb2: {  	[tilespmem:v20+s16+$0x0] =	vst.idx.add.f32.msk $0xffff, v17  }
0xb3: {  	v29 =	vadd.s32 v4, v12;
	v18 =	vld [tilespmem:s25+$0xFFFFFFB0]  }
.Ltmp6:
0xb4: {  	v20 =	vmov s28;
	[tilespmem:v19+s16+$0x0] =	vst.idx.add.f32.msk $0xffff, v23;
	(pc) =	sbr.rel @p1 .LBB2_6-.Ltmp6, $4  }
0xb5: {  	s29 =	sadd.s32 $0x1, s28;
	v24 =	vadd.s32 v8, v14;
	v19 =	vand.u32 $0xFFFFFFFE, v20;
	v22 =	vld [tilespmem:s26+$0x70];
	s26 =	smov.u32 s25  }
0xb6: {  	v25 =	vmov s29;
	v23 =	vbroadcast v19, $0x0;
	[tilespmem:v28+s16+$0x0] =	vst.idx.add.f32.msk $0xffff, v27;
	v19 =	vmul.f32 v27, v27  }
0xb7: {  	v20 =	vld [tilespmem:s25+$0x30]  }
0xb8: {  	s28 =	sadd.s32 $0x2, s28;
	[tilespmem:v29+s16+$0x0] =	vst.idx.add.f32.msk $0xffff, v18;
	v19 =	vadd.f32 v19, v26;
	v26 =	vadd.s32 v4, v13  }
0xb9: {  	_ =	sdelay $0x3  }
0xba: {  	v23 =	vld.idx.msk [tilespmem:v23+s15+$0x0], $0xffff;
	v55 =	vadd.s32 v9, v14  }
0xbb: {  	v54 =	vld.idx.msk [tilespmem:v25+s15+$0x0], $0xffff;
	v56 =	vmul.f32 v22, v22;
	_ =	sdelay $0x1  }
0xbc: {  	v21 =	vadd.f32 v56, v21  }
0xbd: {  	[tilespmem:v24+s16+$0x0] =	vst.idx.add.f32.msk $0xffff, v22  }
0xbe: {  	[tilespmem:v55+s16+$0x0] =	vst.idx.add.f32.msk $0xffff, v21;
	v21 =	vmul.u32 $0xA0, v23  }
0xbf: {  	s31 =	sadd.s32 $0x100, s25;
	v24 =	vmul.u32 $0xA0, v54  }
0xc0: {  	v57 =	vadd.s32 v10, v14;
	v14 =	vld [tilespmem:s31+$0xFFFFFF80];
	v62 =	vor.u32 v0, v21  }
0xc1: {  	v30 =	vld [tilespmem:s31+$0x0];
	v63 =	vor.u32 v0, v24  }
0xc2: {  	v27 =	vld [tilespmem:s25+$0xFFFFFFC0]  }
0xc3: {  	[tilespmem:v26+s16+$0x0] =	vst.idx.add.f32.msk $0xffff, v20  }
0xc4: {  	v28 =	vadd.s32 v5, v12;
	v60 =	vld [tilespmem:s25+$0x40]  }
0xc5: {  	[tilespmem:v62+s16+$0x0] =	vst.idx.add.f32.msk $0xffff, v14  }
0xc6: {  	[tilespmem:v63+s16+$0x0] =	vst.idx.add.f32.msk $0xffff, v30  }
0xc7: {  	v32 =	vor.u32 v2, v21;
	v25 =	vld [tilespmem:s31+$0xFFFFFF90]  }
0xc8: {  	v37 =	vor.u32 v2, v24;
	v23 =	vld [tilespmem:s31+$0x10]  }
0xc9: {  	[tilespmem:v28+s16+$0x0] =	vst.idx.add.f32.msk $0xffff, v27  }
0xca: {  	v58 =	vld [tilespmem:s25+$0xFFFFFFD0]  }
0xcb: {  	v61 =	vadd.s32 v5, v13;
	[tilespmem:v57+s16+$0x0] =	vst.idx.add.f32.msk $0xffff, v11  }
0xcc: {  	[tilespmem:v32+s16+$0x0] =	vst.idx.add.f32.msk $0xffff, v25  }
0xcd: {  	v59 =	vadd.s32 v6, v12;
	[tilespmem:v37+s16+$0x0] =	vst.idx.add.f32.msk $0xffff, v23  }
0xce: {  	v40 =	vmul.f32 v27, v27;
	v41 =	vadd.s32 v3, v21;
	v27 =	vld [tilespmem:s31+$0xFFFFFFA0]  }
0xcf: {  	v44 =	vadd.s32 v3, v24;
	v43 =	vld [tilespmem:s31+$0x20]  }
0xd0: {  	[tilespmem:v61+s16+$0x0] =	vst.idx.add.f32.msk $0xffff, v60  }
0xd1: {  	v31 =	vld [tilespmem:s26+$0x50]  }
0xd2: {  	[tilespmem:v59+s16+$0x0] =	vst.idx.add.f32.msk $0xffff, v58  }
0xd3: {  	v36 =	vadd.s32 v6, v13;
	[tilespmem:v41+s16+$0x0] =	vst.idx.add.f32.msk $0xffff, v27  }
0xd4: {  	[tilespmem:v44+s16+$0x0] =	vst.idx.add.f32.msk $0xffff, v43  }
0xd5: {  	v49 =	vadd.s32 v4, v21;
	v48 =	vld [tilespmem:s31+$0xFFFFFFB0]  }
0xd6: {  	v52 =	vadd.s32 v4, v24;
	v22 =	vld [tilespmem:s31+$0x30]  }
0xd7: {  	v26 =	vld [tilespmem:s26+$0xFFFFFFE0]  }
0xd8: {  	[tilespmem:v36+s16+$0x0] =	vst.idx.add.f32.msk $0xffff, v31  }
0xd9: {  	v29 =	vadd.s32 v7, v12;
	v50 =	vld [tilespmem:s26+$0x60]  }
0xda: {  	v15 =	vmul.f32 v15, v15;
	[tilespmem:v49+s16+$0x0] =	vst.idx.add.f32.msk $0xffff, v48  }
0xdb: {  	v16 =	vmul.f32 v16, v16;
	v51 =	vadd.s32 v7, v13;
	[tilespmem:v52+s16+$0x0] =	vst.idx.add.f32.msk $0xffff, v22  }
0xdc: {  	v35 =	vmul.f32 v17, v17;
	v54 =	vadd.s32 v5, v21;
	v53 =	vld [tilespmem:s31+$0xFFFFFFC0]  }
0xdd: {  	v15 =	vadd.f32 v16, v15;
	v42 =	vmul.f32 v58, v58;
	v58 =	vadd.s32 v5, v24;
	v57 =	vld [tilespmem:s31+$0x40]  }
0xde: {  	v38 =	vmul.f32 v18, v18;
	[tilespmem:v29+s16+$0x0] =	vst.idx.add.f32.msk $0xffff, v26  }
0xdf: {  	v33 =	vadd.s32 v8, v12;
	v46 =	vadd.s32 v9, v12;
	v15 =	vadd.f32 v35, v15;
	v39 =	vld [tilespmem:s26+$0xFFFFFFF0]  }
0xe0: {  	v56 =	vadd.s32 v10, v12;
	v55 =	vmul.f32 v20, v20;
	[tilespmem:v51+s16+$0x0] =	vst.idx.add.f32.msk $0xffff, v50  }
0xe1: {  	v15 =	vadd.f32 v38, v15;
	v38 =	vadd.s32 v9, v13;
	[tilespmem:v54+s16+$0x0] =	vst.idx.add.f32.msk $0xffff, v53  }
0xe2: {  	v16 =	vadd.f32 v55, v19;
	v59 =	vmul.f32 v60, v60;
	[tilespmem:v58+s16+$0x0] =	vst.idx.add.f32.msk $0xffff, v57  }
0xe3: {  	v15 =	vadd.f32 v40, v15;
	v63 =	vadd.s32 v6, v21;
	v45 =	vmul.f32 v26, v26;
	v26 =	vld [tilespmem:s31+$0xFFFFFFD0]  }
0xe4: {  	v16 =	vadd.f32 v59, v16;
	v31 =	vmul.f32 v31, v31;
	v36 =	vadd.s32 v6, v24;
	v35 =	vld [tilespmem:s31+$0x50]  }
0xe5: {  	v40 =	vadd.s32 v7, v21;
	v61 =	vadd.s32 v8, v13;
	v15 =	vadd.f32 v42, v15;
	v60 =	vld [tilespmem:s26+$0x70]  }
0xe6: {  	v62 =	vmul.f32 v30, v30;
	v14 =	vmul.f32 v14, v14;
	v12 =	vadd.f32 v31, v16  }
0xe7: {  	v23 =	vmul.f32 v23, v23;
	v15 =	vadd.f32 v45, v15;
	[tilespmem:v33+s16+$0x0] =	vst.idx.add.f32.msk $0xffff, v39  }
0xe8: {  	v37 =	vmul.f32 v50, v50;
	v47 =	vmul.f32 v39, v39;
	[tilespmem:v63+s16+$0x0] =	vst.idx.add.f32.msk $0xffff, v26  }
0xe9: {  	v25 =	vmul.f32 v25, v25;
	v34 =	vadd.f32 v23, v62;
	[tilespmem:v36+s16+$0x0] =	vst.idx.add.f32.msk $0xffff, v35  }
0xea: {  	v12 =	vadd.f32 v37, v12;
	v15 =	vadd.f32 v47, v15;
	v28 =	vmul.f32 v60, v60;
	v39 =	vld [tilespmem:s31+$0xFFFFFFE0]  }
0xeb: {  	v14 =	vadd.f32 v25, v14;
	v17 =	vmul.f32 v43, v43;
	v43 =	vadd.s32 v7, v24;
	v23 =	vld [tilespmem:s31+$0x60]  }
0xec: {  	v41 =	vmul.f32 v27, v27;
	[tilespmem:v46+s16+$0x0] =	vst.idx.add.f32.msk $0xffff, v15;
	v12 =	vadd.f32 v28, v12  }
0xed: {  	v55 =	vadd.s32 v9, v21;
	[tilespmem:v61+s16+$0x0] =	vst.idx.add.f32.msk $0xffff, v60  }
0xee: {  	v14 =	vadd.f32 v41, v14;
	v18 =	vmul.f32 v48, v48;
	[tilespmem:v38+s16+$0x0] =	vst.idx.add.f32.msk $0xffff, v12  }
0xef: {  	v16 =	vadd.f32 v17, v34;
	v44 =	vmul.f32 v22, v22;
	[tilespmem:v40+s16+$0x0] =	vst.idx.add.f32.msk $0xffff, v39  }
0xf0: {  	v45 =	vadd.f32 v18, v14;
	v46 =	vmul.f32 v53, v53;
	[tilespmem:v43+s16+$0x0] =	vst.idx.add.f32.msk $0xffff, v23  }
0xf1: {  	v42 =	vadd.s32 v10, v13;
	v47 =	vadd.f32 v44, v16;
	v50 =	vmul.f32 v57, v57;
	v48 =	vld [tilespmem:s31+$0xFFFFFFF0]  }
0xf2: {  	v59 =	vadd.s32 v8, v24;
	v12 =	vadd.f32 v46, v45;
	v49 =	vmul.f32 v26, v26;
	v53 =	vld [tilespmem:s31+$0x70]  }
0xf3: {  	v51 =	vadd.s32 v8, v21;
	v14 =	vadd.f32 v50, v47;
	v54 =	vmul.f32 v35, v35  }
0xf4: {  	v60 =	vadd.s32 v9, v24;
	v12 =	vadd.f32 v49, v12;
	v52 =	vmul.f32 v39, v39  }
0xf5: {  	[tilespmem:v56+s16+$0x0] =	vst.idx.add.f32.msk $0xffff, v11;
	v14 =	vadd.f32 v54, v14;
	v58 =	vmul.f32 v23, v23  }
0xf6: {  	[tilespmem:v42+s16+$0x0] =	vst.idx.add.f32.msk $0xffff, v11;
	v12 =	vadd.f32 v52, v12;
	v56 =	vmul.f32 v48, v48  }
0xf7: {  	v57 =	vadd.s32 v10, v21;
	v14 =	vadd.f32 v58, v14;
	v61 =	vmul.f32 v53, v53  }
0xf8: {  	p1 =	sgt.u32 s23, $0x104;
	v62 =	vadd.s32 v10, v24;
	[tilespmem:v51+s16+$0x0] =	vst.idx.add.f32.msk $0xffff, v48;
	v12 =	vadd.f32 v56, v12  }
.Ltmp7:
0xf9: {  	[tilespmem:v59+s16+$0x0] =	vst.idx.add.f32.msk $0xffff, v53;
	v63 =	vadd.f32 v61, v14;
	(pc) =	sbr.rel @p1 .LBB2_9-.Ltmp7, $4  }
0xfa: {  	[tilespmem:v55+s16+$0x0] =	vst.idx.add.f32.msk $0xffff, v12  }
0xfb: {  	[tilespmem:v60+s16+$0x0] =	vst.idx.add.f32.msk $0xffff, v63  }
0xfc: {  	[tilespmem:v57+s16+$0x0] =	vst.idx.add.f32.msk $0xffff, v11  }
0xfd: {  	[tilespmem:v62+s16+$0x0] =	vst.idx.add.f32.msk $0xffff, v11  }
0xfe: {  	s23 =	smul.u32 $0xA00, s24;
	_ =	sdelay $0x1  }
0xff: {  	s29 =	smul.u32 $0x14, s24;
	s23 =	sadd.s32 s1, s23  }
0x100: {  	[tilespmem:s5], [sflag:$0x1] =	stream.linear.gather [hbm4b:s23+s5], $0x5000, $0x38;
	[tilespmem:$0x16D00] =	vst v63  }
.Ltmp8:
0x101: {  	_ = 	snop;
	(pc) =	sbr.rel .LBB2_10-.Ltmp8, $4  }
0x102: {  	s30 =	sadd.s32 s2, s29  }
0x103: {  	[tilespmem:s12], [sflag:$0x1] =	stream.linear.gather [hbm4b:s30+s5], $0xA0, $0x38;
	[tilespmem:$0x16D00] =	vst v63  }
0x104: {  	s31 =	sadd.s32 s4, s29  }
0x105: {  	[tilespmem:s13], [sflag:$0x1] =	stream.linear.gather [hbm4b:s31+s5], $0xA0, $0x38;
	[tilespmem:$0x16D00] =	vst v63  }
.LBB2_9:
.Ltmp9:
0x106: {  	(pc) =	sbr.rel @p0 .LBB2_13-.Ltmp9, $1  }
0x107: {  	_ =	sdelay $0x3  }
.LBB2_10:
0x108: {  	_ =	swait.ge [sflag:s17], $0x5000  }
0x109: {  	[sflag:s17] =	ssyncset.done $0x0  }
0x10a: {  	[sflag:s17] =	ssyncadd.s32 $0xFFFFB000  }
0x10b: {  	_ =	swait.ge [sflag:s17], $0xA0  }
0x10c: {  	[sflag:s17] =	ssyncset.done $0x0  }
0x10d: {  	[sflag:s17] =	ssyncadd.s32 $0xFFFFFF60  }
0x10e: {  	_ =	swait.ge [sflag:s17], $0xA0  }
0x10f: {  	[sflag:s17] =	ssyncset.done $0x0  }
0x110: {  	[sflag:s17] =	ssyncadd.s32 $0xFFFFFF60  }
0x111: {  	v12 =	vld [tilespmem:$0xA100]  }
0x112: {  	v13 =	vld [tilespmem:$0xA300]  }
0x113: {  	v14 =	vld [tilespmem:$0xA110]  }
0x114: {  	v15 =	vld [tilespmem:$0xA310]  }
0x115: {  	v16 =	vld [tilespmem:$0xA120]  }
0x116: {  	v17 =	vld [tilespmem:$0xA320]  }
0x117: {  	v18 =	vld [tilespmem:$0xA130]  }
0x118: {  	v19 =	vld [tilespmem:$0xA330]  }
0x119: {  	v20 =	vld [tilespmem:$0xA140]  }
0x11a: {  	v21 =	vld [tilespmem:$0xA340]  }
0x11b: {  	v22 =	vld [tilespmem:$0xA150]  }
0x11c: {  	v23 =	vld [tilespmem:$0xA350]  }
0x11d: {  	v24 =	vld [tilespmem:$0xA160]  }
0x11e: {  	v25 =	vld [tilespmem:$0xA360]  }
0x11f: {  	v26 =	vld [tilespmem:$0xA170];
	v13 =	vshll.u32 v13, $0x4  }
0x120: {  	v12 =	vadd.s32 v12, v13;
	v13 =	vshll.u32 v15, $0x4;
	v15 =	vld [tilespmem:$0xA370]  }
0x121: {  	[tilespmem:$0x16C00] =	vst v12;
	v12 =	vadd.s32 v14, v13;
	v13 =	vshll.u32 v17, $0x4;
	v14 =	vld [tilespmem:$0xA180]  }
0x122: {  	s23 =	simm.s32 $0x0;
	[tilespmem:$0x16C10] =	vst v12;
	v12 =	vadd.s32 v16, v13;
	v13 =	vshll.u32 v19, $0x4;
	v16 =	vld [tilespmem:$0xA380]  }
0x123: {  	v17 =	vld [tilespmem:$0xA390];
	[tilespmem:$0x16C20] =	vst v12;
	v12 =	vadd.s32 v18, v13;
	v13 =	vshll.u32 v21, $0x4;
	v18 =	vmov s23  }
0x124: {  	v19 =	vld [tilespmem:$0xA190];
	[tilespmem:$0x16C30] =	vst v12;
	v12 =	vadd.s32 v20, v13;
	v13 =	vshll.u32 v23, $0x4;
	v18 =	vand.u32 $0xFFFFFFFE, v18  }
0x125: {  	[tilespmem:$0x16C40] =	vst v12;
	v12 =	vadd.s32 v22, v13;
	v13 =	vshll.u32 v25, $0x4;
	v18 =	vbroadcast v18, $0x0  }
0x126: {  	[tilespmem:$0x16C50] =	vst v12;
	v12 =	vadd.s32 v24, v13;
	v13 =	vshll.u32 v15, $0x4  }
0x127: {  	[tilespmem:$0x16C60] =	vst v12;
	v12 =	vadd.s32 v26, v13;
	v13 =	vshll.u32 v16, $0x4  }
0x128: {  	[tilespmem:$0x16C70] =	vst v12;
	v12 =	vadd.s32 v14, v13;
	v13 =	vshll.u32 v17, $0x4  }
0x129: {  	s28 =	simm.s32 $0x1;
	[tilespmem:$0x16C80] =	vst v12;
	v12 =	vadd.s32 v19, v13  }
0x12a: {  	v13 =	vmov s28;
	[tilespmem:$0x16C90] =	vst v12  }
0x12b: {  	v12 =	vld.idx.msk [tilespmem:v18+s15+$0x0], $0xffff;
	_ =	sdelay $0x3  }
0x12c: {  	v13 =	vld.idx.msk [tilespmem:v13+s15+$0x0], $0xffff  }
0x12d: {  	v17 =	vmul.u32 $0xA0, v12  }
0x12e: {  	s24 =	simm.s32 $0x5080  }
0x12f: {  	v16 =	vld [tilespmem:s24+$0xFFFFFF80];
	v12 =	vor.u32 v0, v17;
	_ =	sdelay $0x1  }
0x130: {  	v14 =	vmul.u32 $0xA0, v13;
	_ =	sdelay $0x1  }
0x131: {  	v19 =	vld [tilespmem:s24+$0x0];
	v13 =	vor.u32 v0, v14  }
0x132: {  	[tilespmem:v12+s16+$0x0] =	vst.idx.add.f32.msk $0xffff, v16  }
0x133: {  	v12 =	vor.u32 v2, v17;
	v18 =	vld [tilespmem:s24+$0xFFFFFF90];
	_ =	sdelay $0x2  }
0x134: {  	[tilespmem:v13+s16+$0x0] =	vst.idx.add.f32.msk $0xffff, v19  }
0x135: {  	v13 =	vor.u32 v2, v14;
	v21 =	vld [tilespmem:s24+$0x10]  }
0x136: {  	[tilespmem:v12+s16+$0x0] =	vst.idx.add.f32.msk $0xffff, v18  }
0x137: {  	v12 =	vadd.s32 v3, v17;
	v20 =	vld [tilespmem:s24+$0xFFFFFFA0];
	_ =	sdelay $0x2  }
0x138: {  	[tilespmem:v13+s16+$0x0] =	vst.idx.add.f32.msk $0xffff, v21  }
0x139: {  	s29 =	simm.s32 $0x2;
	v15 =	vadd.s32 v3, v14;
	v23 =	vld [tilespmem:s24+$0x20]  }
0x13a: {  	v13 =	vmov s29;
	[tilespmem:v12+s16+$0x0] =	vst.idx.add.f32.msk $0xffff, v20  }
0x13b: {  	v13 =	vand.u32 $0xFFFFFFFE, v13;
	v12 =	vadd.s32 v4, v17;
	v22 =	vld [tilespmem:s24+$0xFFFFFFB0]  }
0x13c: {  	v13 =	vbroadcast v13, $0x0  }
0x13d: {  	s30 =	simm.s32 $0x3  }
0x13e: {  	v25 =	vmov s30;
	[tilespmem:v15+s16+$0x0] =	vst.idx.add.f32.msk $0xffff, v23  }
0x13f: {  	v15 =	vadd.s32 v4, v14;
	v26 =	vld [tilespmem:s24+$0x30]  }
0x140: {  	[tilespmem:v12+s16+$0x0] =	vst.idx.add.f32.msk $0xffff, v22  }
0x141: {  	v12 =	vadd.s32 v5, v17;
	v24 =	vld [tilespmem:s24+$0xFFFFFFC0]  }
0x142: {  	v13 =	vld.idx.msk [tilespmem:v13+s15+$0x0], $0xffff  }
0x143: {  	v25 =	vld.idx.msk [tilespmem:v25+s15+$0x0], $0xffff  }
0x144: {  	[tilespmem:v15+s16+$0x0] =	vst.idx.add.f32.msk $0xffff, v26  }
0x145: {  	v30 =	vadd.s32 v5, v14;
	v29 =	vld [tilespmem:s24+$0x40]  }
0x146: {  	v28 =	vadd.s32 v6, v17;
	[tilespmem:v12+s16+$0x0] =	vst.idx.add.f32.msk $0xffff, v24  }
0x147: {  	s23 =	simm.s32 $0x5180;
	v16 =	vmul.f32 v16, v16;
	v18 =	vmul.f32 v18, v18;
	v12 =	vmul.u32 $0xA0, v13;
	v27 =	vld [tilespmem:s24+$0xFFFFFFD0]  }
0x148: {  	v15 =	vld [tilespmem:s23+$0xFFFFFF80];
	v13 =	vmul.u32 $0xA0, v25  }
0x149: {  	v16 =	vadd.f32 v18, v16;
	v18 =	vmul.f32 v20, v20;
	v25 =	vld [tilespmem:s23+$0x0];
	v31 =	vor.u32 v0, v12  }
0x14a: {  	v20 =	vor.u32 v0, v13;
	[tilespmem:v30+s16+$0x0] =	vst.idx.add.f32.msk $0xffff, v29  }
0x14b: {  	v16 =	vadd.f32 v18, v16;
	v18 =	vmul.f32 v22, v22;
	v22 =	vld [tilespmem:s24+$0x50]  }
0x14c: {  	[tilespmem:v28+s16+$0x0] =	vst.idx.add.f32.msk $0xffff, v27  }
0x14d: {  	v32 =	vadd.s32 v7, v17;
	v28 =	vld [tilespmem:s24+$0xFFFFFFE0]  }
0x14e: {  	[tilespmem:v31+s16+$0x0] =	vst.idx.add.f32.msk $0xffff, v15  }
0x14f: {  	v18 =	vadd.f32 v18, v16;
	v24 =	vmul.f32 v24, v24;
	[tilespmem:v20+s16+$0x0] =	vst.idx.add.f32.msk $0xffff, v25  }
0x150: {  	v58 =	vadd.s32 v6, v14;
	v19 =	vmul.f32 v19, v19;
	v16 =	vld [tilespmem:s23+$0xFFFFFF90]  }
0x151: {  	v21 =	vmul.f32 v21, v21;
	v18 =	vadd.f32 v24, v18;
	v24 =	vmul.f32 v27, v27;
	v27 =	vld [tilespmem:s23+$0x10]  }
0x152: {  	v60 =	vor.u32 v2, v12;
	[tilespmem:v32+s16+$0x0] =	vst.idx.add.f32.msk $0xffff, v28  }
0x153: {  	v19 =	vadd.f32 v21, v19;
	v21 =	vor.u32 v2, v13;
	v59 =	vld [tilespmem:s24+$0xFFFFFFF0];
	_ =	sdelay $0x1  }
0x154: {  	v20 =	vadd.s32 v8, v17;
	[tilespmem:v58+s16+$0x0] =	vst.idx.add.f32.msk $0xffff, v22  }
0x155: {  	v18 =	vadd.f32 v24, v18;
	v33 =	vld [tilespmem:s24+$0x60];
	v24 =	vmul.f32 v28, v28  }
0x156: {  	v61 =	vadd.s32 v9, v17;
	v23 =	vmul.f32 v23, v23;
	[tilespmem:v60+s16+$0x0] =	vst.idx.add.f32.msk $0xffff, v16  }
0x157: {  	[tilespmem:v21+s16+$0x0] =	vst.idx.add.f32.msk $0xffff, v27;
	v18 =	vadd.f32 v24, v18;
	v24 =	vmul.f32 v59, v59  }
0x158: {  	v62 =	vadd.s32 v10, v17;
	v19 =	vadd.f32 v23, v19;
	v23 =	vadd.s32 v7, v14;
	v17 =	vld [tilespmem:s23+$0xFFFFFFA0]  }
0x159: {  	[tilespmem:v20+s16+$0x0] =	vst.idx.add.f32.msk $0xffff, v59;
	v20 =	vadd.s32 v3, v12;
	v18 =	vadd.f32 v24, v18  }
0x15a: {  	v21 =	vld [tilespmem:s23+$0x20]  }
0x15b: {  	v24 =	vadd.s32 v3, v13;
	[tilespmem:v61+s16+$0x0] =	vst.idx.add.f32.msk $0xffff, v18;
	v18 =	vmul.f32 v26, v26;
	_ =	sdelay $0x1  }
0x15c: {  	s25 =	simm.s32 $0x4;
	[tilespmem:v23+s16+$0x0] =	vst.idx.add.f32.msk $0xffff, v33;
	v18 =	vadd.f32 v18, v19;
	v19 =	vmul.f32 v29, v29  }
0x15d: {  	v25 =	vmul.f32 v25, v25;
	v27 =	vmul.f32 v27, v27;
	v23 =	vmov s25;
	[tilespmem:v20+s16+$0x0] =	vst.idx.add.f32.msk $0xffff, v17  }
0x15e: {  	v26 =	vadd.s32 v4, v12;
	v20 =	vmul.f32 v22, v22;
	v19 =	vadd.f32 v19, v18;
	v18 =	vld [tilespmem:s23+$0xFFFFFFB0]  }
0x15f: {  	v27 =	vadd.f32 v27, v25;
	v23 =	vand.u32 $0xFFFFFFFE, v23;
	[tilespmem:v24+s16+$0x0] =	vst.idx.add.f32.msk $0xffff, v21  }
0x160: {  	s31 =	simm.s32 $0x5;
	v22 =	vld [tilespmem:s24+$0x70];
	v24 =	vadd.s32 v8, v14;
	v19 =	vadd.f32 v20, v19;
	v20 =	vmul.f32 v33, v33  }
0x161: {  	v25 =	vmov s31;
	v23 =	vbroadcast v23, $0x0;
	v63 =	vmul.f32 v21, v21;
	[tilespmem:v62+s16+$0x0] =	vst.idx.add.f32.msk $0xffff, v11  }
0x162: {  	v21 =	vadd.f32 v20, v19;
	v20 =	vld [tilespmem:s23+$0x30]  }
0x163: {  	s25 =	simm.s32 $0x6;
	s24 =	simm.s32 $0x5180;
	v19 =	vadd.f32 v63, v27;
	[tilespmem:v26+s16+$0x0] =	vst.idx.add.f32.msk $0xffff, v18;
	v26 =	vadd.s32 v4, v13  }
.LBB2_11:
0x164: {  	p0 =	slt.u32 s25, $0x9E;
	v27 =	vld [tilespmem:s23+$0xFFFFFFC0];
	v28 =	vadd.s32 v5, v12  }
0x165: {  	[tilespmem:v24+s16+$0x0] =	vst.idx.add.f32.msk $0xffff, v22;
	v22 =	vmul.f32 v22, v22  }
0x166: {  	v24 =	vld.idx.msk [tilespmem:v25+s15+$0x0], $0xffff  }
0x167: {  	v23 =	vld.idx.msk [tilespmem:v23+s15+$0x0], $0xffff;
	v25 =	vmul.f32 v20, v20;
	v21 =	vadd.f32 v22, v21;
	v22 =	vadd.s32 v9, v14  }
0x168: {  	[tilespmem:v26+s16+$0x0] =	vst.idx.add.f32.msk $0xffff, v20;
	v20 =	vadd.s32 v10, v14;
	v14 =	vmov v13  }
0x169: {  	[tilespmem:v28+s16+$0x0] =	vst.idx.add.f32.msk $0xffff, v27;
	v19 =	vadd.f32 v25, v19  }
0x16a: {  	v13 =	vadd.s32 v6, v12;
	v25 =	vld [tilespmem:s23+$0xFFFFFFD0]  }
0x16b: {  	v26 =	vld [tilespmem:s23+$0x40]  }
0x16c: {  	[tilespmem:v22+s16+$0x0] =	vst.idx.add.f32.msk $0xffff, v21  }
0x16d: {  	s23 =	sadd.s32 $0x100, s23;
	v21 =	vmul.u32 $0xA0, v23;
	v22 =	vadd.s32 v5, v14;
	[tilespmem:v20+s16+$0x0] =	vst.idx.add.f32.msk $0xffff, v11  }
0x16e: {  	v20 =	vmul.f32 v15, v15;
	v15 =	vld [tilespmem:s23+$0xFFFFFF80]  }
0x16f: {  	v16 =	vmul.f32 v16, v16;
	v23 =	vor.u32 v0, v21;
	[tilespmem:v13+s16+$0x0] =	vst.idx.add.f32.msk $0xffff, v25  }
0x170: {  	v29 =	vadd.s32 v7, v12;
	v28 =	vld [tilespmem:s24+$0xFFFFFFE0];
	v30 =	vmul.f32 v26, v26  }
0x171: {  	v17 =	vmul.f32 v17, v17;
	v13 =	vmul.u32 $0xA0, v24;
	v16 =	vadd.f32 v16, v20;
	v24 =	vld [tilespmem:s23+$0x0]  }
0x172: {  	[tilespmem:v22+s16+$0x0] =	vst.idx.add.f32.msk $0xffff, v26;
	v19 =	vadd.f32 v30, v19  }
0x173: {  	v20 =	vor.u32 v0, v13;
	v16 =	vadd.f32 v17, v16;
	v17 =	vmul.f32 v18, v18;
	v18 =	vld [tilespmem:s24+$0x50]  }
0x174: {  	v22 =	vadd.s32 v6, v14;
	[tilespmem:v23+s16+$0x0] =	vst.idx.add.f32.msk $0xffff, v15  }
0x175: {  	v17 =	vadd.f32 v17, v16;
	v23 =	vmul.f32 v27, v27;
	[tilespmem:v29+s16+$0x0] =	vst.idx.add.f32.msk $0xffff, v28  }
0x176: {  	v26 =	vmul.f32 v24, v24;
	v27 =	vld [tilespmem:s24+$0xFFFFFFF0]  }
0x177: {  	v29 =	vor.u32 v2, v21;
	v17 =	vadd.f32 v23, v17;
	v23 =	vmul.f32 v25, v25;
	v16 =	vld [tilespmem:s23+$0xFFFFFF90]  }
0x178: {  	[tilespmem:v20+s16+$0x0] =	vst.idx.add.f32.msk $0xffff, v24;
	v20 =	vmul.f32 v18, v18  }
0x179: {  	v25 =	vadd.s32 v8, v12;
	v17 =	vadd.f32 v23, v17;
	v23 =	vmul.f32 v28, v28;
	v24 =	vld [tilespmem:s23+$0x10]  }
0x17a: {  	v28 =	vadd.s32 v9, v12;
	[tilespmem:v22+s16+$0x0] =	vst.idx.add.f32.msk $0xffff, v18;
	v18 =	vadd.f32 v20, v19  }
0x17b: {  	v19 =	vadd.f32 v23, v17;
	v22 =	vadd.s32 v10, v12;
	v12 =	vmovc v21;
	v20 =	vmul.f32 v27, v27;
	v23 =	vld [tilespmem:s24+$0x60]  }
0x17c: {  	v21 =	vor.u32 v2, v13;
	[tilespmem:v29+s16+$0x0] =	vst.idx.add.f32.msk $0xffff, v16  }
0x17d: {  	v17 =	vld [tilespmem:s23+$0xFFFFFFA0];
	v19 =	vadd.f32 v20, v19  }
0x17e: {  	v20 =	vadd.s32 v3, v12;
	v29 =	vmul.f32 v24, v24;
	[tilespmem:v25+s16+$0x0] =	vst.idx.add.f32.msk $0xffff, v27  }
0x17f: {  	[tilespmem:v28+s16+$0x0] =	vst.idx.add.f32.msk $0xffff, v19;
	v19 =	vadd.s32 v7, v14  }
0x180: {  	v26 =	vadd.f32 v29, v26;
	[tilespmem:v22+s16+$0x0] =	vst.idx.add.f32.msk $0xffff, v11;
	v22 =	vmul.f32 v23, v23  }
0x181: {  	[tilespmem:v21+s16+$0x0] =	vst.idx.add.f32.msk $0xffff, v24  }
0x182: {  	v28 =	vadd.s32 v3, v13;
	v27 =	vld [tilespmem:s23+$0x20];
	v21 =	vadd.f32 v22, v18  }
0x183: {  	[tilespmem:v20+s16+$0x0] =	vst.idx.add.f32.msk $0xffff, v17  }
0x184: {  	v29 =	vadd.s32 v4, v12;
	v18 =	vld [tilespmem:s23+$0xFFFFFFB0]  }
.Ltmp10:
0x185: {  	v20 =	vmov s25;
	[tilespmem:v19+s16+$0x0] =	vst.idx.add.f32.msk $0xffff, v23;
	(pc) =	sbr.rel @p0 .LBB2_11-.Ltmp10, $4  }
0x186: {  	s26 =	sadd.s32 $0x1, s25;
	v24 =	vadd.s32 v8, v14;
	v19 =	vand.u32 $0xFFFFFFFE, v20;
	v22 =	vld [tilespmem:s24+$0x70];
	s24 =	smov.u32 s23  }
0x187: {  	v25 =	vmov s26;
	v23 =	vbroadcast v19, $0x0;
	[tilespmem:v28+s16+$0x0] =	vst.idx.add.f32.msk $0xffff, v27;
	v19 =	vmul.f32 v27, v27  }
0x188: {  	v20 =	vld [tilespmem:s23+$0x30]  }
0x189: {  	s25 =	sadd.s32 $0x2, s25;
	[tilespmem:v29+s16+$0x0] =	vst.idx.add.f32.msk $0xffff, v18;
	v19 =	vadd.f32 v19, v26;
	v26 =	vadd.s32 v4, v13  }
0x18a: {  	_ =	sdelay $0x3  }
0x18b: {  	v23 =	vld.idx.msk [tilespmem:v23+s15+$0x0], $0xffff;
	v55 =	vadd.s32 v9, v14  }
0x18c: {  	v54 =	vld.idx.msk [tilespmem:v25+s15+$0x0], $0xffff;
	v56 =	vmul.f32 v22, v22;
	_ =	sdelay $0x1  }
0x18d: {  	v21 =	vadd.f32 v56, v21  }
0x18e: {  	[tilespmem:v24+s16+$0x0] =	vst.idx.add.f32.msk $0xffff, v22  }
0x18f: {  	[tilespmem:v55+s16+$0x0] =	vst.idx.add.f32.msk $0xffff, v21;
	v21 =	vmul.u32 $0xA0, v23  }
0x190: {  	s31 =	sadd.s32 $0x100, s23;
	v24 =	vmul.u32 $0xA0, v54  }
0x191: {  	v57 =	vadd.s32 v10, v14;
	v14 =	vld [tilespmem:s31+$0xFFFFFF80];
	v62 =	vor.u32 v0, v21  }
0x192: {  	v30 =	vld [tilespmem:s31+$0x0];
	v63 =	vor.u32 v0, v24  }
0x193: {  	v27 =	vld [tilespmem:s23+$0xFFFFFFC0]  }
0x194: {  	[tilespmem:v26+s16+$0x0] =	vst.idx.add.f32.msk $0xffff, v20  }
0x195: {  	v28 =	vadd.s32 v5, v12;
	v60 =	vld [tilespmem:s23+$0x40]  }
0x196: {  	[tilespmem:v62+s16+$0x0] =	vst.idx.add.f32.msk $0xffff, v14  }
0x197: {  	[tilespmem:v63+s16+$0x0] =	vst.idx.add.f32.msk $0xffff, v30  }
0x198: {  	v32 =	vor.u32 v2, v21;
	v25 =	vld [tilespmem:s31+$0xFFFFFF90]  }
0x199: {  	v37 =	vor.u32 v2, v24;
	v23 =	vld [tilespmem:s31+$0x10]  }
0x19a: {  	[tilespmem:v28+s16+$0x0] =	vst.idx.add.f32.msk $0xffff, v27  }
0x19b: {  	v58 =	vld [tilespmem:s23+$0xFFFFFFD0]  }
0x19c: {  	v61 =	vadd.s32 v5, v13;
	[tilespmem:v57+s16+$0x0] =	vst.idx.add.f32.msk $0xffff, v11  }
0x19d: {  	[tilespmem:v32+s16+$0x0] =	vst.idx.add.f32.msk $0xffff, v25  }
0x19e: {  	v59 =	vadd.s32 v6, v12;
	[tilespmem:v37+s16+$0x0] =	vst.idx.add.f32.msk $0xffff, v23  }
0x19f: {  	v40 =	vmul.f32 v27, v27;
	v41 =	vadd.s32 v3, v21;
	v27 =	vld [tilespmem:s31+$0xFFFFFFA0]  }
0x1a0: {  	v44 =	vadd.s32 v3, v24;
	v43 =	vld [tilespmem:s31+$0x20]  }
0x1a1: {  	[tilespmem:v61+s16+$0x0] =	vst.idx.add.f32.msk $0xffff, v60  }
0x1a2: {  	v31 =	vld [tilespmem:s24+$0x50]  }
0x1a3: {  	[tilespmem:v59+s16+$0x0] =	vst.idx.add.f32.msk $0xffff, v58  }
0x1a4: {  	v36 =	vadd.s32 v6, v13;
	[tilespmem:v41+s16+$0x0] =	vst.idx.add.f32.msk $0xffff, v27  }
0x1a5: {  	[tilespmem:v44+s16+$0x0] =	vst.idx.add.f32.msk $0xffff, v43  }
0x1a6: {  	v49 =	vadd.s32 v4, v21;
	v48 =	vld [tilespmem:s31+$0xFFFFFFB0]  }
0x1a7: {  	v52 =	vadd.s32 v4, v24;
	v22 =	vld [tilespmem:s31+$0x30]  }
0x1a8: {  	v26 =	vld [tilespmem:s24+$0xFFFFFFE0]  }
0x1a9: {  	[tilespmem:v36+s16+$0x0] =	vst.idx.add.f32.msk $0xffff, v31  }
0x1aa: {  	v29 =	vadd.s32 v7, v12;
	v50 =	vld [tilespmem:s24+$0x60]  }
0x1ab: {  	v15 =	vmul.f32 v15, v15;
	[tilespmem:v49+s16+$0x0] =	vst.idx.add.f32.msk $0xffff, v48  }
0x1ac: {  	v16 =	vmul.f32 v16, v16;
	v51 =	vadd.s32 v7, v13;
	[tilespmem:v52+s16+$0x0] =	vst.idx.add.f32.msk $0xffff, v22  }
0x1ad: {  	v35 =	vmul.f32 v17, v17;
	v54 =	vadd.s32 v5, v21;
	v53 =	vld [tilespmem:s31+$0xFFFFFFC0]  }
0x1ae: {  	v15 =	vadd.f32 v16, v15;
	v42 =	vmul.f32 v58, v58;
	v58 =	vadd.s32 v5, v24;
	v57 =	vld [tilespmem:s31+$0x40]  }
0x1af: {  	v38 =	vmul.f32 v18, v18;
	[tilespmem:v29+s16+$0x0] =	vst.idx.add.f32.msk $0xffff, v26  }
0x1b0: {  	v33 =	vadd.s32 v8, v12;
	v46 =	vadd.s32 v9, v12;
	v15 =	vadd.f32 v35, v15;
	v39 =	vld [tilespmem:s24+$0xFFFFFFF0]  }
0x1b1: {  	v56 =	vadd.s32 v10, v12;
	v55 =	vmul.f32 v20, v20;
	[tilespmem:v51+s16+$0x0] =	vst.idx.add.f32.msk $0xffff, v50  }
0x1b2: {  	v15 =	vadd.f32 v38, v15;
	v38 =	vadd.s32 v9, v13;
	[tilespmem:v54+s16+$0x0] =	vst.idx.add.f32.msk $0xffff, v53  }
0x1b3: {  	v16 =	vadd.f32 v55, v19;
	v59 =	vmul.f32 v60, v60;
	[tilespmem:v58+s16+$0x0] =	vst.idx.add.f32.msk $0xffff, v57  }
0x1b4: {  	v15 =	vadd.f32 v40, v15;
	v63 =	vadd.s32 v6, v21;
	v45 =	vmul.f32 v26, v26;
	v26 =	vld [tilespmem:s31+$0xFFFFFFD0]  }
0x1b5: {  	v16 =	vadd.f32 v59, v16;
	v31 =	vmul.f32 v31, v31;
	v36 =	vadd.s32 v6, v24;
	v35 =	vld [tilespmem:s31+$0x50]  }
0x1b6: {  	v40 =	vadd.s32 v7, v21;
	v61 =	vadd.s32 v8, v13;
	v15 =	vadd.f32 v42, v15;
	v60 =	vld [tilespmem:s24+$0x70]  }
0x1b7: {  	v62 =	vmul.f32 v30, v30;
	v14 =	vmul.f32 v14, v14;
	v12 =	vadd.f32 v31, v16  }
0x1b8: {  	v23 =	vmul.f32 v23, v23;
	v15 =	vadd.f32 v45, v15;
	[tilespmem:v33+s16+$0x0] =	vst.idx.add.f32.msk $0xffff, v39  }
0x1b9: {  	v37 =	vmul.f32 v50, v50;
	v47 =	vmul.f32 v39, v39;
	[tilespmem:v63+s16+$0x0] =	vst.idx.add.f32.msk $0xffff, v26  }
0x1ba: {  	v25 =	vmul.f32 v25, v25;
	v34 =	vadd.f32 v23, v62;
	[tilespmem:v36+s16+$0x0] =	vst.idx.add.f32.msk $0xffff, v35  }
0x1bb: {  	v12 =	vadd.f32 v37, v12;
	v15 =	vadd.f32 v47, v15;
	v28 =	vmul.f32 v60, v60;
	v39 =	vld [tilespmem:s31+$0xFFFFFFE0]  }
0x1bc: {  	v14 =	vadd.f32 v25, v14;
	v17 =	vmul.f32 v43, v43;
	v43 =	vadd.s32 v7, v24;
	v23 =	vld [tilespmem:s31+$0x60]  }
0x1bd: {  	v41 =	vmul.f32 v27, v27;
	[tilespmem:v46+s16+$0x0] =	vst.idx.add.f32.msk $0xffff, v15;
	v12 =	vadd.f32 v28, v12  }
0x1be: {  	v55 =	vadd.s32 v9, v21;
	[tilespmem:v61+s16+$0x0] =	vst.idx.add.f32.msk $0xffff, v60  }
0x1bf: {  	v14 =	vadd.f32 v41, v14;
	v18 =	vmul.f32 v48, v48;
	[tilespmem:v38+s16+$0x0] =	vst.idx.add.f32.msk $0xffff, v12  }
0x1c0: {  	v16 =	vadd.f32 v17, v34;
	v44 =	vmul.f32 v22, v22;
	[tilespmem:v40+s16+$0x0] =	vst.idx.add.f32.msk $0xffff, v39  }
0x1c1: {  	v45 =	vadd.f32 v18, v14;
	v46 =	vmul.f32 v53, v53;
	[tilespmem:v43+s16+$0x0] =	vst.idx.add.f32.msk $0xffff, v23  }
0x1c2: {  	v42 =	vadd.s32 v10, v13;
	v47 =	vadd.f32 v44, v16;
	v50 =	vmul.f32 v57, v57;
	v48 =	vld [tilespmem:s31+$0xFFFFFFF0]  }
0x1c3: {  	v59 =	vadd.s32 v8, v24;
	v12 =	vadd.f32 v46, v45;
	v49 =	vmul.f32 v26, v26;
	v53 =	vld [tilespmem:s31+$0x70]  }
0x1c4: {  	v51 =	vadd.s32 v8, v21;
	v14 =	vadd.f32 v50, v47;
	v54 =	vmul.f32 v35, v35  }
0x1c5: {  	v60 =	vadd.s32 v9, v24;
	v12 =	vadd.f32 v49, v12;
	v52 =	vmul.f32 v39, v39  }
0x1c6: {  	[tilespmem:v56+s16+$0x0] =	vst.idx.add.f32.msk $0xffff, v11;
	v14 =	vadd.f32 v54, v14;
	v58 =	vmul.f32 v23, v23  }
0x1c7: {  	[tilespmem:v42+s16+$0x0] =	vst.idx.add.f32.msk $0xffff, v11;
	v12 =	vadd.f32 v52, v12;
	v56 =	vmul.f32 v48, v48  }
0x1c8: {  	v57 =	vadd.s32 v10, v21;
	v14 =	vadd.f32 v58, v14;
	v61 =	vmul.f32 v53, v53  }
0x1c9: {  	v62 =	vadd.s32 v10, v24;
	[tilespmem:v51+s16+$0x0] =	vst.idx.add.f32.msk $0xffff, v48;
	v12 =	vadd.f32 v56, v12  }
.Ltmp11:
0x1ca: {  	[tilespmem:v59+s16+$0x0] =	vst.idx.add.f32.msk $0xffff, v53;
	v63 =	vadd.f32 v61, v14;
	(pc) =	sbr.rel .LBB2_13-.Ltmp11, $4  }
0x1cb: {  	[tilespmem:v55+s16+$0x0] =	vst.idx.add.f32.msk $0xffff, v12  }
0x1cc: {  	[tilespmem:v60+s16+$0x0] =	vst.idx.add.f32.msk $0xffff, v63  }
0x1cd: {  	[tilespmem:v57+s16+$0x0] =	vst.idx.add.f32.msk $0xffff, v11  }
0x1ce: {  	[tilespmem:v62+s16+$0x0] =	vst.idx.add.f32.msk $0xffff, v11  }
.LBB2_15:
0x1cf: {  	_ =	sfence.sel $0x180000  }
0x1d0: {  	[bflag:$0x0] =	sbarrier.arrive $0xFFFF  }
0x1d1: {  	p0 =	sne.s32 s3, $0x0;
	_ =	strace $0x90000047  }
0x1d2: {  	s0 =	sadd.s32 @!p0 $0x100000, s0;
	[bflag:$0x2] =	sbarrier.arrive $0xFFFF  }
0x1d3: {  	[sflag:s0] =	ssyncadd.tile.s32 @!p0 $0x1;
	_ =	shalt  }
.Lfunc_end2:
_tile_overlayer_lowered:
.L_overlay_start_2:
0x1d4: {  	(tag) =	ssettag $0x2  }
0x1d5: {  	s0 =	rddreg [dreg:$0x0];
	s2 =	stileid.u32  }
0x1d6: {  	s1 =	rddreg [dreg:$0x1];
	p0 =	sne.s32 s2, $0x0  }
0x1d7: {  	s3 =	rddreg [dreg:$0x2];
	[bflag:$0x3] =	sbarrier.arrive $0xFFFF;
	s2 =	simm.s32 @!p0 $0x1C03  }
0x1d8: {  	[timem:s3], [sflag:s2] =	dma.local @!p0 [hbm:s0], s1  }
0x1d9: {  	s0 =	simm.s32 @!p0 $0x3  }
0x1da: {  	_ =	swait.ge @!p0 [sflag:s0], s1  }
0x1db: {  	s1 =	ssub.s32 @!p0 $0x0, s1;
	[sflag:s0] =	ssyncset.done @!p0 $0x0  }
0x1dc: {  	[sflag:s0] =	ssyncadd.s32 @!p0 s1  }
0x1dd: {  	[bflag:$0x3] =	sbarrier.arrive $0xFFFF  }
0x1de: {  	_ =	shalt  }

// kernel: kernel.9.cloned.1.call-start
scs
__scs_entry_jumppad:
0x0: {  	(pc) =	sbr.rel $0x88, $3  }
0x1: {  	(tag) =	ssettag $0x0;
	lr =	simm.s32 $0x1  }
0x2: {  	[smem:$0x3F9E] =	sst lr;
	_ =	strace $0xD0000000  }
0x3: {  	_ = 	snop  }
0x4: {  	_ = 	snop  }
0x5: {  	_ = 	snop  }
0x6: {  	_ = 	snop  }
0x7: {  	_ = 	snop  }
__scs_overlays_trampoline_lowered:
0x8: {  	[smem:$0x3FAD] =	sst s0  }
0x9: {  	[smem:$0x3FAE] =	sst s1  }
0xa: {  	[smem:$0x3FAF] =	sst s2  }
0xb: {  	[smem:$0x3FB0] =	sst s3  }
0xc: {  	[smem:$0x3FB1] =	sst s4  }
0xd: {  	[smem:$0x3FB2] =	sst s5  }
0xe: {  	[smem:$0x3FB3] =	sst s6  }
0xf: {  	[smem:$0x3FB4] =	sst s7  }
0x10: {  	[smem:$0x3FB5] =	sst s8  }
0x11: {  	[smem:$0x3FB6] =	sst s9;
	s0 =	simm.s32 @!p0 $0x0  }
0x12: {  	s1 =	sld [smem:$0x3F9C];
	s0 =	simm.s32 @p0 $0x1  }
0x13: {  	[smem:$0x3FB7] =	sst s0;
	s0 =	simm.s32 @!p1 $0x0  }
0x14: {  	s2 =	sld [smem:$0x3F9B];
	s0 =	simm.s32 @p1 $0x1  }
0x15: {  	[smem:$0x3FB8] =	sst s0;
	s0 =	simm.s32 @!p2 $0x0  }
0x16: {  	s3 =	sld [smem:$0x3FDB];
	s0 =	simm.s32 @p2 $0x1  }
0x17: {  	s4 =	simm.s32 $0x1BF5;
	[smem:$0x3FBA] =	sst s0  }
0x18: {  	s0 =	sld [smem:$0x3F9D];
	_ =	swait.ge [sflag:s4], $0x0  }
0x19: {  	s7 =	sld [smem:$0x3F9E]  }
0x1a: {  	s8 =	sadd.s32 $0xFFFFE003, lr  }
0x1b: {  	s9 =	sadd.s32 $0xFFFFFEF7, lr;
	s5 =	simm.s32 $0xFFFFFFFF;
	p2 =	slt.u32 s8, $0xFFFFF086  }
0x1c: {  	p1 =	slt.u32 s9, $0xF7A;
	s5 =	simm.s32 @!p2 $0x0  }
0x1d: {  	s5 =	simm.s32 @p1 $0x1;
	p0 =	seq.s32 s7, s2  }
0x1e: {  	s7 =	smul.u32 @!p0 $0xF7A, s2;
	p2 =	seq.s32 @!p0 s5, $0x0  }
0x1f: {  	s9 =	smul.u32 $0xF7A, s1;
	s8 =	simm.s32 @!p0 $0x1BF5;
	p2 =	por !p2, p0  }
0x20: {  	[sflag:s8] =	ssyncset.s32 @!p0 $0xFFFFF086;
	s6 =	sadd.s32 @!p0 s3, s7;
	s7 =	simm.s32 @!p0 $0x108  }
0x21: {  	s3 =	sadd.s32 s3, s9;
	s6 =	sadd.s32 @!p0 $0x88, s6;
	s7 =	simm.s32 @p2 $0x1082  }
0x22: {  	[simem:s7], [sflag:s8] =	dma.local @!p0 [hbm:s6], $0xF7A  }
0x23: {  	s9 =	sor.u32 $0xD0000000, s2;
	s6 =	simm.s32 $0x108;
	_ =	swait.ge @!p0 [sflag:s8], $0x0  }
0x24: {  	s3 =	sadd.s32 $0x88, s3;
	s6 =	simm.s32 @!p1 $0x1082;
	[sflag:s4] =	ssyncset.s32 $0xFFFFF086  }
0x25: {  	[simem:s6], [sflag:s4] =	dma.local [hbm:s3], $0xF7A  }
0x26: {  	[smem:$0x3F9E] =	sst s1;
	(tag) =	ssettag s2;
	_ =	strace s9  }
0x27: {  	s1 =	sld [smem:$0x3FAE]  }
0x28: {  	s2 =	sld [smem:$0x3FAF]  }
0x29: {  	s4 =	sld [smem:$0x3FB1]  }
0x2a: {  	p0 =	seq.s32 s5, $0x0;
	s5 =	sld [smem:$0x3FB2]  }
0x2b: {  	s6 =	sld [smem:$0x3FB3]  }
0x2c: {  	s7 =	sld [smem:$0x3FB4]  }
0x2d: {  	s3 =	simm.s32 $0x108;
	s8 =	sld [smem:$0x3FB5]  }
0x2e: {  	s3 =	simm.s32 @!p0 $0x1082;
	s9 =	sld [smem:$0x3FB6]  }
0x2f: {  	lr =	sadd.s32 s0, s3;
	s0 =	sld [smem:$0x3FAD]  }
0x30: {  	s3 =	sld [smem:$0x3FB0]  }
0x31: {  	[smem:$0x3FB9] =	sst s10  }
0x32: {  	s10 =	sld [smem:$0x3FB7];
	_ =	sdelay $0x3  }
0x33: {  	p0 =	seq.s32 s10, $0x1;
	s10 =	sld [smem:$0x3FB9];
	_ =	sdelay $0x3  }
0x34: {  	[smem:$0x3FB9] =	sst s10  }
0x35: {  	s10 =	sld [smem:$0x3FB8];
	_ =	sdelay $0x3  }
0x36: {  	p1 =	seq.s32 s10, $0x1;
	s10 =	sld [smem:$0x3FB9];
	_ =	sdelay $0x3  }
0x37: {  	[smem:$0x3FB9] =	sst s10  }
0x38: {  	s10 =	sld [smem:$0x3FBA]  }
0x39: {  	_ = 	snop;
	(pc) =	sbr.ind lr, $3  }
0x3a: {  	_ = 	snop  }
0x3b: {  	_ = 	snop  }
0x3c: {  	p2 =	seq.s32 s10, $0x1;
	s10 =	sld [smem:$0x3FB9]  }
0x3d: {  	_ =	shalt  }
0x3e: {  	_ =	shalt  }
0x3f: {  	_ =	shalt  }
0x40: {  	_ =	shalt  }
0x41: {  	_ =	shalt  }
0x42: {  	_ =	shalt  }
0x43: {  	_ =	shalt  }
0x44: {  	_ =	shalt  }
0x45: {  	_ =	shalt  }
0x46: {  	_ =	shalt  }
0x47: {  	_ =	shalt  }
0x48: {  	_ =	shalt  }
0x49: {  	_ =	shalt  }
0x4a: {  	_ =	shalt  }
0x4b: {  	_ =	shalt  }
0x4c: {  	_ =	shalt  }
0x4d: {  	_ =	shalt  }
0x4e: {  	_ =	shalt  }
0x4f: {  	_ =	shalt  }
0x50: {  	_ =	shalt  }
0x51: {  	_ =	shalt  }
0x52: {  	_ =	shalt  }
0x53: {  	_ =	shalt  }
0x54: {  	_ =	shalt  }
0x55: {  	_ =	shalt  }
0x56: {  	_ =	shalt  }
0x57: {  	_ =	shalt  }
0x58: {  	_ =	shalt  }
0x59: {  	_ =	shalt  }
0x5a: {  	_ =	shalt  }
0x5b: {  	_ =	shalt  }
0x5c: {  	_ =	shalt  }
0x5d: {  	_ =	shalt  }
0x5e: {  	_ =	shalt  }
0x5f: {  	_ =	shalt  }
0x60: {  	_ =	shalt  }
0x61: {  	_ =	shalt  }
0x62: {  	_ =	shalt  }
0x63: {  	_ =	shalt  }
0x64: {  	_ =	shalt  }
0x65: {  	_ =	shalt  }
0x66: {  	_ =	shalt  }
0x67: {  	_ =	shalt  }
0x68: {  	_ =	shalt  }
0x69: {  	_ =	shalt  }
0x6a: {  	_ =	shalt  }
0x6b: {  	_ =	shalt  }
0x6c: {  	_ =	shalt  }
0x6d: {  	_ =	shalt  }
0x6e: {  	_ =	shalt  }
0x6f: {  	_ =	shalt  }
0x70: {  	_ =	shalt  }
0x71: {  	_ =	shalt  }
0x72: {  	_ =	shalt  }
0x73: {  	_ =	shalt  }
0x74: {  	_ =	shalt  }
0x75: {  	_ =	shalt  }
0x76: {  	_ =	shalt  }
0x77: {  	_ =	shalt  }
0x78: {  	_ =	shalt  }
0x79: {  	_ =	shalt  }
0x7a: {  	_ =	shalt  }
0x7b: {  	_ =	shalt  }
0x7c: {  	_ =	shalt  }
0x7d: {  	_ =	shalt  }
0x7e: {  	_ =	shalt  }
0x7f: {  	_ =	shalt  }
0x80: {  	_ =	shalt  }
0x81: {  	_ =	shalt  }
0x82: {  	_ =	shalt  }
0x83: {  	_ =	shalt  }
0x84: {  	_ =	shalt  }
0x85: {  	_ =	shalt  }
0x86: {  	_ =	shalt  }
0x87: {  	_ =	shalt  }
.Lfunc_end0:
.L_simem_size_0:
called_computation.1_lowered:
.L_overlay_start_0:
0x88: {  	s2 =	sld [smem:$0x3FD9]  }
0x89: {  	s3 =	sld [smem:$0x3FFE];
	_ =	sdelay $0x1  }
0x8a: {  	s1 =	srdreg.scid  }
0x8b: {  	s0 =	sand.u32 $0x1, s1  }
0x8c: {  	s17 =	sshll.u32 s0, $0xA;
	s2 =	sadd.s32 s3, s2  }
0x8d: {  	s2 =	sadd.s32 s2, s17  }
0x8e: {  	[smem:$0x3FC5] =	sst s2  }
0x8f: {  	_ = 	snop  }
0x90: {  	s2 =	sld [smem:$0x3FC9]  }
0x91: {  	s18 =	sld [smem:$0x3FC8]  }
0x92: {  	s4 =	sld [smem:$0x3FC7]  }
0x93: {  	s5 =	sld [smem:$0x3FD0];
	(tm) =	ssettm $0x1  }
0x94: {  	s6 =	sld [smem:$0x3FFB];
	_ =	sdelay $0x3  }
0x95: {  	_ =	strace s6  }
0x96: {  	s6 =	sld [smem:$0x3FFC];
	_ =	sdelay $0x3  }
0x97: {  	_ =	strace s6  }
0x98: {  	s6 =	sld [smem:$0x3FFD];
	_ =	sdelay $0x3  }
0x99: {  	_ =	strace s6  }
0x9a: {  	_ =	strace $0x8FFFFFFF  }
0x9b: {  	s19 =	sld [smem:$0x3FDB];
	_ =	sdelay $0x1  }
0x9c: {  	s7 =	simm.s32 $_scs_section_size  }
0x9d: {  	s8 =	simm.s32 $_size__tile_overlayer_lowered;
	s9 =	simm.s32 $_tile_overlayer_lowered  }
0x9e: {  	s22 =	simm.s32 $0x1BFF;
	s21 =	sshll.u32 s9, $0x1;
	s6 =	sadd.s32 s7, s19  }
0x9f: {  	s10 =	simm.s32 $0x0;
	s20 =	sshll.u32 s8, $0x1;
	s8 =	sadd.s32 s21, s6  }
0xa0: {  	[timem:s10], [sflag:s22] =	dma.local [hbm:s8], s20  }
0xa1: {  	_ =	swait.ge [sflag:s22], s20  }
0xa2: {  	s7 =	ssub.s32 $0x0, s20;
	[sflag:s22] =	ssyncset.done $0x0  }
0xa3: {  	[sflag:s22] =	ssyncadd.s32 s7;
	_ =	sdelay $0x1  }
0xa4: {  	s23 =	simm.s32 $0x1B8B  }
0xa5: {  	_ =	swait.ge [sflag:s23], $0x1  }
0xa6: {  	[sflag:s23] =	ssyncset.done $0x0  }
0xa7: {  	s25 =	simm.s32 $0x1B8E;
	s24 =	sld [smem:$0x3FFE];
	[sflag:s23] =	ssyncadd.s32 $0xFFFFFFFF  }
0xa8: {  	s26 =	simm.s32 $execute0_lowered;
	[smem:$0x3FD2] =	sst s25  }
0xa9: {  	s8 =	sshll.u32 s26, $0x1;
	_ =	strace $0x80000049;
	[dreg:$0x1] =	wrdreg $0xFFFFFFFF  }
0xaa: {  	s28 =	simm.s32 $_size_execute0_lowered;
	s6 =	sadd.s32 s6, s8;
	[dreg:$0x0] =	wrdreg $0x0  }
0xab: {  	s8 =	sshll.u32 s28, $0x1;
	[dreg:$0x2] =	wrdreg s6  }
0xac: {  	[dreg:$0x3] =	wrdreg s8  }
0xad: {  	[dreg:$0x4] =	wrdreg $0xC0  }
0xae: {  	_ =	task [dreg:s10], $0x5FFFF  }
0xaf: {  	[dreg:$0x1] =	wrdreg $0xFFFFFFFF  }
0xb0: {  	[dreg:$0x0] =	wrdreg $0x60  }
0xb1: {  	[dreg:$0x2] =	wrdreg s2  }
0xb2: {  	[dreg:$0x3] =	wrdreg s18  }
0xb3: {  	[dreg:$0x4] =	wrdreg s4  }
0xb4: {  	[dreg:$0x5] =	wrdreg s24  }
0xb5: {  	[dreg:$0x6] =	wrdreg s5  }
0xb6: {  	[dreg:$0x7] =	wrdreg $0x9  }
0xb7: {  	_ =	task.clear_ibuf [dreg:s10], $0x8FFFF;
	_ =	strace $0x90000049  }
0xb8: {  	s29 =	simm.s32 $0x9;
	_ =	strace $0x8000004B  }
0xb9: {  	_ =	swait.ge [sflag:s29], $0x1  }
0xba: {  	[sflag:s29] =	ssyncadd.s32 $0xFFFFFFFF  }
0xbb: {  	_ =	strace $0x9000004B  }
0xbc: {  	_ =	sfence  }
0xbd: {  	s30 =	sld [smem:$0x0];
	_ =	sdelay $0x2  }
0xbe: {  	s31 =	sshll.u32 s1, $0xD;
	s1 =	sshrl.u32 s1, $0x2  }
0xbf: {  	s3 =	sand.u32 $0x4000, s31;
	s1 =	sadd.s32 s1, s30  }
0xc0: {  	s0 =	sor.u32 s3, s0;
	s1 =	sshll.u32 s1, $0x11  }
0xc1: {  	s0 =	sor.u32 s1, s0  }
0xc2: {  	s0 =	sadd.s32 $0x8F2B, s0  }
0xc3: {  	[sflag:s0] =	ssyncadd.remote.s32 $0x1  }
0xc4: {  	_ =	sfence.sel $0xFFFF  }
0xc5: {  	[dreg:$0x0] =	wrdreg $0xFFFFFFFF;
	(pc) =	sbr.abs _section_cstart, $3  }
0xc6: {  	[dreg:$0x1] =	wrdreg $0xFFFFFFFF  }
0xc7: {  	_ =	task.clear_ibuf [dreg:s10], $0x2FFFF;
	_ =	strace $0x9FFFFFFF  }
0xc8: {  	(tm) =	ssettm $0x7FFFFFFF  }
0xc9: {  	_ =	shalt  }
tec
execute0_lowered:
.L_overlay_start_1:
0x0: {  	(tag) =	ssettag $0x1  }
0x1: {  	s1 =	rddreg [dreg:$0x0]  }
0x2: {  	s2 =	rddreg [dreg:$0x1]  }
0x3: {  	s3 =	rddreg [dreg:$0x2];
	s0 =	srdreg.scid  }
0x4: {  	s5 =	stileid.u32;
	s4 =	rddreg [dreg:$0x3];
	s7 =	simm.s32 $0x0  }
0x5: {  	s15 =	simm.s32 $0xA400;
	s16 =	simm.s32 $0x5;
	s17 =	simm.s32 $0x1  }
0x6: {  	s18 =	simm.s32 $0x1E780;
	s19 =	simm.s32 $0x1E680;
	s20 =	simm.s32 $0x14680  }
0x7: {  	s21 =	simm.s32 $0x2;
	s0 =	sand.u32 $0x1, s0;
	s6 =	sshll.u32 s5, $0x1  }
0x8: {  	s22 =	simm.s32 $0x19680;
	s23 =	simm.s32 $0x3;
	s6 =	sor.u32 s0, s6  }
0x9: {  	s24 =	simm.s32 $0x0;
	s5 =	rddreg [dreg:$0x4];
	s8 =	smul.u32 $0xA00, s6  }
.Ltmp0:
0xa: {  	[smem:$0x7FF] =	sst s7;
	s4 =	sadd.s32 $0xC00, s4;
	(pc) =	sbr.rel .LBB2_1-.Ltmp0, $4  }
0xb: {  	v0 =	vlaneseq.u32;
	s0 =	ssub.s32 $0x2, s0;
	_ =	strace $0x8000004A;
	s9 =	smul.u32 $0x14, s6  }
0xc: {  	v1 =	vor.u32 $0x10, v0;
	[dreg:$0x6] =	wrdreg s4;
	s30 =	sshrl.u32 s0, $0x1;
	p0 =	sgt.u32 s6, $0x10  }
0xd: {  	v2 =	vor.u32 $0x20, v0;
	v3 =	vor.u32 $0x30, v0;
	v4 =	vor.u32 $0x40, v0;
	s0 =	ssub.s32 s0, s30;
	s31 =	sadd.s32 s1, s8;
	s10 =	sadd.s32 s2, s9  }
0xe: {  	v5 =	vor.u32 $0x50, v0;
	v6 =	vor.u32 $0x60, v0;
	v7 =	vor.u32 $0x70, v0;
	s11 =	sadd.s32 s3, s9;
	s12 =	smax.u32 s0, $0x1;
	[dreg:$0x7] =	wrdreg s31  }
.LBB2_9:
0xf: {  	s24 =	sadd.s32 $0x1, s24  }
0x10: {  	_ =	swait.ge [sflag:s23], $0x5000;
	p1 =	sne.s32 s24, s12  }
.Ltmp1:
0x11: {  	[sflag:s23] =	ssyncset.done $0x0;
	(pc) =	sbr.rel @!p1 .LBB2_10-.Ltmp1, $4  }
0x12: {  	s0 =	simm.s32 @!p0 $0x4;
	[sflag:s23] =	ssyncadd.s32 $0xFFFFB000  }
0x13: {  	_ =	swait.ge @!p0 [sflag:s0], $0x5000  }
0x14: {  	[sflag:s0] =	ssyncset.done @!p0 $0x0  }
0x15: {  	[sflag:s0] =	ssyncadd.s32 @!p0 $0xFFFFB000  }
.LBB2_1:
0x16: {  	s0 =	rddreg [dreg:$0x7]  }
0x17: {  	[tilespmem:s7], [sflag:$0x1] =	stream.linear.gather [hbm4b:s0+s7], $0x5000, $0x38;
	[tilespmem:$0x1E880] =	vst v63  }
0x18: {  	s29 =	simm.s32 $0xA000  }
0x19: {  	[tilespmem:s29], [sflag:$0x1] =	stream.linear.gather [hbm4b:s10+s7], $0xA0, $0x38;
	[tilespmem:$0x1E880] =	vst v63  }
0x1a: {  	s30 =	simm.s32 $0xA200  }
0x1b: {  	[tilespmem:s30], [sflag:$0x1] =	stream.linear.gather [hbm4b:s11+s7], $0xA0, $0x38;
	[tilespmem:$0x1E880] =	vst v63  }
.Ltmp2:
0x1c: {  	s31 =	rddreg [dreg:$0x6];
	(pc) =	sbr.rel .LBB2_2-.Ltmp2, $4  }
0x1d: {  	[tilespmem:s15], [sflag:$0x5] =	stream.linear.gather [hbm4b:s31+s7], $0xA280, $0x38;
	[tilespmem:$0x1E880] =	vst v63  }
0x1e: {  	_ =	swait.ge [sflag:s16], $0xA280  }
0x1f: {  	[sflag:s16] =	ssyncset.done $0x0  }
0x20: {  	s25 =	simm.s32 $0x0;
	[sflag:s16] =	ssyncadd.s32 $0xFFFF5D80  }
.LBB2_8:
0x21: {  	s25 =	sadd.s32 $0x1, s25  }
0x22: {  	p1 =	sne.s32 s25, $0xA  }
.Ltmp3:
0x23: {  	_ = 	snop;
	(pc) =	sbr.rel @!p1 .LBB2_9-.Ltmp3, $1  }
0x24: {  	_ =	sdelay $0x3  }
.LBB2_2:
0x25: {  	s0 =	sshll.u32 s25, $0x6  }
0x26: {  	s28 =	sor.u32 s6, s0  }
0x27: {  	s26 =	sor.u32 $0x20, s28  }
0x28: {  	p1 =	sgt.u32 s26, $0x270  }
0x29: {  	s0 =	smul.u32 @!p1 $0xA00, s26  }
0x2a: {  	s4 =	simm.s32 @!p1 $0x0  }
0x2b: {  	s8 =	simm.s32 @!p1 $0x5000;
	s9 =	smul.u32 @!p1 $0x14, s26;
	s0 =	sadd.s32 @!p1 s1, s0  }
0x2c: {  	[tilespmem:s8], [sflag:$0x2] =	stream.linear.gather @!p1 [hbm4b:s0+s4], $0x5000, $0x38;
	[tilespmem:$0x1E880] =	vst v63  }
0x2d: {  	s0 =	sadd.s32 @!p1 s2, s9;
	s8 =	simm.s32 @!p1 $0xA100  }
0x2e: {  	[tilespmem:s8], [sflag:$0x2] =	stream.linear.gather @!p1 [hbm4b:s0+s4], $0xA0, $0x38;
	[tilespmem:$0x1E880] =	vst v63  }
0x2f: {  	p2 =	seq.s32 s25, $0x0;
	s0 =	sadd.s32 @!p1 s3, s9;
	s8 =	simm.s32 @!p1 $0xA300  }
0x30: {  	[tilespmem:s8], [sflag:$0x2] =	stream.linear.gather @!p1 [hbm4b:s0+s4], $0xA0, $0x38;
	[tilespmem:$0x1E880] =	vst v63  }
0x31: {  	s0 =	simm.s32 @!p2 $0x3  }
0x32: {  	_ =	swait.ge @!p2 [sflag:s0], $0x5000  }
0x33: {  	[sflag:s0] =	ssyncset.done @!p2 $0x0  }
0x34: {  	[sflag:s0] =	ssyncadd.s32 @!p2 $0xFFFFB000  }
0x35: {  	_ =	swait.ge [sflag:s17], $0x5000  }
0x36: {  	[sflag:s17] =	ssyncset.done $0x0  }
0x37: {  	[sflag:s17] =	ssyncadd.s32 $0xFFFFB000  }
0x38: {  	_ =	swait.ge [sflag:s17], $0xA0  }
0x39: {  	[sflag:s17] =	ssyncset.done $0x0  }
0x3a: {  	[sflag:s17] =	ssyncadd.s32 $0xFFFFFF60  }
0x3b: {  	_ =	swait.ge [sflag:s17], $0xA0  }
0x3c: {  	[sflag:s17] =	ssyncset.done $0x0  }
0x3d: {  	[sflag:s17] =	ssyncadd.s32 $0xFFFFFF60  }
0x3e: {  	v8 =	vld [tilespmem:$0xA200]  }
0x3f: {  	v9 =	vld [tilespmem:$0xA000];
	_ =	sdelay $0x3  }
0x40: {  	v8 =	vshll.u32 v8, $0x4  }
0x41: {  	v10 =	vld [tilespmem:$0xA210];
	v8 =	vadd.s32 v9, v8  }
0x42: {  	v11 =	vld [tilespmem:$0xA010];
	v9 =	vmul.u32 $0x82, v8;
	_ =	sdelay $0x1  }
0x43: {  	v9 =	vadd.s32 $0x80, v9;
	_ =	sdelay $0x1  }
0x44: {  	v10 =	vshll.u32 v10, $0x4  }
0x45: {  	v12 =	vld [tilespmem:$0xA020];
	[tilespmem:$0x1E680] =	vst v8;
	v8 =	vadd.s32 v11, v10  }
0x46: {  	v11 =	vld [tilespmem:$0xA220];
	v10 =	vmul.u32 $0x82, v8  }
0x47: {  	v9 =	vld.idx.msk [tilespmem:v9+s15+$0x0], $0xffff  }
0x48: {  	v10 =	vadd.s32 $0x80, v10;
	_ =	sdelay $0x2  }
0x49: {  	[tilespmem:$0x1E690] =	vst v8;
	v8 =	vshll.u32 v11, $0x4  }
0x4a: {  	v11 =	vld [tilespmem:$0xA230];
	v8 =	vadd.s32 v12, v8;
	[tilespmem:$0x1E780] =	vst v9  }
0x4b: {  	v9 =	vld.idx.msk [tilespmem:v10+s15+$0x0], $0xffff;
	v10 =	vmul.u32 $0x82, v8  }
0x4c: {  	v12 =	vld [tilespmem:$0xA030]  }
0x4d: {  	v10 =	vadd.s32 $0x80, v10;
	_ =	sdelay $0x2  }
0x4e: {  	[tilespmem:$0x1E790] =	vst v9;
	v9 =	vshll.u32 v11, $0x4  }
0x4f: {  	[tilespmem:$0x1E6A0] =	vst v8;
	v11 =	vld [tilespmem:$0xA240];
	v8 =	vadd.s32 v12, v9  }
0x50: {  	v9 =	vld.idx.msk [tilespmem:v10+s15+$0x0], $0xffff;
	v10 =	vmul.u32 $0x82, v8  }
0x51: {  	v12 =	vld [tilespmem:$0xA040]  }
0x52: {  	v10 =	vadd.s32 $0x80, v10;
	_ =	sdelay $0x2  }
0x53: {  	[tilespmem:$0x1E6B0] =	vst v8;
	v8 =	vshll.u32 v11, $0x4  }
0x54: {  	v11 =	vld [tilespmem:$0xA250];
	v8 =	vadd.s32 v12, v8;
	[tilespmem:$0x1E7A0] =	vst v9  }
0x55: {  	v9 =	vld.idx.msk [tilespmem:v10+s15+$0x0], $0xffff;
	v10 =	vmul.u32 $0x82, v8  }
0x56: {  	v12 =	vld [tilespmem:$0xA050]  }
0x57: {  	v10 =	vadd.s32 $0x80, v10;
	_ =	sdelay $0x2  }
0x58: {  	[tilespmem:$0x1E7B0] =	vst v9;
	v9 =	vshll.u32 v11, $0x4  }
0x59: {  	[tilespmem:$0x1E6C0] =	vst v8;
	v11 =	vld [tilespmem:$0xA260];
	v8 =	vadd.s32 v12, v9  }
0x5a: {  	v9 =	vld.idx.msk [tilespmem:v10+s15+$0x0], $0xffff;
	v10 =	vmul.u32 $0x82, v8  }
0x5b: {  	v12 =	vld [tilespmem:$0xA060]  }
0x5c: {  	v10 =	vadd.s32 $0x80, v10;
	_ =	sdelay $0x2  }
0x5d: {  	[tilespmem:$0x1E6D0] =	vst v8;
	v8 =	vshll.u32 v11, $0x4  }
0x5e: {  	v11 =	vld [tilespmem:$0xA270];
	v8 =	vadd.s32 v12, v8;
	[tilespmem:$0x1E7C0] =	vst v9  }
0x5f: {  	v9 =	vld.idx.msk [tilespmem:v10+s15+$0x0], $0xffff;
	v10 =	vmul.u32 $0x82, v8  }
0x60: {  	v12 =	vld [tilespmem:$0xA070]  }
0x61: {  	v10 =	vadd.s32 $0x80, v10;
	_ =	sdelay $0x2  }
0x62: {  	[tilespmem:$0x1E7D0] =	vst v9;
	v9 =	vshll.u32 v11, $0x4  }
0x63: {  	[tilespmem:$0x1E6E0] =	vst v8;
	v11 =	vld [tilespmem:$0xA280];
	v8 =	vadd.s32 v12, v9  }
0x64: {  	v9 =	vld.idx.msk [tilespmem:v10+s15+$0x0], $0xffff;
	v10 =	vmul.u32 $0x82, v8  }
0x65: {  	v12 =	vld [tilespmem:$0xA080]  }
0x66: {  	v10 =	vadd.s32 $0x80, v10;
	_ =	sdelay $0x2  }
0x67: {  	[tilespmem:$0x1E6F0] =	vst v8;
	v8 =	vshll.u32 v11, $0x4  }
0x68: {  	v11 =	vld [tilespmem:$0xA290];
	v8 =	vadd.s32 v12, v8;
	[tilespmem:$0x1E7E0] =	vst v9  }
0x69: {  	v9 =	vld.idx.msk [tilespmem:v10+s15+$0x0], $0xffff;
	v10 =	vmul.u32 $0x82, v8  }
0x6a: {  	v12 =	vld [tilespmem:$0xA090]  }
0x6b: {  	v10 =	vadd.s32 $0x80, v10;
	_ =	sdelay $0x2  }
0x6c: {  	[tilespmem:$0x1E7F0] =	vst v9;
	v9 =	vshll.u32 v11, $0x4  }
0x6d: {  	[tilespmem:$0x1E700] =	vst v8;
	v8 =	vadd.s32 v12, v9  }
0x6e: {  	v9 =	vld.idx.msk [tilespmem:v10+s15+$0x0], $0xffff;
	v10 =	vmul.u32 $0x82, v8;
	_ =	sdelay $0x1  }
0x6f: {  	v10 =	vadd.s32 $0x80, v10;
	_ =	sdelay $0x1  }
0x70: {  	s4 =	simm.s32 $0x0  }
0x71: {  	[tilespmem:$0x1E800] =	vst v9;
	v9 =	vmov s4  }
0x72: {  	[tilespmem:$0x1E710] =	vst v8;
	v8 =	vand.u32 $0xFFFFFFFE, v9  }
0x73: {  	v9 =	vld.idx.msk [tilespmem:v10+s15+$0x0], $0xffff;
	v8 =	vbroadcast v8, $0x0;
	_ =	sdelay $0x4  }
0x74: {  	[tilespmem:$0x1E810] =	vst v9  }
0x75: {  	v9 =	vld.idx.msk [tilespmem:v8+s19+$0x0], $0xffff;
	_ =	sdelay $0x3  }
0x76: {  	s8 =	simm.s32 $0x1  }
0x77: {  	v13 =	vmul.u32 $0x82, v9;
	v9 =	vmov s8;
	_ =	sdelay $0x1  }
0x78: {  	v10 =	vadd.s32 v0, v13  }
0x79: {  	s14 =	simm.s32 $0x80;
	v18 =	vld.idx.msk [tilespmem:v8+s18+$0x0], $0xffff  }
0x7a: {  	v8 =	vld [tilespmem:s14+$0xFFFFFF80]  }
0x7b: {  	v11 =	vld.idx.msk [tilespmem:v9+s19+$0x0], $0xffff;
	_ =	sdelay $0x1  }
0x7c: {  	v10 =	vld.idx.msk [tilespmem:v10+s15+$0x0], $0xffff;
	_ =	sdelay $0x2  }
0x7d: {  	v8 =	vmul.f32 v8, v18;
	v17 =	vmul.u32 $0x82, v11  }
0x7e: {  	v11 =	vadd.s32 v1, v13  }
0x7f: {  	v10 =	vadd.f32 v10, v8;
	v12 =	vadd.s32 v0, v17  }
0x80: {  	s29 =	simm.s32 $0x14700;
	v8 =	vld.idx.msk [tilespmem:v9+s18+$0x0], $0xffff  }
0x81: {  	[tilespmem:s29+$0xFFFFFF80] =	vst v10;
	v10 =	vld [tilespmem:s14+$0x0]  }
0x82: {  	v9 =	vld [tilespmem:s14+$0xFFFFFF90]  }
0x83: {  	v11 =	vld.idx.msk [tilespmem:v11+s15+$0x0], $0xffff  }
0x84: {  	v12 =	vld.idx.msk [tilespmem:v12+s15+$0x0], $0xffff;
	_ =	sdelay $0x2  }
0x85: {  	s9 =	simm.s32 $0x2;
	v10 =	vmul.f32 v10, v8;
	v9 =	vmul.f32 v9, v18  }
0x86: {  	v14 =	vmov s9;
	v15 =	vadd.s32 v2, v13  }
0x87: {  	v9 =	vadd.f32 v11, v9;
	v10 =	vadd.f32 v12, v10;
	v12 =	vand.u32 $0xFFFFFFFE, v14  }
0x88: {  	v11 =	vadd.s32 v1, v17;
	v14 =	vbroadcast v12, $0x0  }
0x89: {  	[tilespmem:s29+$0xFFFFFF90] =	vst v9  }
0x8a: {  	s13 =	simm.s32 $0x3;
	[tilespmem:s29+$0x0] =	vst v10;
	v9 =	vld [tilespmem:s14+$0xFFFFFFA0]  }
0x8b: {  	v16 =	vmov s13;
	v10 =	vld [tilespmem:s14+$0x10]  }
0x8c: {  	v12 =	vld.idx.msk [tilespmem:v15+s15+$0x0], $0xffff  }
0x8d: {  	v11 =	vld.idx.msk [tilespmem:v11+s15+$0x0], $0xffff  }
0x8e: {  	v15 =	vld.idx.msk [tilespmem:v14+s19+$0x0], $0xffff  }
0x8f: {  	v9 =	vmul.f32 v9, v18  }
0x90: {  	v19 =	vld.idx.msk [tilespmem:v16+s19+$0x0], $0xffff;
	v20 =	vadd.s32 v3, v13  }
0x91: {  	v10 =	vmul.f32 v10, v8;
	v9 =	vadd.f32 v12, v9;
	_ =	sdelay $0x1  }
0x92: {  	v21 =	vadd.s32 v2, v17;
	v10 =	vadd.f32 v11, v10;
	[tilespmem:s29+$0xFFFFFFA0] =	vst v9;
	v11 =	vmul.u32 $0x82, v15;
	v9 =	vld.idx.msk [tilespmem:v16+s18+$0x0], $0xffff  }
0x93: {  	v15 =	vld [tilespmem:s14+$0xFFFFFFB0]  }
0x94: {  	v12 =	vmul.u32 $0x82, v19;
	[tilespmem:s29+$0x10] =	vst v10;
	v19 =	vld.idx.msk [tilespmem:v20+s15+$0x0], $0xffff;
	v20 =	vadd.s32 v0, v11  }
0x95: {  	v22 =	vld [tilespmem:s14+$0x20]  }
0x96: {  	v10 =	vld.idx.msk [tilespmem:v14+s18+$0x0], $0xffff  }
0x97: {  	s31 =	simm.s32 $0x180;
	v23 =	vadd.s32 v0, v12;
	v21 =	vld.idx.msk [tilespmem:v21+s15+$0x0], $0xffff  }
0x98: {  	v14 =	vmul.f32 v15, v18;
	v15 =	vld [tilespmem:s31+$0xFFFFFF80]  }
0x99: {  	v16 =	vadd.s32 v4, v13;
	v20 =	vld.idx.msk [tilespmem:v20+s15+$0x0], $0xffff  }
0x9a: {  	v14 =	vadd.f32 v19, v14;
	v19 =	vmul.f32 v22, v8;
	v22 =	vld [tilespmem:s31+$0x0];
	_ =	sdelay $0x1  }
0x9b: {  	v23 =	vld.idx.msk [tilespmem:v23+s15+$0x0], $0xffff;
	[tilespmem:s29+$0xFFFFFFB0] =	vst v14;
	v14 =	vadd.f32 v21, v19;
	v19 =	vadd.s32 v3, v17  }
0x9c: {  	v21 =	vld [tilespmem:s14+$0xFFFFFFC0];
	v15 =	vmul.f32 v15, v10  }
0x9d: {  	[tilespmem:s29+$0x20] =	vst v14;
	v14 =	vld.idx.msk [tilespmem:v16+s15+$0x0], $0xffff;
	v16 =	vadd.s32 v1, v11  }
0x9e: {  	v24 =	vld [tilespmem:s14+$0x30];
	v15 =	vadd.f32 v20, v15;
	v20 =	vmul.f32 v22, v9  }
0x9f: {  	s30 =	simm.s32 $0x14800  }
0xa0: {  	v22 =	vadd.s32 v1, v12;
	v19 =	vld.idx.msk [tilespmem:v19+s15+$0x0], $0xffff;
	[tilespmem:s30+$0xFFFFFF80] =	vst v15;
	v15 =	vadd.f32 v23, v20  }
0xa1: {  	v20 =	vmul.f32 v21, v18;
	v21 =	vld [tilespmem:s31+$0xFFFFFF90]  }
0xa2: {  	v23 =	vadd.s32 v5, v13;
	v16 =	vld.idx.msk [tilespmem:v16+s15+$0x0], $0xffff;
	[tilespmem:s30+$0x0] =	vst v15  }
0xa3: {  	s4 =	simm.s32 $0x5;
	v14 =	vadd.f32 v14, v20;
	v15 =	vmul.f32 v24, v8;
	v20 =	vld [tilespmem:s31+$0x10]  }
0xa4: {  	v24 =	vmov s4  }
0xa5: {  	s8 =	simm.s32 $0x4;
	v22 =	vld.idx.msk [tilespmem:v22+s15+$0x0], $0xffff;
	[tilespmem:s29+$0xFFFFFFC0] =	vst v14;
	v14 =	vadd.f32 v19, v15;
	v15 =	vadd.s32 v4, v17  }
0xa6: {  	v25 =	vmov s8;
	v19 =	vld [tilespmem:s14+$0xFFFFFFD0];
	v21 =	vmul.f32 v21, v10  }
0xa7: {  	[tilespmem:s29+$0x30] =	vst v14;
	v14 =	vld.idx.msk [tilespmem:v23+s15+$0x0], $0xffff;
	v23 =	vand.u32 $0xFFFFFFFE, v25;
	v25 =	vadd.s32 v2, v11  }
0xa8: {  	v26 =	vld [tilespmem:s14+$0x40];
	v16 =	vadd.f32 v16, v21;
	v20 =	vmul.f32 v20, v9  }
0xa9: {  	v27 =	vadd.s32 v2, v12;
	v23 =	vbroadcast v23, $0x0;
	v21 =	vld.idx.msk [tilespmem:v24+s19+$0x0], $0xffff  }
0xaa: {  	v15 =	vld.idx.msk [tilespmem:v15+s15+$0x0], $0xffff;
	[tilespmem:s30+$0xFFFFFF90] =	vst v16;
	v16 =	vadd.f32 v22, v20  }
0xab: {  	v19 =	vmul.f32 v19, v18;
	v20 =	vld [tilespmem:s31+$0xFFFFFFA0]  }
0xac: {  	v22 =	vadd.s32 v6, v13;
	v25 =	vld.idx.msk [tilespmem:v25+s15+$0x0], $0xffff;
	[tilespmem:s30+$0x10] =	vst v16  }
0xad: {  	v14 =	vadd.f32 v14, v19;
	v19 =	vld [tilespmem:s31+$0x20]  }
0xae: {  	v16 =	vmul.f32 v26, v8;
	v27 =	vld.idx.msk [tilespmem:v27+s15+$0x0], $0xffff  }
0xaf: {  	v26 =	vadd.s32 v5, v17;
	v28 =	vld.idx.msk [tilespmem:v23+s19+$0x0], $0xffff;
	[tilespmem:s29+$0xFFFFFFD0] =	vst v14  }
0xb0: {  	v15 =	vadd.f32 v15, v16;
	v16 =	vld [tilespmem:s14+$0xFFFFFFE0];
	v20 =	vmul.f32 v20, v10  }
0xb1: {  	v14 =	vmul.u32 $0x82, v21;
	v21 =	vld.idx.msk [tilespmem:v22+s15+$0x0], $0xffff;
	v22 =	vadd.s32 v3, v11  }
0xb2: {  	[tilespmem:s29+$0x40] =	vst v15;
	v15 =	vld.idx.msk [tilespmem:v24+s18+$0x0], $0xffff;
	v20 =	vadd.f32 v25, v20  }
0xb3: {  	v29 =	vadd.s32 v0, v14;
	v25 =	vld [tilespmem:s14+$0x50]  }
0xb4: {  	v26 =	vld.idx.msk [tilespmem:v26+s15+$0x0], $0xffff;
	[tilespmem:s30+$0xFFFFFFA0] =	vst v20  }
0xb5: {  	v30 =	vadd.s32 v3, v12;
	v19 =	vmul.f32 v19, v9;
	v24 =	vld [tilespmem:s31+$0xFFFFFFB0]  }
0xb6: {  	v20 =	vmul.f32 v16, v18;
	v16 =	vmul.u32 $0x82, v28;
	v22 =	vld.idx.msk [tilespmem:v22+s15+$0x0], $0xffff  }
0xb7: {  	v19 =	vadd.f32 v27, v19;
	v28 =	vadd.s32 v7, v13;
	v13 =	vld.idx.msk [tilespmem:v23+s18+$0x0], $0xffff  }
0xb8: {  	s4 =	simm.s32 $0x280;
	v29 =	vld.idx.msk [tilespmem:v29+s15+$0x0], $0xffff;
	v20 =	vadd.f32 v21, v20;
	v21 =	vadd.s32 v0, v16  }
0xb9: {  	[tilespmem:s30+$0x20] =	vst v19;
	v19 =	vld [tilespmem:s4+$0x0]  }
0xba: {  	v30 =	vld.idx.msk [tilespmem:v30+s15+$0x0], $0xffff;
	[tilespmem:s29+$0xFFFFFFE0] =	vst v20;
	v20 =	vmul.f32 v24, v10  }
0xbb: {  	v24 =	vld [tilespmem:s4+$0xFFFFFF80]  }
0xbc: {  	v27 =	vadd.s32 v4, v11;
	v23 =	vld [tilespmem:s14+$0xFFFFFFF0];
	v20 =	vadd.f32 v22, v20  }
0xbd: {  	v21 =	vld.idx.msk [tilespmem:v21+s15+$0x0], $0xffff;
	v22 =	vmul.f32 v25, v8  }
0xbe: {  	v33 =	vadd.s32 v1, v14;
	v28 =	vld.idx.msk [tilespmem:v28+s15+$0x0], $0xffff;
	v19 =	vmul.f32 v19, v15;
	[tilespmem:s30+$0xFFFFFFB0] =	vst v20  }
0xbf: {  	v20 =	vadd.s32 v6, v17;
	v26 =	vadd.f32 v26, v22;
	v31 =	vld [tilespmem:s31+$0xFFFFFFC0]  }
0xc0: {  	v25 =	vld [tilespmem:s31+$0x30];
	v19 =	vadd.f32 v29, v19;
	v24 =	vmul.f32 v24, v13  }
0xc1: {  	s0 =	simm.s32 $0x14900;
	v27 =	vld.idx.msk [tilespmem:v27+s15+$0x0], $0xffff;
	[tilespmem:s29+$0x50] =	vst v26;
	v26 =	vadd.s32 v1, v16  }
0xc2: {  	s9 =	simm.s32 $0x7;
	[tilespmem:s0+$0x0] =	vst v19;
	v21 =	vadd.f32 v21, v24;
	v32 =	vld [tilespmem:s14+$0x60]  }
0xc3: {  	v22 =	vmov s9;
	v18 =	vmul.f32 v23, v18;
	v23 =	vld.idx.msk [tilespmem:v33+s15+$0x0], $0xffff  }
0xc4: {  	v34 =	vld.idx.msk [tilespmem:v20+s15+$0x0], $0xffff;
	[tilespmem:s0+$0xFFFFFF80] =	vst v21;
	v21 =	vmul.f32 v31, v10  }
0xc5: {  	v35 =	vadd.s32 v5, v11;
	v31 =	vld [tilespmem:s4+$0xFFFFFF90]  }
0xc6: {  	v24 =	vld.idx.msk [tilespmem:v26+s15+$0x0], $0xffff;
	v19 =	vadd.f32 v27, v21;
	v21 =	vmul.f32 v25, v9  }
0xc7: {  	v29 =	vadd.s32 v4, v12;
	v18 =	vadd.f32 v28, v18;
	v26 =	vld [tilespmem:s4+$0x10];
	v25 =	vmul.f32 v32, v8  }
0xc8: {  	v20 =	vld.idx.msk [tilespmem:v22+s19+$0x0], $0xffff;
	v21 =	vadd.f32 v30, v21;
	[tilespmem:s30+$0xFFFFFFC0] =	vst v19  }
0xc9: {  	s13 =	simm.s32 $0x6;
	[tilespmem:s29+$0xFFFFFFF0] =	vst v18;
	v18 =	vadd.f32 v34, v25;
	v19 =	vadd.s32 v7, v17;
	v28 =	vld [tilespmem:s31+$0xFFFFFFD0]  }
0xca: {  	v17 =	vmov s13;
	v27 =	vld.idx.msk [tilespmem:v35+s15+$0x0], $0xffff;
	v31 =	vmul.f32 v31, v13;
	[tilespmem:s30+$0x30] =	vst v21  }
0xcb: {  	s8 =	simm.s32 $0x8;
	s13 =	sadd.s32 $0x40, s28;
	v30 =	vadd.s32 v2, v16;
	v17 =	vand.u32 $0xFFFFFFFE, v17;
	[tilespmem:s29+$0x60] =	vst v18;
	v25 =	vld [tilespmem:s31+$0x40]  }
.LBB2_3:
0xcc: {  	p3 =	slt.u32 s8, $0x9E;
	v17 =	vbroadcast v17, $0x0;
	v18 =	vadd.f32 v24, v31;
	v21 =	vmul.f32 v26, v15;
	v24 =	vld.idx.msk [tilespmem:v29+s15+$0x0], $0xffff  }
0xcd: {  	v26 =	vld [tilespmem:s14+$0x70];
	s14 =	smov.u32 s31;
	s31 =	smov.u32 s4  }
0xce: {  	[tilespmem:s0+$0xFFFFFF90] =	vst v18;
	v18 =	vadd.f32 v23, v21;
	v21 =	vmul.f32 v28, v10;
	v19 =	vld.idx.msk [tilespmem:v19+s15+$0x0], $0xffff  }
0xcf: {  	v29 =	vadd.s32 v6, v11;
	v28 =	vadd.s32 v2, v14;
	v23 =	vld [tilespmem:s4+$0xFFFFFFA0]  }
0xd0: {  	v30 =	vld.idx.msk [tilespmem:v30+s15+$0x0], $0xffff;
	[tilespmem:s0+$0x10] =	vst v18;
	v18 =	vadd.f32 v27, v21;
	v21 =	vmul.f32 v25, v9  }
0xd1: {  	v27 =	vadd.s32 v5, v12;
	v25 =	vld [tilespmem:s4+$0x20]  }
0xd2: {  	v31 =	vld.idx.msk [tilespmem:v17+s19+$0x0], $0xffff;
	[tilespmem:s30+$0xFFFFFFD0] =	vst v18;
	v18 =	vadd.f32 v24, v21;
	v21 =	vmul.f32 v26, v8;
	v8 =	vmov v9  }
0xd3: {  	v9 =	vmov v15;
	v24 =	vld [tilespmem:s14+$0xFFFFFFE0]  }
0xd4: {  	v32 =	vmul.u32 $0x82, v20;
	v15 =	vmul.f32 v23, v13;
	v20 =	vld.idx.msk [tilespmem:v29+s15+$0x0], $0xffff;
	[tilespmem:s30+$0x40] =	vst v18;
	v18 =	vadd.f32 v19, v21  }
0xd5: {  	v19 =	vadd.s32 v3, v16;
	v21 =	vld.idx.msk [tilespmem:v28+s15+$0x0], $0xffff  }
0xd6: {  	v23 =	vadd.s32 v0, v32;
	v26 =	vadd.f32 v30, v15;
	v25 =	vmul.f32 v25, v9;
	v28 =	vld [tilespmem:s14+$0x50];
	[tilespmem:s29+$0x70] =	vst v18;
	s29 =	smov.u32 s30;
	s30 =	smov.u32 s0  }
0xd7: {  	v18 =	vld.idx.msk [tilespmem:v27+s15+$0x0], $0xffff  }
0xd8: {  	v15 =	vld.idx.msk [tilespmem:v22+s18+$0x0], $0xffff;
	[tilespmem:s0+$0xFFFFFFA0] =	vst v26;
	v22 =	vmul.f32 v24, v10  }
0xd9: {  	v26 =	vadd.s32 v7, v11;
	v11 =	vmov v16;
	v16 =	vmul.u32 $0x82, v31;
	v24 =	vld [tilespmem:s4+$0xFFFFFFB0]  }
0xda: {  	v19 =	vld.idx.msk [tilespmem:v19+s15+$0x0], $0xffff;
	v20 =	vadd.f32 v20, v22  }
0xdb: {  	v22 =	vadd.s32 v0, v16;
	v21 =	vadd.f32 v21, v25;
	v23 =	vld.idx.msk [tilespmem:v23+s15+$0x0], $0xffff;
	v25 =	vmul.f32 v28, v8  }
0xdc: {  	v17 =	vld.idx.msk [tilespmem:v17+s18+$0x0], $0xffff;
	[tilespmem:s29+$0xFFFFFFE0] =	vst v20  }
0xdd: {  	[tilespmem:s0+$0x20] =	vst v21;
	v20 =	vld [tilespmem:s14+$0xFFFFFFF0];
	v18 =	vadd.f32 v18, v25  }
0xde: {  	s4 =	sadd.s32 $0x100, s4;
	v21 =	vmul.f32 v24, v13;
	v24 =	vld.idx.msk [tilespmem:v26+s15+$0x0], $0xffff  }
0xdf: {  	v26 =	vadd.s32 v4, v11;
	v25 =	vld [tilespmem:s4+$0xFFFFFF80];
	[tilespmem:s29+$0x50] =	vst v18  }
0xe0: {  	v18 =	vld.idx.msk [tilespmem:v22+s15+$0x0], $0xffff;
	v19 =	vadd.f32 v19, v21;
	v21 =	vadd.s32 v3, v14  }
0xe1: {  	v27 =	vld [tilespmem:s4+$0x0]  }
0xe2: {  	s9 =	sadd.s32 $0x1, s8;
	v28 =	vadd.s32 v6, v12;
	[tilespmem:s0+$0xFFFFFFB0] =	vst v19;
	v19 =	vld [tilespmem:s31+$0x30];
	v20 =	vmul.f32 v20, v10;
	v10 =	vmovc v13;
	v13 =	vmov v17  }
0xe3: {  	v22 =	vmov s9;
	v17 =	vld [tilespmem:s31+$0xFFFFFFC0]  }
0xe4: {  	v25 =	vmul.f32 v25, v13;
	v26 =	vld.idx.msk [tilespmem:v26+s15+$0x0], $0xffff;
	v20 =	vadd.f32 v24, v20  }
0xe5: {  	v24 =	vadd.s32 v1, v16;
	v21 =	vld.idx.msk [tilespmem:v21+s15+$0x0], $0xffff  }
0xe6: {  	v18 =	vadd.f32 v18, v25;
	v25 =	vmul.f32 v27, v15;
	[tilespmem:s29+$0xFFFFFFF0] =	vst v20;
	v27 =	vld [tilespmem:s14+$0x60]  }
0xe7: {  	v30 =	vadd.s32 v1, v32;
	s0 =	sadd.s32 $0x100, s0;
	v19 =	vmul.f32 v19, v9;
	v31 =	vld.idx.msk [tilespmem:v28+s15+$0x0], $0xffff  }
0xe8: {  	v20 =	vld.idx.msk [tilespmem:v22+s19+$0x0], $0xffff;
	[tilespmem:s0+$0xFFFFFF80] =	vst v18;
	v18 =	vadd.f32 v23, v25;
	v17 =	vmul.f32 v17, v10  }
0xe9: {  	v33 =	vadd.s32 v5, v11;
	v25 =	vld [tilespmem:s4+$0xFFFFFF90]  }
0xea: {  	v24 =	vld.idx.msk [tilespmem:v24+s15+$0x0], $0xffff;
	[tilespmem:s0+$0x0] =	vst v18;
	v17 =	vadd.f32 v26, v17  }
.Ltmp4:
0xeb: {  	v29 =	vadd.s32 v4, v14;
	v18 =	vadd.f32 v21, v19;
	v26 =	vld [tilespmem:s4+$0x10];
	v19 =	vmul.f32 v27, v8;
	(pc) =	sbr.rel @p3 .LBB2_3-.Ltmp4, $4  }
0xec: {  	v23 =	vld.idx.msk [tilespmem:v30+s15+$0x0], $0xffff;
	[tilespmem:s30+$0xFFFFFFC0] =	vst v17  }
0xed: {  	v28 =	vld [tilespmem:s31+$0xFFFFFFD0];
	[tilespmem:s30+$0x30] =	vst v18;
	v18 =	vadd.f32 v31, v19;
	v19 =	vadd.s32 v7, v12;
	v12 =	vmovc v14;
	v14 =	vmov v32  }
0xee: {  	v17 =	vmov s8;
	v31 =	vmul.f32 v25, v13;
	v27 =	vld.idx.msk [tilespmem:v33+s15+$0x0], $0xffff  }
0xef: {  	s8 =	sadd.s32 $0x2, s8;
	v30 =	vadd.s32 v2, v16;
	v17 =	vand.u32 $0xFFFFFFFE, v17;
	v25 =	vld [tilespmem:s31+$0x40];
	[tilespmem:s29+$0x60] =	vst v18  }
0xf0: {  	v18 =	vbroadcast v17, $0x0;
	_ =	sdelay $0x5  }
0xf1: {  	v17 =	vld.idx.msk [tilespmem:v18+s19+$0x0], $0xffff;
	_ =	sdelay $0x3  }
0xf2: {  	v20 =	vmul.u32 $0x82, v20  }
0xf3: {  	v21 =	vmul.u32 $0x82, v17  }
0xf4: {  	s9 =	sadd.s32 $0x100, s4;
	v33 =	vadd.s32 v0, v20  }
0xf5: {  	v37 =	vld [tilespmem:s9+$0xFFFFFF80];
	v32 =	vadd.s32 v0, v21  }
0xf6: {  	v34 =	vld [tilespmem:s9+$0x0]  }
0xf7: {  	v17 =	vld.idx.msk [tilespmem:v22+s18+$0x0], $0xffff  }
0xf8: {  	v18 =	vld.idx.msk [tilespmem:v18+s18+$0x0], $0xffff  }
0xf9: {  	v33 =	vld.idx.msk [tilespmem:v33+s15+$0x0], $0xffff  }
0xfa: {  	v32 =	vld.idx.msk [tilespmem:v32+s15+$0x0], $0xffff;
	_ =	sdelay $0x1  }
0xfb: {  	v34 =	vmul.f32 v34, v17  }
0xfc: {  	v22 =	vmul.f32 v37, v18  }
0xfd: {  	v36 =	vadd.s32 v1, v20;
	v33 =	vadd.f32 v33, v34  }
0xfe: {  	s8 =	sadd.s32 $0x100, s0;
	v35 =	vadd.s32 v1, v21;
	v32 =	vadd.f32 v32, v22  }
0xff: {  	v29 =	vld.idx.msk [tilespmem:v29+s15+$0x0], $0xffff;
	[tilespmem:s8+$0x0] =	vst v33  }
0x100: {  	v33 =	vld [tilespmem:s9+$0x10];
	[tilespmem:s8+$0xFFFFFF80] =	vst v32  }
0x101: {  	v32 =	vld [tilespmem:s9+$0xFFFFFF90]  }
0x102: {  	v24 =	vadd.f32 v24, v31;
	v26 =	vmul.f32 v26, v15;
	v39 =	vld.idx.msk [tilespmem:v36+s15+$0x0], $0xffff  }
0x103: {  	v40 =	vadd.s32 v2, v14;
	v38 =	vld.idx.msk [tilespmem:v35+s15+$0x0], $0xffff  }
0x104: {  	v19 =	vld.idx.msk [tilespmem:v19+s15+$0x0], $0xffff;
	v28 =	vmul.f32 v28, v10;
	[tilespmem:s0+$0xFFFFFF90] =	vst v24;
	v23 =	vadd.f32 v23, v26  }
0x105: {  	v41 =	vld [tilespmem:s4+$0xFFFFFFA0];
	v43 =	vmul.f32 v33, v17  }
0x106: {  	v30 =	vld.idx.msk [tilespmem:v30+s15+$0x0], $0xffff;
	v27 =	vadd.f32 v27, v28;
	[tilespmem:s0+$0x10] =	vst v23;
	v42 =	vmul.f32 v32, v18  }
0x107: {  	v47 =	vadd.s32 v2, v20;
	v44 =	vld [tilespmem:s4+$0x20];
	v23 =	vadd.f32 v39, v43  }
0x108: {  	v24 =	vld.idx.msk [tilespmem:v40+s15+$0x0], $0xffff;
	[tilespmem:s30+$0xFFFFFFD0] =	vst v27;
	v45 =	vadd.s32 v2, v21;
	v28 =	vadd.f32 v38, v42  }
0x109: {  	v48 =	vadd.s32 v6, v11;
	v46 =	vld [tilespmem:s31+$0xFFFFFFE0];
	[tilespmem:s8+$0x10] =	vst v23  }
0x10a: {  	v49 =	vmul.f32 v41, v13;
	v50 =	vld [tilespmem:s9+$0x20];
	[tilespmem:s8+$0xFFFFFF90] =	vst v28  }
0x10b: {  	v25 =	vmul.f32 v25, v9;
	v28 =	vld [tilespmem:s9+$0xFFFFFFA0]  }
0x10c: {  	v51 =	vadd.s32 v3, v16;
	v23 =	vadd.f32 v30, v49;
	v53 =	vld.idx.msk [tilespmem:v47+s15+$0x0], $0xffff  }
0x10d: {  	v25 =	vadd.f32 v29, v25;
	v52 =	vmul.f32 v44, v15;
	v27 =	vld.idx.msk [tilespmem:v45+s15+$0x0], $0xffff  }
0x10e: {  	v55 =	vadd.s32 v3, v14;
	v54 =	vld.idx.msk [tilespmem:v48+s15+$0x0], $0xffff;
	[tilespmem:s0+$0xFFFFFFA0] =	vst v23  }
0x10f: {  	[tilespmem:s30+$0x40] =	vst v25;
	v57 =	vadd.f32 v24, v52;
	v59 =	vld [tilespmem:s4+$0xFFFFFFB0];
	v26 =	vmul.f32 v50, v17  }
0x110: {  	v56 =	vld [tilespmem:s31+$0x50];
	v58 =	vmul.f32 v28, v18  }
0x111: {  	v62 =	vadd.s32 v3, v20;
	[tilespmem:s0+$0x20] =	vst v57;
	v29 =	vld.idx.msk [tilespmem:v51+s15+$0x0], $0xffff;
	v26 =	vadd.f32 v53, v26  }
0x112: {  	v60 =	vadd.s32 v3, v21;
	v61 =	vld [tilespmem:s4+$0x30];
	v24 =	vadd.f32 v27, v58  }
0x113: {  	v25 =	vld.idx.msk [tilespmem:v55+s15+$0x0], $0xffff;
	[tilespmem:s8+$0x20] =	vst v26  }
0x114: {  	v38 =	vmul.f32 v59, v13;
	v39 =	vld [tilespmem:s9+$0x30];
	[tilespmem:s8+$0xFFFFFFA0] =	vst v24  }
0x115: {  	v63 =	vadd.s32 v5, v12;
	v37 =	vld [tilespmem:s9+$0xFFFFFFB0]  }
0x116: {  	v40 =	vadd.s32 v4, v16;
	v26 =	vadd.f32 v29, v38;
	v41 =	vld.idx.msk [tilespmem:v62+s15+$0x0], $0xffff  }
0x117: {  	v27 =	vmul.f32 v61, v15;
	v23 =	vld.idx.msk [tilespmem:v60+s15+$0x0], $0xffff  }
0x118: {  	v36 =	vmul.f32 v46, v10;
	v22 =	vld [tilespmem:s14+$0x70];
	v43 =	vadd.s32 v4, v14;
	[tilespmem:s0+$0xFFFFFFB0] =	vst v26  }
0x119: {  	v45 =	vld [tilespmem:s4+$0xFFFFFFC0];
	v25 =	vadd.f32 v25, v27;
	v28 =	vmul.f32 v39, v17  }
0x11a: {  	v42 =	vld.idx.msk [tilespmem:v63+s15+$0x0], $0xffff;
	v24 =	vadd.f32 v54, v36;
	v44 =	vmul.f32 v37, v18  }
0x11b: {  	v49 =	vadd.s32 v4, v20;
	v46 =	vld.idx.msk [tilespmem:v40+s15+$0x0], $0xffff;
	[tilespmem:s0+$0x30] =	vst v25;
	v28 =	vadd.f32 v41, v28  }
0x11c: {  	v47 =	vadd.s32 v4, v21;
	[tilespmem:s30+$0xFFFFFFE0] =	vst v24;
	v48 =	vld [tilespmem:s4+$0x40];
	v23 =	vadd.f32 v23, v44  }
0x11d: {  	v50 =	vmul.f32 v56, v9;
	v24 =	vld.idx.msk [tilespmem:v43+s15+$0x0], $0xffff;
	[tilespmem:s8+$0x30] =	vst v28  }
0x11e: {  	v27 =	vmul.f32 v45, v13;
	v54 =	vld [tilespmem:s9+$0x40];
	[tilespmem:s8+$0xFFFFFFB0] =	vst v23  }
0x11f: {  	v55 =	vadd.s32 v5, v16;
	v53 =	vadd.f32 v42, v50;
	v52 =	vld [tilespmem:s9+$0xFFFFFFC0]  }
0x120: {  	v51 =	vadd.s32 v6, v12;
	v27 =	vadd.f32 v46, v27;
	v56 =	vld.idx.msk [tilespmem:v49+s15+$0x0], $0xffff  }
0x121: {  	[tilespmem:s30+$0x50] =	vst v53;
	v26 =	vmul.f32 v48, v15;
	v25 =	vld.idx.msk [tilespmem:v47+s15+$0x0], $0xffff  }
0x122: {  	v57 =	vld [tilespmem:s31+$0x60];
	v58 =	vadd.s32 v5, v14;
	[tilespmem:s0+$0xFFFFFFC0] =	vst v27  }
0x123: {  	v27 =	vld [tilespmem:s4+$0xFFFFFFD0];
	v24 =	vadd.f32 v24, v26;
	v30 =	vmul.f32 v54, v17  }
0x124: {  	v33 =	vld.idx.msk [tilespmem:v55+s15+$0x0], $0xffff;
	v59 =	vmul.f32 v52, v18  }
0x125: {  	v62 =	vadd.s32 v5, v20;
	v23 =	vld.idx.msk [tilespmem:v51+s15+$0x0], $0xffff;
	[tilespmem:s0+$0x40] =	vst v24;
	v28 =	vadd.f32 v56, v30  }
0x126: {  	v60 =	vadd.s32 v5, v21;
	v61 =	vld [tilespmem:s4+$0x50];
	v25 =	vadd.f32 v25, v59  }
0x127: {  	v31 =	vld.idx.msk [tilespmem:v58+s15+$0x0], $0xffff;
	[tilespmem:s8+$0x40] =	vst v28  }
0x128: {  	v45 =	vadd.s32 v7, v11;
	v28 =	vld [tilespmem:s9+$0x50];
	[tilespmem:s8+$0xFFFFFFC0] =	vst v25  }
0x129: {  	v27 =	vmul.f32 v27, v13;
	v25 =	vld [tilespmem:s9+$0xFFFFFFD0]  }
0x12a: {  	v63 =	vadd.s32 v6, v16;
	v37 =	vld.idx.msk [tilespmem:v62+s15+$0x0], $0xffff  }
0x12b: {  	v36 =	vadd.f32 v33, v27;
	v26 =	vmul.f32 v61, v15;
	v24 =	vld.idx.msk [tilespmem:v60+s15+$0x0], $0xffff  }
0x12c: {  	v29 =	vmul.f32 v57, v9;
	v39 =	vadd.s32 v6, v14;
	v32 =	vld [tilespmem:s31+$0xFFFFFFF0]  }
0x12d: {  	v11 =	vld.idx.msk [tilespmem:v45+s15+$0x0], $0xffff;
	[tilespmem:s0+$0xFFFFFFD0] =	vst v36;
	v40 =	vadd.f32 v31, v26;
	v28 =	vmul.f32 v28, v17  }
0x12e: {  	v44 =	vadd.s32 v6, v20;
	v41 =	vld [tilespmem:s4+$0xFFFFFFE0];
	v25 =	vmul.f32 v25, v18  }
0x12f: {  	v23 =	vadd.f32 v23, v29;
	v29 =	vld.idx.msk [tilespmem:v63+s15+$0x0], $0xffff;
	[tilespmem:s0+$0x50] =	vst v40;
	v27 =	vadd.f32 v37, v28  }
0x130: {  	v42 =	vadd.s32 v6, v21;
	v43 =	vld [tilespmem:s4+$0x60];
	v24 =	vadd.f32 v24, v25  }
0x131: {  	v46 =	vld.idx.msk [tilespmem:v39+s15+$0x0], $0xffff;
	[tilespmem:s8+$0x50] =	vst v27  }
0x132: {  	v47 =	vadd.s32 v7, v12;
	v27 =	vld [tilespmem:s9+$0x60];
	[tilespmem:s8+$0xFFFFFFD0] =	vst v24  }
0x133: {  	v26 =	vmul.f32 v41, v13;
	v24 =	vld [tilespmem:s9+$0xFFFFFFE0]  }
0x134: {  	v48 =	vadd.s32 v7, v16;
	v28 =	vld.idx.msk [tilespmem:v44+s15+$0x0], $0xffff  }
0x135: {  	[tilespmem:s30+$0x60] =	vst v23;
	v26 =	vadd.f32 v29, v26;
	v25 =	vmul.f32 v43, v15;
	v23 =	vld.idx.msk [tilespmem:v42+s15+$0x0], $0xffff  }
0x136: {  	v49 =	vadd.s32 v7, v14;
	v38 =	vld [tilespmem:s31+$0x70]  }
0x137: {  	v12 =	vld.idx.msk [tilespmem:v47+s15+$0x0], $0xffff;
	[tilespmem:s0+$0xFFFFFFE0] =	vst v26;
	v25 =	vadd.f32 v46, v25;
	v27 =	vmul.f32 v27, v17  }
0x138: {  	v26 =	vld [tilespmem:s4+$0xFFFFFFF0];
	v24 =	vmul.f32 v24, v18  }
0x139: {  	v20 =	vadd.s32 v7, v20;
	v16 =	vld.idx.msk [tilespmem:v48+s15+$0x0], $0xffff;
	[tilespmem:s0+$0x60] =	vst v25;
	v51 =	vadd.f32 v28, v27  }
0x13a: {  	v21 =	vadd.s32 v7, v21;
	v50 =	vld [tilespmem:s4+$0x70];
	v23 =	vadd.f32 v23, v24  }
0x13b: {  	v8 =	vmul.f32 v22, v8;
	v14 =	vld.idx.msk [tilespmem:v49+s15+$0x0], $0xffff;
	[tilespmem:s8+$0x60] =	vst v51  }
0x13c: {  	v54 =	vld [tilespmem:s9+$0x70];
	[tilespmem:s8+$0xFFFFFFE0] =	vst v23  }
0x13d: {  	v8 =	vadd.f32 v19, v8;
	v55 =	vmul.f32 v38, v9;
	v52 =	vld [tilespmem:s9+$0xFFFFFFF0]  }
0x13e: {  	v53 =	vmul.f32 v32, v10;
	v58 =	vld.idx.msk [tilespmem:v20+s15+$0x0], $0xffff  }
0x13f: {  	[tilespmem:s29+$0x70] =	vst v8;
	v8 =	vadd.f32 v12, v55;
	v59 =	vmul.f32 v50, v15;
	v56 =	vld.idx.msk [tilespmem:v21+s15+$0x0], $0xffff  }
0x140: {  	v10 =	vadd.f32 v11, v53;
	v57 =	vmul.f32 v26, v13  }
0x141: {  	[tilespmem:s30+$0x70] =	vst v8;
	v8 =	vadd.f32 v14, v59;
	v62 =	vmul.f32 v54, v17  }
0x142: {  	[tilespmem:s30+$0xFFFFFFF0] =	vst v10;
	v60 =	vadd.f32 v16, v57;
	v61 =	vmul.f32 v52, v18  }
0x143: {  	[tilespmem:s0+$0x70] =	vst v8;
	v8 =	vadd.f32 v58, v62  }
0x144: {  	s31 =	smul.u32 $0xA00, s28;
	[tilespmem:s0+$0xFFFFFFF0] =	vst v60;
	v63 =	vadd.f32 v56, v61  }
0x145: {  	p3 =	sgt.u32 s28, $0x230;
	[tilespmem:s8+$0x70] =	vst v8  }
0x146: {  	s4 =	smul.u32 @!p3 $0xA00, s13;
	s0 =	sadd.s32 s5, s31;
	[tilespmem:s8+$0xFFFFFFF0] =	vst v63  }
0x147: {  	[hbm4b:s0+s7] =	stream.linear.scatter [tilespmem:s20], [sflag:$0x3], $0x5000, $0x38;
	[tilespmem:$0x1E880] =	vst v63  }
0x148: {  	s8 =	smul.u32 @!p3 $0x14, s13;
	s0 =	sadd.s32 @!p3 s1, s4;
	s4 =	simm.s32 @!p3 $0x0  }
0x149: {  	[tilespmem:s4], [sflag:$0x1] =	stream.linear.gather @!p3 [hbm4b:s0+s4], $0x5000, $0x38;
	[tilespmem:$0x1E880] =	vst v63  }
0x14a: {  	s9 =	simm.s32 @!p3 $0xA000;
	s0 =	sadd.s32 @!p3 s2, s8  }
0x14b: {  	[tilespmem:s9], [sflag:$0x1] =	stream.linear.gather @!p3 [hbm4b:s0+s4], $0xA0, $0x38;
	[tilespmem:$0x1E880] =	vst v63  }
0x14c: {  	s0 =	sadd.s32 @!p3 s3, s8;
	s8 =	simm.s32 @!p3 $0xA200  }
0x14d: {  	[tilespmem:s8], [sflag:$0x1] =	stream.linear.gather @!p3 [hbm4b:s0+s4], $0xA0, $0x38;
	[tilespmem:$0x1E880] =	vst v63  }
.Ltmp5:
0x14e: {  	_ = 	snop;
	(pc) =	sbr.rel @p1 .LBB2_8-.Ltmp5, $4  }
0x14f: {  	s0 =	simm.s32 @!p2 $0x4  }
0x150: {  	_ =	swait.ge @!p2 [sflag:s0], $0x5000  }
0x151: {  	[sflag:s0] =	ssyncset.done @!p2 $0x0  }
0x152: {  	[sflag:s0] =	ssyncadd.s32 @!p2 $0xFFFFB000  }
0x153: {  	_ =	swait.ge [sflag:s21], $0x5000  }
0x154: {  	[sflag:s21] =	ssyncset.done $0x0  }
0x155: {  	[sflag:s21] =	ssyncadd.s32 $0xFFFFB000  }
0x156: {  	_ =	swait.ge [sflag:s21], $0xA0  }
0x157: {  	[sflag:s21] =	ssyncset.done $0x0  }
0x158: {  	[sflag:s21] =	ssyncadd.s32 $0xFFFFFF60  }
0x159: {  	_ =	swait.ge [sflag:s21], $0xA0  }
0x15a: {  	[sflag:s21] =	ssyncset.done $0x0  }
0x15b: {  	[sflag:s21] =	ssyncadd.s32 $0xFFFFFF60  }
0x15c: {  	v8 =	vld [tilespmem:$0xA300]  }
0x15d: {  	v9 =	vld [tilespmem:$0xA100];
	_ =	sdelay $0x3  }
0x15e: {  	v8 =	vshll.u32 v8, $0x4  }
0x15f: {  	v10 =	vld [tilespmem:$0xA310];
	v8 =	vadd.s32 v9, v8  }
0x160: {  	v11 =	vld [tilespmem:$0xA110];
	v9 =	vmul.u32 $0x82, v8;
	_ =	sdelay $0x1  }
0x161: {  	v9 =	vadd.s32 $0x80, v9;
	_ =	sdelay $0x1  }
0x162: {  	v10 =	vshll.u32 v10, $0x4  }
0x163: {  	v12 =	vld [tilespmem:$0xA120];
	[tilespmem:$0x1E680] =	vst v8;
	v8 =	vadd.s32 v11, v10  }
0x164: {  	v11 =	vld [tilespmem:$0xA320];
	v10 =	vmul.u32 $0x82, v8  }
0x165: {  	v9 =	vld.idx.msk [tilespmem:v9+s15+$0x0], $0xffff  }
0x166: {  	v10 =	vadd.s32 $0x80, v10;
	_ =	sdelay $0x2  }
0x167: {  	[tilespmem:$0x1E690] =	vst v8;
	v8 =	vshll.u32 v11, $0x4  }
0x168: {  	v11 =	vld [tilespmem:$0xA330];
	v8 =	vadd.s32 v12, v8;
	[tilespmem:$0x1E780] =	vst v9  }
0x169: {  	v9 =	vld.idx.msk [tilespmem:v10+s15+$0x0], $0xffff;
	v10 =	vmul.u32 $0x82, v8  }
0x16a: {  	v12 =	vld [tilespmem:$0xA130]  }
0x16b: {  	v10 =	vadd.s32 $0x80, v10;
	_ =	sdelay $0x2  }
0x16c: {  	[tilespmem:$0x1E790] =	vst v9;
	v9 =	vshll.u32 v11, $0x4  }
0x16d: {  	[tilespmem:$0x1E6A0] =	vst v8;
	v11 =	vld [tilespmem:$0xA340];
	v8 =	vadd.s32 v12, v9  }
0x16e: {  	v9 =	vld.idx.msk [tilespmem:v10+s15+$0x0], $0xffff;
	v10 =	vmul.u32 $0x82, v8  }
0x16f: {  	v12 =	vld [tilespmem:$0xA140]  }
0x170: {  	v10 =	vadd.s32 $0x80, v10;
	_ =	sdelay $0x2  }
0x171: {  	[tilespmem:$0x1E6B0] =	vst v8;
	v8 =	vshll.u32 v11, $0x4  }
0x172: {  	v11 =	vld [tilespmem:$0xA350];
	v8 =	vadd.s32 v12, v8;
	[tilespmem:$0x1E7A0] =	vst v9  }
0x173: {  	v9 =	vld.idx.msk [tilespmem:v10+s15+$0x0], $0xffff;
	v10 =	vmul.u32 $0x82, v8  }
0x174: {  	v12 =	vld [tilespmem:$0xA150]  }
0x175: {  	v10 =	vadd.s32 $0x80, v10;
	_ =	sdelay $0x2  }
0x176: {  	[tilespmem:$0x1E7B0] =	vst v9;
	v9 =	vshll.u32 v11, $0x4  }
0x177: {  	[tilespmem:$0x1E6C0] =	vst v8;
	v11 =	vld [tilespmem:$0xA360];
	v8 =	vadd.s32 v12, v9  }
0x178: {  	v9 =	vld.idx.msk [tilespmem:v10+s15+$0x0], $0xffff;
	v10 =	vmul.u32 $0x82, v8  }
0x179: {  	v12 =	vld [tilespmem:$0xA160]  }
0x17a: {  	v10 =	vadd.s32 $0x80, v10;
	_ =	sdelay $0x2  }
0x17b: {  	[tilespmem:$0x1E6D0] =	vst v8;
	v8 =	vshll.u32 v11, $0x4  }
0x17c: {  	v11 =	vld [tilespmem:$0xA370];
	v8 =	vadd.s32 v12, v8;
	[tilespmem:$0x1E7C0] =	vst v9  }
0x17d: {  	v9 =	vld.idx.msk [tilespmem:v10+s15+$0x0], $0xffff;
	v10 =	vmul.u32 $0x82, v8  }
0x17e: {  	v12 =	vld [tilespmem:$0xA170]  }
0x17f: {  	v10 =	vadd.s32 $0x80, v10;
	_ =	sdelay $0x2  }
0x180: {  	[tilespmem:$0x1E7D0] =	vst v9;
	v9 =	vshll.u32 v11, $0x4  }
0x181: {  	[tilespmem:$0x1E6E0] =	vst v8;
	v11 =	vld [tilespmem:$0xA380];
	v8 =	vadd.s32 v12, v9  }
0x182: {  	v9 =	vld.idx.msk [tilespmem:v10+s15+$0x0], $0xffff;
	v10 =	vmul.u32 $0x82, v8  }
0x183: {  	v12 =	vld [tilespmem:$0xA180]  }
0x184: {  	v10 =	vadd.s32 $0x80, v10;
	_ =	sdelay $0x2  }
0x185: {  	[tilespmem:$0x1E6F0] =	vst v8;
	v8 =	vshll.u32 v11, $0x4  }
0x186: {  	v11 =	vld [tilespmem:$0xA390];
	v8 =	vadd.s32 v12, v8;
	[tilespmem:$0x1E7E0] =	vst v9  }
0x187: {  	v9 =	vld.idx.msk [tilespmem:v10+s15+$0x0], $0xffff;
	v10 =	vmul.u32 $0x82, v8  }
0x188: {  	v12 =	vld [tilespmem:$0xA190]  }
0x189: {  	v10 =	vadd.s32 $0x80, v10;
	_ =	sdelay $0x2  }
0x18a: {  	[tilespmem:$0x1E7F0] =	vst v9;
	v9 =	vshll.u32 v11, $0x4  }
0x18b: {  	[tilespmem:$0x1E700] =	vst v8;
	v8 =	vadd.s32 v12, v9  }
0x18c: {  	v9 =	vld.idx.msk [tilespmem:v10+s15+$0x0], $0xffff;
	v10 =	vmul.u32 $0x82, v8;
	_ =	sdelay $0x1  }
0x18d: {  	v10 =	vadd.s32 $0x80, v10;
	_ =	sdelay $0x1  }
0x18e: {  	s0 =	simm.s32 $0x0  }
0x18f: {  	[tilespmem:$0x1E800] =	vst v9;
	v9 =	vmov s0  }
0x190: {  	[tilespmem:$0x1E710] =	vst v8;
	v8 =	vand.u32 $0xFFFFFFFE, v9  }
0x191: {  	v9 =	vld.idx.msk [tilespmem:v10+s15+$0x0], $0xffff;
	v8 =	vbroadcast v8, $0x0;
	_ =	sdelay $0x4  }
0x192: {  	[tilespmem:$0x1E810] =	vst v9  }
0x193: {  	v9 =	vld.idx.msk [tilespmem:v8+s19+$0x0], $0xffff;
	_ =	sdelay $0x3  }
0x194: {  	s4 =	simm.s32 $0x1  }
0x195: {  	v13 =	vmul.u32 $0x82, v9;
	v9 =	vmov s4;
	_ =	sdelay $0x1  }
0x196: {  	v10 =	vadd.s32 v0, v13  }
0x197: {  	s13 =	simm.s32 $0x5080;
	v18 =	vld.idx.msk [tilespmem:v8+s18+$0x0], $0xffff  }
0x198: {  	v8 =	vld [tilespmem:s13+$0xFFFFFF80]  }
0x199: {  	v11 =	vld.idx.msk [tilespmem:v9+s19+$0x0], $0xffff;
	_ =	sdelay $0x1  }
0x19a: {  	v10 =	vld.idx.msk [tilespmem:v10+s15+$0x0], $0xffff;
	_ =	sdelay $0x2  }
0x19b: {  	v8 =	vmul.f32 v8, v18;
	v17 =	vmul.u32 $0x82, v11  }
0x19c: {  	v11 =	vadd.s32 v1, v13  }
0x19d: {  	v10 =	vadd.f32 v10, v8;
	v12 =	vadd.s32 v0, v17  }
0x19e: {  	s28 =	simm.s32 $0x19700;
	v8 =	vld.idx.msk [tilespmem:v9+s18+$0x0], $0xffff  }
0x19f: {  	[tilespmem:s28+$0xFFFFFF80] =	vst v10;
	v10 =	vld [tilespmem:s13+$0x0]  }
0x1a0: {  	v9 =	vld [tilespmem:s13+$0xFFFFFF90]  }
0x1a1: {  	v11 =	vld.idx.msk [tilespmem:v11+s15+$0x0], $0xffff  }
0x1a2: {  	v12 =	vld.idx.msk [tilespmem:v12+s15+$0x0], $0xffff;
	_ =	sdelay $0x2  }
0x1a3: {  	s8 =	simm.s32 $0x2;
	v10 =	vmul.f32 v10, v8;
	v9 =	vmul.f32 v9, v18  }
0x1a4: {  	v14 =	vmov s8;
	v15 =	vadd.s32 v2, v13  }
0x1a5: {  	v9 =	vadd.f32 v11, v9;
	v10 =	vadd.f32 v12, v10;
	v12 =	vand.u32 $0xFFFFFFFE, v14  }
0x1a6: {  	v11 =	vadd.s32 v1, v17;
	v14 =	vbroadcast v12, $0x0  }
0x1a7: {  	[tilespmem:s28+$0xFFFFFF90] =	vst v9  }
0x1a8: {  	s9 =	simm.s32 $0x3;
	[tilespmem:s28+$0x0] =	vst v10;
	v9 =	vld [tilespmem:s13+$0xFFFFFFA0]  }
0x1a9: {  	v16 =	vmov s9;
	v10 =	vld [tilespmem:s13+$0x10]  }
0x1aa: {  	v12 =	vld.idx.msk [tilespmem:v15+s15+$0x0], $0xffff  }
0x1ab: {  	v11 =	vld.idx.msk [tilespmem:v11+s15+$0x0], $0xffff  }
0x1ac: {  	v15 =	vld.idx.msk [tilespmem:v14+s19+$0x0], $0xffff  }
0x1ad: {  	v9 =	vmul.f32 v9, v18  }
0x1ae: {  	v19 =	vld.idx.msk [tilespmem:v16+s19+$0x0], $0xffff;
	v20 =	vadd.s32 v3, v13  }
0x1af: {  	v10 =	vmul.f32 v10, v8;
	v9 =	vadd.f32 v12, v9;
	_ =	sdelay $0x1  }
0x1b0: {  	v21 =	vadd.s32 v2, v17;
	v10 =	vadd.f32 v11, v10;
	[tilespmem:s28+$0xFFFFFFA0] =	vst v9;
	v11 =	vmul.u32 $0x82, v15;
	v9 =	vld.idx.msk [tilespmem:v16+s18+$0x0], $0xffff  }
0x1b1: {  	v15 =	vld [tilespmem:s13+$0xFFFFFFB0]  }
0x1b2: {  	v12 =	vmul.u32 $0x82, v19;
	[tilespmem:s28+$0x10] =	vst v10;
	v19 =	vld.idx.msk [tilespmem:v20+s15+$0x0], $0xffff;
	v20 =	vadd.s32 v0, v11  }
0x1b3: {  	v22 =	vld [tilespmem:s13+$0x20]  }
0x1b4: {  	v10 =	vld.idx.msk [tilespmem:v14+s18+$0x0], $0xffff  }
0x1b5: {  	s30 =	simm.s32 $0x5180;
	v23 =	vadd.s32 v0, v12;
	v21 =	vld.idx.msk [tilespmem:v21+s15+$0x0], $0xffff  }
0x1b6: {  	v14 =	vmul.f32 v15, v18;
	v15 =	vld [tilespmem:s30+$0xFFFFFF80]  }
0x1b7: {  	v16 =	vadd.s32 v4, v13;
	v20 =	vld.idx.msk [tilespmem:v20+s15+$0x0], $0xffff  }
0x1b8: {  	v14 =	vadd.f32 v19, v14;
	v19 =	vmul.f32 v22, v8;
	v22 =	vld [tilespmem:s30+$0x0];
	_ =	sdelay $0x1  }
0x1b9: {  	v23 =	vld.idx.msk [tilespmem:v23+s15+$0x0], $0xffff;
	[tilespmem:s28+$0xFFFFFFB0] =	vst v14;
	v14 =	vadd.f32 v21, v19;
	v19 =	vadd.s32 v3, v17  }
0x1ba: {  	v21 =	vld [tilespmem:s13+$0xFFFFFFC0];
	v15 =	vmul.f32 v15, v10  }
0x1bb: {  	[tilespmem:s28+$0x20] =	vst v14;
	v14 =	vld.idx.msk [tilespmem:v16+s15+$0x0], $0xffff;
	v16 =	vadd.s32 v1, v11  }
0x1bc: {  	v24 =	vld [tilespmem:s13+$0x30];
	v15 =	vadd.f32 v20, v15;
	v20 =	vmul.f32 v22, v9  }
0x1bd: {  	s29 =	simm.s32 $0x19800  }
0x1be: {  	v22 =	vadd.s32 v1, v12;
	v19 =	vld.idx.msk [tilespmem:v19+s15+$0x0], $0xffff;
	[tilespmem:s29+$0xFFFFFF80] =	vst v15;
	v15 =	vadd.f32 v23, v20  }
0x1bf: {  	v20 =	vmul.f32 v21, v18;
	v21 =	vld [tilespmem:s30+$0xFFFFFF90]  }
0x1c0: {  	v23 =	vadd.s32 v5, v13;
	v16 =	vld.idx.msk [tilespmem:v16+s15+$0x0], $0xffff;
	[tilespmem:s29+$0x0] =	vst v15  }
0x1c1: {  	s14 =	simm.s32 $0x5;
	v14 =	vadd.f32 v14, v20;
	v15 =	vmul.f32 v24, v8;
	v20 =	vld [tilespmem:s30+$0x10]  }
0x1c2: {  	v24 =	vmov s14  }
0x1c3: {  	s31 =	simm.s32 $0x4;
	v22 =	vld.idx.msk [tilespmem:v22+s15+$0x0], $0xffff;
	[tilespmem:s28+$0xFFFFFFC0] =	vst v14;
	v14 =	vadd.f32 v19, v15;
	v15 =	vadd.s32 v4, v17  }
0x1c4: {  	v25 =	vmov s31;
	v19 =	vld [tilespmem:s13+$0xFFFFFFD0];
	v21 =	vmul.f32 v21, v10  }
0x1c5: {  	[tilespmem:s28+$0x30] =	vst v14;
	v14 =	vld.idx.msk [tilespmem:v23+s15+$0x0], $0xffff;
	v23 =	vand.u32 $0xFFFFFFFE, v25;
	v25 =	vadd.s32 v2, v11  }
0x1c6: {  	v26 =	vld [tilespmem:s13+$0x40];
	v16 =	vadd.f32 v16, v21;
	v20 =	vmul.f32 v20, v9  }
0x1c7: {  	v27 =	vadd.s32 v2, v12;
	v23 =	vbroadcast v23, $0x0;
	v21 =	vld.idx.msk [tilespmem:v24+s19+$0x0], $0xffff  }
0x1c8: {  	v15 =	vld.idx.msk [tilespmem:v15+s15+$0x0], $0xffff;
	[tilespmem:s29+$0xFFFFFF90] =	vst v16;
	v16 =	vadd.f32 v22, v20  }
0x1c9: {  	v19 =	vmul.f32 v19, v18;
	v20 =	vld [tilespmem:s30+$0xFFFFFFA0]  }
0x1ca: {  	v22 =	vadd.s32 v6, v13;
	v25 =	vld.idx.msk [tilespmem:v25+s15+$0x0], $0xffff;
	[tilespmem:s29+$0x10] =	vst v16  }
0x1cb: {  	v14 =	vadd.f32 v14, v19;
	v19 =	vld [tilespmem:s30+$0x20]  }
0x1cc: {  	v16 =	vmul.f32 v26, v8;
	v27 =	vld.idx.msk [tilespmem:v27+s15+$0x0], $0xffff  }
0x1cd: {  	v26 =	vadd.s32 v5, v17;
	v28 =	vld.idx.msk [tilespmem:v23+s19+$0x0], $0xffff;
	[tilespmem:s28+$0xFFFFFFD0] =	vst v14  }
0x1ce: {  	v15 =	vadd.f32 v15, v16;
	v16 =	vld [tilespmem:s13+$0xFFFFFFE0];
	v20 =	vmul.f32 v20, v10  }
0x1cf: {  	v14 =	vmul.u32 $0x82, v21;
	v21 =	vld.idx.msk [tilespmem:v22+s15+$0x0], $0xffff;
	v22 =	vadd.s32 v3, v11  }
0x1d0: {  	[tilespmem:s28+$0x40] =	vst v15;
	v15 =	vld.idx.msk [tilespmem:v24+s18+$0x0], $0xffff;
	v20 =	vadd.f32 v25, v20  }
0x1d1: {  	v29 =	vadd.s32 v0, v14;
	v25 =	vld [tilespmem:s13+$0x50]  }
0x1d2: {  	v26 =	vld.idx.msk [tilespmem:v26+s15+$0x0], $0xffff;
	[tilespmem:s29+$0xFFFFFFA0] =	vst v20  }
0x1d3: {  	v30 =	vadd.s32 v3, v12;
	v19 =	vmul.f32 v19, v9;
	v24 =	vld [tilespmem:s30+$0xFFFFFFB0]  }
0x1d4: {  	v20 =	vmul.f32 v16, v18;
	v16 =	vmul.u32 $0x82, v28;
	v22 =	vld.idx.msk [tilespmem:v22+s15+$0x0], $0xffff  }
0x1d5: {  	v19 =	vadd.f32 v27, v19;
	v28 =	vadd.s32 v7, v13;
	v13 =	vld.idx.msk [tilespmem:v23+s18+$0x0], $0xffff  }
0x1d6: {  	s0 =	simm.s32 $0x5280;
	v29 =	vld.idx.msk [tilespmem:v29+s15+$0x0], $0xffff;
	v20 =	vadd.f32 v21, v20;
	v21 =	vadd.s32 v0, v16  }
0x1d7: {  	[tilespmem:s29+$0x20] =	vst v19;
	v19 =	vld [tilespmem:s0+$0x0]  }
0x1d8: {  	v30 =	vld.idx.msk [tilespmem:v30+s15+$0x0], $0xffff;
	[tilespmem:s28+$0xFFFFFFE0] =	vst v20;
	v20 =	vmul.f32 v24, v10  }
0x1d9: {  	v24 =	vld [tilespmem:s0+$0xFFFFFF80]  }
0x1da: {  	v27 =	vadd.s32 v4, v11;
	v23 =	vld [tilespmem:s13+$0xFFFFFFF0];
	v20 =	vadd.f32 v22, v20  }
0x1db: {  	v21 =	vld.idx.msk [tilespmem:v21+s15+$0x0], $0xffff;
	v22 =	vmul.f32 v25, v8  }
0x1dc: {  	v33 =	vadd.s32 v1, v14;
	v28 =	vld.idx.msk [tilespmem:v28+s15+$0x0], $0xffff;
	v19 =	vmul.f32 v19, v15;
	[tilespmem:s29+$0xFFFFFFB0] =	vst v20  }
0x1dd: {  	v20 =	vadd.s32 v6, v17;
	v26 =	vadd.f32 v26, v22;
	v31 =	vld [tilespmem:s30+$0xFFFFFFC0]  }
0x1de: {  	s4 =	simm.s32 $0x7;
	v25 =	vld [tilespmem:s30+$0x30];
	v19 =	vadd.f32 v29, v19;
	v24 =	vmul.f32 v24, v13  }
0x1df: {  	v22 =	vmov s4;
	s4 =	simm.s32 $0x19900;
	v27 =	vld.idx.msk [tilespmem:v27+s15+$0x0], $0xffff;
	[tilespmem:s28+$0x50] =	vst v26;
	v26 =	vadd.s32 v1, v16  }
0x1e0: {  	[tilespmem:s4+$0x0] =	vst v19;
	v21 =	vadd.f32 v21, v24;
	v32 =	vld [tilespmem:s13+$0x60]  }
0x1e1: {  	v18 =	vmul.f32 v23, v18;
	v23 =	vld.idx.msk [tilespmem:v33+s15+$0x0], $0xffff  }
0x1e2: {  	v34 =	vld.idx.msk [tilespmem:v20+s15+$0x0], $0xffff;
	[tilespmem:s4+$0xFFFFFF80] =	vst v21;
	v21 =	vmul.f32 v31, v10  }
0x1e3: {  	v35 =	vadd.s32 v5, v11;
	v31 =	vld [tilespmem:s0+$0xFFFFFF90]  }
0x1e4: {  	v24 =	vld.idx.msk [tilespmem:v26+s15+$0x0], $0xffff;
	v19 =	vadd.f32 v27, v21;
	v21 =	vmul.f32 v25, v9  }
0x1e5: {  	v29 =	vadd.s32 v4, v12;
	v18 =	vadd.f32 v28, v18;
	v26 =	vld [tilespmem:s0+$0x10];
	v25 =	vmul.f32 v32, v8  }
0x1e6: {  	v20 =	vld.idx.msk [tilespmem:v22+s19+$0x0], $0xffff;
	v21 =	vadd.f32 v30, v21;
	[tilespmem:s29+$0xFFFFFFC0] =	vst v19  }
0x1e7: {  	s8 =	simm.s32 $0x6;
	[tilespmem:s28+$0xFFFFFFF0] =	vst v18;
	v18 =	vadd.f32 v34, v25;
	v19 =	vadd.s32 v7, v17;
	v28 =	vld [tilespmem:s30+$0xFFFFFFD0]  }
0x1e8: {  	v17 =	vmov s8;
	v27 =	vld.idx.msk [tilespmem:v35+s15+$0x0], $0xffff;
	v31 =	vmul.f32 v31, v13;
	[tilespmem:s29+$0x30] =	vst v21  }
0x1e9: {  	s8 =	simm.s32 $0x8;
	v30 =	vadd.s32 v2, v16;
	v17 =	vand.u32 $0xFFFFFFFE, v17;
	[tilespmem:s28+$0x60] =	vst v18;
	v25 =	vld [tilespmem:s30+$0x40]  }
.LBB2_6:
0x1ea: {  	p1 =	slt.u32 s8, $0x9E;
	v17 =	vbroadcast v17, $0x0;
	v18 =	vadd.f32 v24, v31;
	v21 =	vmul.f32 v26, v15;
	v24 =	vld.idx.msk [tilespmem:v29+s15+$0x0], $0xffff  }
0x1eb: {  	v26 =	vld [tilespmem:s13+$0x70];
	s13 =	smov.u32 s30;
	s30 =	smov.u32 s0  }
0x1ec: {  	[tilespmem:s4+$0xFFFFFF90] =	vst v18;
	v18 =	vadd.f32 v23, v21;
	v21 =	vmul.f32 v28, v10;
	v19 =	vld.idx.msk [tilespmem:v19+s15+$0x0], $0xffff  }
0x1ed: {  	v29 =	vadd.s32 v6, v11;
	v28 =	vadd.s32 v2, v14;
	v23 =	vld [tilespmem:s0+$0xFFFFFFA0]  }
0x1ee: {  	v30 =	vld.idx.msk [tilespmem:v30+s15+$0x0], $0xffff;
	[tilespmem:s4+$0x10] =	vst v18;
	v18 =	vadd.f32 v27, v21;
	v21 =	vmul.f32 v25, v9  }
0x1ef: {  	v27 =	vadd.s32 v5, v12;
	v25 =	vld [tilespmem:s0+$0x20]  }
0x1f0: {  	v31 =	vld.idx.msk [tilespmem:v17+s19+$0x0], $0xffff;
	[tilespmem:s29+$0xFFFFFFD0] =	vst v18;
	v18 =	vadd.f32 v24, v21;
	v21 =	vmul.f32 v26, v8;
	v8 =	vmov v9  }
0x1f1: {  	v9 =	vmov v15;
	v24 =	vld [tilespmem:s13+$0xFFFFFFE0]  }
0x1f2: {  	v32 =	vmul.u32 $0x82, v20;
	v15 =	vmul.f32 v23, v13;
	v20 =	vld.idx.msk [tilespmem:v29+s15+$0x0], $0xffff;
	[tilespmem:s29+$0x40] =	vst v18;
	v18 =	vadd.f32 v19, v21  }
0x1f3: {  	v19 =	vadd.s32 v3, v16;
	v21 =	vld.idx.msk [tilespmem:v28+s15+$0x0], $0xffff  }
0x1f4: {  	v23 =	vadd.s32 v0, v32;
	v26 =	vadd.f32 v30, v15;
	v25 =	vmul.f32 v25, v9;
	v28 =	vld [tilespmem:s13+$0x50];
	[tilespmem:s28+$0x70] =	vst v18;
	s28 =	smov.u32 s29;
	s29 =	smov.u32 s4  }
0x1f5: {  	v18 =	vld.idx.msk [tilespmem:v27+s15+$0x0], $0xffff  }
0x1f6: {  	v15 =	vld.idx.msk [tilespmem:v22+s18+$0x0], $0xffff;
	[tilespmem:s4+$0xFFFFFFA0] =	vst v26;
	v22 =	vmul.f32 v24, v10  }
0x1f7: {  	v26 =	vadd.s32 v7, v11;
	v11 =	vmov v16;
	v16 =	vmul.u32 $0x82, v31;
	v24 =	vld [tilespmem:s0+$0xFFFFFFB0]  }
0x1f8: {  	v19 =	vld.idx.msk [tilespmem:v19+s15+$0x0], $0xffff;
	v20 =	vadd.f32 v20, v22  }
0x1f9: {  	v22 =	vadd.s32 v0, v16;
	v21 =	vadd.f32 v21, v25;
	v23 =	vld.idx.msk [tilespmem:v23+s15+$0x0], $0xffff;
	v25 =	vmul.f32 v28, v8  }
0x1fa: {  	v17 =	vld.idx.msk [tilespmem:v17+s18+$0x0], $0xffff;
	[tilespmem:s28+$0xFFFFFFE0] =	vst v20  }
0x1fb: {  	[tilespmem:s4+$0x20] =	vst v21;
	v20 =	vld [tilespmem:s13+$0xFFFFFFF0];
	v18 =	vadd.f32 v18, v25  }
0x1fc: {  	s0 =	sadd.s32 $0x100, s0;
	v21 =	vmul.f32 v24, v13;
	v24 =	vld.idx.msk [tilespmem:v26+s15+$0x0], $0xffff  }
0x1fd: {  	v26 =	vadd.s32 v4, v11;
	v25 =	vld [tilespmem:s0+$0xFFFFFF80];
	[tilespmem:s28+$0x50] =	vst v18  }
0x1fe: {  	v18 =	vld.idx.msk [tilespmem:v22+s15+$0x0], $0xffff;
	v19 =	vadd.f32 v19, v21;
	v21 =	vadd.s32 v3, v14  }
0x1ff: {  	v27 =	vld [tilespmem:s0+$0x0]  }
0x200: {  	s9 =	sadd.s32 $0x1, s8;
	v28 =	vadd.s32 v6, v12;
	[tilespmem:s4+$0xFFFFFFB0] =	vst v19;
	v19 =	vld [tilespmem:s30+$0x30];
	v20 =	vmul.f32 v20, v10;
	v10 =	vmovc v13;
	v13 =	vmov v17  }
0x201: {  	v22 =	vmov s9;
	v17 =	vld [tilespmem:s30+$0xFFFFFFC0]  }
0x202: {  	v25 =	vmul.f32 v25, v13;
	v26 =	vld.idx.msk [tilespmem:v26+s15+$0x0], $0xffff;
	v20 =	vadd.f32 v24, v20  }
0x203: {  	v24 =	vadd.s32 v1, v16;
	v21 =	vld.idx.msk [tilespmem:v21+s15+$0x0], $0xffff  }
0x204: {  	v18 =	vadd.f32 v18, v25;
	v25 =	vmul.f32 v27, v15;
	[tilespmem:s28+$0xFFFFFFF0] =	vst v20;
	v27 =	vld [tilespmem:s13+$0x60]  }
0x205: {  	v30 =	vadd.s32 v1, v32;
	s4 =	sadd.s32 $0x100, s4;
	v19 =	vmul.f32 v19, v9;
	v31 =	vld.idx.msk [tilespmem:v28+s15+$0x0], $0xffff  }
0x206: {  	v20 =	vld.idx.msk [tilespmem:v22+s19+$0x0], $0xffff;
	[tilespmem:s4+$0xFFFFFF80] =	vst v18;
	v18 =	vadd.f32 v23, v25;
	v17 =	vmul.f32 v17, v10  }
0x207: {  	v33 =	vadd.s32 v5, v11;
	v25 =	vld [tilespmem:s0+$0xFFFFFF90]  }
0x208: {  	v24 =	vld.idx.msk [tilespmem:v24+s15+$0x0], $0xffff;
	[tilespmem:s4+$0x0] =	vst v18;
	v17 =	vadd.f32 v26, v17  }
.Ltmp6:
0x209: {  	v29 =	vadd.s32 v4, v14;
	v18 =	vadd.f32 v21, v19;
	v26 =	vld [tilespmem:s0+$0x10];
	v19 =	vmul.f32 v27, v8;
	(pc) =	sbr.rel @p1 .LBB2_6-.Ltmp6, $4  }
0x20a: {  	v23 =	vld.idx.msk [tilespmem:v30+s15+$0x0], $0xffff;
	[tilespmem:s29+$0xFFFFFFC0] =	vst v17  }
0x20b: {  	v28 =	vld [tilespmem:s30+$0xFFFFFFD0];
	[tilespmem:s29+$0x30] =	vst v18;
	v18 =	vadd.f32 v31, v19;
	v19 =	vadd.s32 v7, v12;
	v12 =	vmovc v14;
	v14 =	vmov v32  }
0x20c: {  	v17 =	vmov s8;
	v31 =	vmul.f32 v25, v13;
	v27 =	vld.idx.msk [tilespmem:v33+s15+$0x0], $0xffff  }
0x20d: {  	s8 =	sadd.s32 $0x2, s8;
	v30 =	vadd.s32 v2, v16;
	v17 =	vand.u32 $0xFFFFFFFE, v17;
	v25 =	vld [tilespmem:s30+$0x40];
	[tilespmem:s28+$0x60] =	vst v18  }
0x20e: {  	v18 =	vbroadcast v17, $0x0;
	_ =	sdelay $0x5  }
0x20f: {  	v17 =	vld.idx.msk [tilespmem:v18+s19+$0x0], $0xffff;
	_ =	sdelay $0x3  }
0x210: {  	v20 =	vmul.u32 $0x82, v20  }
0x211: {  	v21 =	vmul.u32 $0x82, v17  }
0x212: {  	s9 =	sadd.s32 $0x100, s0;
	v33 =	vadd.s32 v0, v20  }
0x213: {  	v37 =	vld [tilespmem:s9+$0xFFFFFF80];
	v32 =	vadd.s32 v0, v21  }
0x214: {  	v34 =	vld [tilespmem:s9+$0x0]  }
0x215: {  	v17 =	vld.idx.msk [tilespmem:v22+s18+$0x0], $0xffff  }
0x216: {  	v18 =	vld.idx.msk [tilespmem:v18+s18+$0x0], $0xffff  }
0x217: {  	v33 =	vld.idx.msk [tilespmem:v33+s15+$0x0], $0xffff  }
0x218: {  	v32 =	vld.idx.msk [tilespmem:v32+s15+$0x0], $0xffff;
	_ =	sdelay $0x1  }
0x219: {  	v34 =	vmul.f32 v34, v17  }
0x21a: {  	v22 =	vmul.f32 v37, v18  }
0x21b: {  	v36 =	vadd.s32 v1, v20;
	v33 =	vadd.f32 v33, v34  }
0x21c: {  	s8 =	sadd.s32 $0x100, s4;
	v35 =	vadd.s32 v1, v21;
	v32 =	vadd.f32 v32, v22  }
0x21d: {  	v29 =	vld.idx.msk [tilespmem:v29+s15+$0x0], $0xffff;
	[tilespmem:s8+$0x0] =	vst v33  }
0x21e: {  	v33 =	vld [tilespmem:s9+$0x10];
	[tilespmem:s8+$0xFFFFFF80] =	vst v32  }
0x21f: {  	v32 =	vld [tilespmem:s9+$0xFFFFFF90]  }
0x220: {  	v24 =	vadd.f32 v24, v31;
	v26 =	vmul.f32 v26, v15;
	v39 =	vld.idx.msk [tilespmem:v36+s15+$0x0], $0xffff  }
0x221: {  	v40 =	vadd.s32 v2, v14;
	v38 =	vld.idx.msk [tilespmem:v35+s15+$0x0], $0xffff  }
0x222: {  	v19 =	vld.idx.msk [tilespmem:v19+s15+$0x0], $0xffff;
	v28 =	vmul.f32 v28, v10;
	[tilespmem:s4+$0xFFFFFF90] =	vst v24;
	v23 =	vadd.f32 v23, v26  }
0x223: {  	v41 =	vld [tilespmem:s0+$0xFFFFFFA0];
	v43 =	vmul.f32 v33, v17  }
0x224: {  	v30 =	vld.idx.msk [tilespmem:v30+s15+$0x0], $0xffff;
	v27 =	vadd.f32 v27, v28;
	[tilespmem:s4+$0x10] =	vst v23;
	v42 =	vmul.f32 v32, v18  }
0x225: {  	v47 =	vadd.s32 v2, v20;
	v44 =	vld [tilespmem:s0+$0x20];
	v23 =	vadd.f32 v39, v43  }
0x226: {  	v24 =	vld.idx.msk [tilespmem:v40+s15+$0x0], $0xffff;
	[tilespmem:s29+$0xFFFFFFD0] =	vst v27;
	v45 =	vadd.s32 v2, v21;
	v28 =	vadd.f32 v38, v42  }
0x227: {  	v48 =	vadd.s32 v6, v11;
	v46 =	vld [tilespmem:s30+$0xFFFFFFE0];
	[tilespmem:s8+$0x10] =	vst v23  }
0x228: {  	v49 =	vmul.f32 v41, v13;
	v50 =	vld [tilespmem:s9+$0x20];
	[tilespmem:s8+$0xFFFFFF90] =	vst v28  }
0x229: {  	v25 =	vmul.f32 v25, v9;
	v28 =	vld [tilespmem:s9+$0xFFFFFFA0]  }
0x22a: {  	v51 =	vadd.s32 v3, v16;
	v23 =	vadd.f32 v30, v49;
	v53 =	vld.idx.msk [tilespmem:v47+s15+$0x0], $0xffff  }
0x22b: {  	v25 =	vadd.f32 v29, v25;
	v52 =	vmul.f32 v44, v15;
	v27 =	vld.idx.msk [tilespmem:v45+s15+$0x0], $0xffff  }
0x22c: {  	v55 =	vadd.s32 v3, v14;
	v54 =	vld.idx.msk [tilespmem:v48+s15+$0x0], $0xffff;
	[tilespmem:s4+$0xFFFFFFA0] =	vst v23  }
0x22d: {  	[tilespmem:s29+$0x40] =	vst v25;
	v57 =	vadd.f32 v24, v52;
	v59 =	vld [tilespmem:s0+$0xFFFFFFB0];
	v26 =	vmul.f32 v50, v17  }
0x22e: {  	v56 =	vld [tilespmem:s30+$0x50];
	v58 =	vmul.f32 v28, v18  }
0x22f: {  	v62 =	vadd.s32 v3, v20;
	[tilespmem:s4+$0x20] =	vst v57;
	v29 =	vld.idx.msk [tilespmem:v51+s15+$0x0], $0xffff;
	v26 =	vadd.f32 v53, v26  }
0x230: {  	v60 =	vadd.s32 v3, v21;
	v61 =	vld [tilespmem:s0+$0x30];
	v24 =	vadd.f32 v27, v58  }
0x231: {  	v25 =	vld.idx.msk [tilespmem:v55+s15+$0x0], $0xffff;
	[tilespmem:s8+$0x20] =	vst v26  }
0x232: {  	v38 =	vmul.f32 v59, v13;
	v39 =	vld [tilespmem:s9+$0x30];
	[tilespmem:s8+$0xFFFFFFA0] =	vst v24  }
0x233: {  	v63 =	vadd.s32 v5, v12;
	v37 =	vld [tilespmem:s9+$0xFFFFFFB0]  }
0x234: {  	v40 =	vadd.s32 v4, v16;
	v26 =	vadd.f32 v29, v38;
	v41 =	vld.idx.msk [tilespmem:v62+s15+$0x0], $0xffff  }
0x235: {  	v27 =	vmul.f32 v61, v15;
	v23 =	vld.idx.msk [tilespmem:v60+s15+$0x0], $0xffff  }
0x236: {  	v36 =	vmul.f32 v46, v10;
	v22 =	vld [tilespmem:s13+$0x70];
	v43 =	vadd.s32 v4, v14;
	[tilespmem:s4+$0xFFFFFFB0] =	vst v26  }
0x237: {  	v45 =	vld [tilespmem:s0+$0xFFFFFFC0];
	v25 =	vadd.f32 v25, v27;
	v28 =	vmul.f32 v39, v17  }
0x238: {  	v42 =	vld.idx.msk [tilespmem:v63+s15+$0x0], $0xffff;
	v24 =	vadd.f32 v54, v36;
	v44 =	vmul.f32 v37, v18  }
0x239: {  	v49 =	vadd.s32 v4, v20;
	v46 =	vld.idx.msk [tilespmem:v40+s15+$0x0], $0xffff;
	[tilespmem:s4+$0x30] =	vst v25;
	v28 =	vadd.f32 v41, v28  }
0x23a: {  	v47 =	vadd.s32 v4, v21;
	[tilespmem:s29+$0xFFFFFFE0] =	vst v24;
	v48 =	vld [tilespmem:s0+$0x40];
	v23 =	vadd.f32 v23, v44  }
0x23b: {  	v50 =	vmul.f32 v56, v9;
	v24 =	vld.idx.msk [tilespmem:v43+s15+$0x0], $0xffff;
	[tilespmem:s8+$0x30] =	vst v28  }
0x23c: {  	v27 =	vmul.f32 v45, v13;
	v54 =	vld [tilespmem:s9+$0x40];
	[tilespmem:s8+$0xFFFFFFB0] =	vst v23  }
0x23d: {  	v55 =	vadd.s32 v5, v16;
	v53 =	vadd.f32 v42, v50;
	v52 =	vld [tilespmem:s9+$0xFFFFFFC0]  }
0x23e: {  	v51 =	vadd.s32 v6, v12;
	v27 =	vadd.f32 v46, v27;
	v56 =	vld.idx.msk [tilespmem:v49+s15+$0x0], $0xffff  }
0x23f: {  	[tilespmem:s29+$0x50] =	vst v53;
	v26 =	vmul.f32 v48, v15;
	v25 =	vld.idx.msk [tilespmem:v47+s15+$0x0], $0xffff  }
0x240: {  	v57 =	vld [tilespmem:s30+$0x60];
	v58 =	vadd.s32 v5, v14;
	[tilespmem:s4+$0xFFFFFFC0] =	vst v27  }
0x241: {  	v27 =	vld [tilespmem:s0+$0xFFFFFFD0];
	v24 =	vadd.f32 v24, v26;
	v30 =	vmul.f32 v54, v17  }
0x242: {  	v33 =	vld.idx.msk [tilespmem:v55+s15+$0x0], $0xffff;
	v59 =	vmul.f32 v52, v18  }
0x243: {  	v62 =	vadd.s32 v5, v20;
	v23 =	vld.idx.msk [tilespmem:v51+s15+$0x0], $0xffff;
	[tilespmem:s4+$0x40] =	vst v24;
	v28 =	vadd.f32 v56, v30  }
0x244: {  	v60 =	vadd.s32 v5, v21;
	v61 =	vld [tilespmem:s0+$0x50];
	v25 =	vadd.f32 v25, v59  }
0x245: {  	v31 =	vld.idx.msk [tilespmem:v58+s15+$0x0], $0xffff;
	[tilespmem:s8+$0x40] =	vst v28  }
0x246: {  	v45 =	vadd.s32 v7, v11;
	v28 =	vld [tilespmem:s9+$0x50];
	[tilespmem:s8+$0xFFFFFFC0] =	vst v25  }
0x247: {  	v27 =	vmul.f32 v27, v13;
	v25 =	vld [tilespmem:s9+$0xFFFFFFD0]  }
0x248: {  	v63 =	vadd.s32 v6, v16;
	v37 =	vld.idx.msk [tilespmem:v62+s15+$0x0], $0xffff  }
0x249: {  	v36 =	vadd.f32 v33, v27;
	v26 =	vmul.f32 v61, v15;
	v24 =	vld.idx.msk [tilespmem:v60+s15+$0x0], $0xffff  }
0x24a: {  	v29 =	vmul.f32 v57, v9;
	v39 =	vadd.s32 v6, v14;
	v32 =	vld [tilespmem:s30+$0xFFFFFFF0]  }
0x24b: {  	v11 =	vld.idx.msk [tilespmem:v45+s15+$0x0], $0xffff;
	[tilespmem:s4+$0xFFFFFFD0] =	vst v36;
	v40 =	vadd.f32 v31, v26;
	v28 =	vmul.f32 v28, v17  }
0x24c: {  	v44 =	vadd.s32 v6, v20;
	v41 =	vld [tilespmem:s0+$0xFFFFFFE0];
	v25 =	vmul.f32 v25, v18  }
0x24d: {  	v23 =	vadd.f32 v23, v29;
	v29 =	vld.idx.msk [tilespmem:v63+s15+$0x0], $0xffff;
	[tilespmem:s4+$0x50] =	vst v40;
	v27 =	vadd.f32 v37, v28  }
0x24e: {  	v42 =	vadd.s32 v6, v21;
	v43 =	vld [tilespmem:s0+$0x60];
	v24 =	vadd.f32 v24, v25  }
0x24f: {  	v46 =	vld.idx.msk [tilespmem:v39+s15+$0x0], $0xffff;
	[tilespmem:s8+$0x50] =	vst v27  }
0x250: {  	v47 =	vadd.s32 v7, v12;
	v27 =	vld [tilespmem:s9+$0x60];
	[tilespmem:s8+$0xFFFFFFD0] =	vst v24  }
0x251: {  	v26 =	vmul.f32 v41, v13;
	v24 =	vld [tilespmem:s9+$0xFFFFFFE0]  }
0x252: {  	v48 =	vadd.s32 v7, v16;
	v28 =	vld.idx.msk [tilespmem:v44+s15+$0x0], $0xffff  }
0x253: {  	[tilespmem:s29+$0x60] =	vst v23;
	v26 =	vadd.f32 v29, v26;
	v25 =	vmul.f32 v43, v15;
	v23 =	vld.idx.msk [tilespmem:v42+s15+$0x0], $0xffff  }
0x254: {  	v49 =	vadd.s32 v7, v14;
	v38 =	vld [tilespmem:s30+$0x70]  }
0x255: {  	v12 =	vld.idx.msk [tilespmem:v47+s15+$0x0], $0xffff;
	[tilespmem:s4+$0xFFFFFFE0] =	vst v26;
	v25 =	vadd.f32 v46, v25;
	v27 =	vmul.f32 v27, v17  }
0x256: {  	v26 =	vld [tilespmem:s0+$0xFFFFFFF0];
	v24 =	vmul.f32 v24, v18  }
0x257: {  	v20 =	vadd.s32 v7, v20;
	v16 =	vld.idx.msk [tilespmem:v48+s15+$0x0], $0xffff;
	[tilespmem:s4+$0x60] =	vst v25;
	v51 =	vadd.f32 v28, v27  }
0x258: {  	v21 =	vadd.s32 v7, v21;
	v50 =	vld [tilespmem:s0+$0x70];
	v23 =	vadd.f32 v23, v24  }
0x259: {  	v8 =	vmul.f32 v22, v8;
	v14 =	vld.idx.msk [tilespmem:v49+s15+$0x0], $0xffff;
	[tilespmem:s8+$0x60] =	vst v51  }
0x25a: {  	v54 =	vld [tilespmem:s9+$0x70];
	[tilespmem:s8+$0xFFFFFFE0] =	vst v23  }
0x25b: {  	v8 =	vadd.f32 v19, v8;
	v55 =	vmul.f32 v38, v9;
	v52 =	vld [tilespmem:s9+$0xFFFFFFF0]  }
0x25c: {  	v53 =	vmul.f32 v32, v10;
	v58 =	vld.idx.msk [tilespmem:v20+s15+$0x0], $0xffff  }
0x25d: {  	[tilespmem:s28+$0x70] =	vst v8;
	v8 =	vadd.f32 v12, v55;
	v59 =	vmul.f32 v50, v15;
	v56 =	vld.idx.msk [tilespmem:v21+s15+$0x0], $0xffff  }
0x25e: {  	v10 =	vadd.f32 v11, v53;
	v57 =	vmul.f32 v26, v13  }
0x25f: {  	[tilespmem:s29+$0x70] =	vst v8;
	v8 =	vadd.f32 v14, v59;
	v62 =	vmul.f32 v54, v17  }
0x260: {  	[tilespmem:s29+$0xFFFFFFF0] =	vst v10;
	v60 =	vadd.f32 v16, v57;
	v61 =	vmul.f32 v52, v18  }
.Ltmp7:
0x261: {  	[tilespmem:s4+$0x70] =	vst v8;
	v8 =	vadd.f32 v58, v62;
	(pc) =	sbr.rel .LBB2_8-.Ltmp7, $4  }
0x262: {  	s31 =	smul.u32 $0xA00, s26;
	[tilespmem:s4+$0xFFFFFFF0] =	vst v60;
	v63 =	vadd.f32 v56, v61  }
0x263: {  	[tilespmem:s8+$0x70] =	vst v8  }
0x264: {  	s0 =	sadd.s32 s5, s31;
	[tilespmem:s8+$0xFFFFFFF0] =	vst v63  }
0x265: {  	[hbm4b:s0+s7] =	stream.linear.scatter [tilespmem:s22], [sflag:$0x4], $0x5000, $0x38;
	[tilespmem:$0x1E880] =	vst v63  }
.LBB2_10:
0x266: {  	_ =	sfence.sel $0x180000  }
0x267: {  	[bflag:$0x0] =	sbarrier.arrive $0xFFFF  }
0x268: {  	_ =	strace $0x9000004A  }
0x269: {  	s0 =	stileid.u32;
	[bflag:$0x2] =	sbarrier.arrive $0xFFFF  }
0x26a: {  	p0 =	sne.s32 s0, $0x0;
	s0 =	rddreg [dreg:$0x5]  }
0x26b: {  	s0 =	sadd.s32 @!p0 $0x100000, s0  }
0x26c: {  	[sflag:s0] =	ssyncadd.tile.s32 @!p0 $0x1;
	_ =	shalt  }
.Lfunc_end2:
_tile_overlayer_lowered:
.L_overlay_start_2:
0x26d: {  	(tag) =	ssettag $0x2  }
0x26e: {  	s0 =	rddreg [dreg:$0x0];
	s2 =	stileid.u32  }
0x26f: {  	s1 =	rddreg [dreg:$0x1];
	p0 =	sne.s32 s2, $0x0  }
0x270: {  	s3 =	rddreg [dreg:$0x2];
	[bflag:$0x3] =	sbarrier.arrive $0xFFFF;
	s2 =	simm.s32 @!p0 $0x1C05  }
0x271: {  	[timem:s3], [sflag:s2] =	dma.local @!p0 [hbm:s0], s1  }
0x272: {  	s0 =	simm.s32 @!p0 $0x5  }
0x273: {  	_ =	swait.ge @!p0 [sflag:s0], s1  }
0x274: {  	s1 =	ssub.s32 @!p0 $0x0, s1;
	[sflag:s0] =	ssyncset.done @!p0 $0x0  }
0x275: {  	[sflag:s0] =	ssyncadd.s32 @!p0 s1  }
0x276: {  	[bflag:$0x3] =	sbarrier.arrive $0xFFFF  }
0x277: {  	_ =	shalt  }

</sc_bundles>
